<compile_context>
chip_gen: v7x
topology: tpu7x:2x2x1
jax: 0.10.2.dev20260603
libtpu: 0.0.44.dev20260713+nightly
codegen_flags: <defaults>
</compile_context>

<pallas_src>
import jax
import jax.numpy as jnp
from jax import lax
from jax.experimental import pallas as pl
from jax.experimental.pallas import tpu as pltpu
from jax.experimental.pallas import tpu_sc as plsc

VOCAB = 1_000_000
SEQ = 200
D = 64
BATCH = 4096

NC, NS = 2, 16
NW = NC * NS
L = 16
B_TOTAL = BATCH * SEQ
B_PER_W = B_TOTAL // NW
U = 128
N_UNITS = B_PER_W // U
POS_TILE = 3200
NFILL = POS_TILE // U
NQ = 4
NB = 2


def _emb_kernel(idx_hbm, table_hbm, pos_hbm, out_hbm, idx_v, buf_v, out_v,
                in_s0, in_s1, in_s2, in_s3, g_s0, g_s1,
                o_s0, o_s1, o_s2, o_s3):
    in_sem = (in_s0, in_s1, in_s2, in_s3)
    g_sem = (g_s0, g_s1)
    out_sem = (o_s0, o_s1, o_s2, o_s3)
    wid = lax.axis_index("s") * NC + lax.axis_index("c")
    base = wid * B_PER_W

    def in_descs(u, q):
        row0 = base + u * U
        pos0 = lax.rem(u, NFILL) * U
        return (
            pltpu.make_async_copy(
                idx_hbm.at[pl.ds(row0, U)], idx_v.at[q], in_sem[q]),
            pltpu.make_async_copy(
                pos_hbm.at[pl.ds(pos0, U)], out_v.at[q], in_sem[q]),
        )

    def gather_desc(q, a):
        return pltpu.make_async_copy(
            table_hbm.at[idx_v.at[q]], buf_v.at[a], g_sem[a])

    def out_desc(u, q):
        row0 = base + u * U
        return pltpu.make_async_copy(
            out_v.at[q], out_hbm.at[pl.ds(row0, U)], out_sem[q])

    def add_low_halves(q, a):
        def rbody(i, _):
            for uu in range(4):
                r = i * 4 + uu
                for k in range(D // L):
                    plsc.addupdate(
                        out_v.at[q, r, pl.ds(k * L, L)],
                        buf_v[a, r, pl.ds(k * L, L)],
                    )
            return _
        lax.fori_loop(0, U // 4, rbody, None)

    def start_in(u, q):
        for d in in_descs(u, q):
            d.start()

    def wait_in(u, q):
        for d in in_descs(u, q):
            d.wait()

    for up in range(3):
        start_in(up, up)
    wait_in(0, 0)
    gather_desc(0, 0).start()
    wait_in(1, 1)
    gather_desc(1, 1).start()

    def unit_step(u, q, a):
        gather_desc(q, a).wait()
        add_low_halves(q, a)
        out_desc(u, q).start()

        @pl.when(u + 2 < N_UNITS)
        def _():
            wait_in(u + 2, (q + 2) % NQ)
            gather_desc((q + 2) % NQ, a).start()

        @pl.when((u + 3 < N_UNITS) & (u >= 1))
        def _():
            out_desc(u - 1, (q + 3) % NQ).wait()
            start_in(u + 3, (q + 3) % NQ)

        @pl.when((u + 3 < N_UNITS) & (u < 1))
        def _():
            start_in(u + 3, (q + 3) % NQ)

    def body(i, _):
        for uu in range(NQ):
            u = i * NQ + uu
            unit_step(u, uu, uu % NB)
        return _

    lax.fori_loop(0, N_UNITS // NQ, body, None)
    for ut in range(N_UNITS - 4, N_UNITS):
        out_desc(ut, ut % NQ).wait()


@jax.jit
def _embed(idx_flat, table_padded, pos_tiled):
    mesh = plsc.VectorSubcoreMesh(
        core_axis_name="c", subcore_axis_name="s", num_cores=NC, num_subcores=NS
    )
    fn = pl.kernel(
        _emb_kernel,
        out_type=jax.ShapeDtypeStruct((B_TOTAL, D), jnp.float32),
        mesh=mesh,
        scratch_types=[
            pltpu.VMEM((NQ, U), jnp.int32),
            pltpu.VMEM((NB, U, 2 * D), jnp.float32),
            pltpu.VMEM((NQ, U, D), jnp.float32),
            pltpu.SemaphoreType.DMA,
            pltpu.SemaphoreType.DMA,
            pltpu.SemaphoreType.DMA,
            pltpu.SemaphoreType.DMA,
            pltpu.SemaphoreType.DMA,
            pltpu.SemaphoreType.DMA,
            pltpu.SemaphoreType.DMA,
            pltpu.SemaphoreType.DMA,
            pltpu.SemaphoreType.DMA,
            pltpu.SemaphoreType.DMA,
        ],
    )
    return fn(idx_flat, table_padded, pos_tiled)


def kernel(inputs, token_table, pos_table):
    idx_flat = inputs.astype(jnp.int32).reshape(B_TOTAL)
    table_padded = jnp.pad(token_table.astype(jnp.float32), ((0, 0), (0, D)))
    pos_tiled = jnp.tile(pos_table.astype(jnp.float32), (POS_TILE // SEQ, 1))
    out = _embed(idx_flat, table_padded, pos_tiled)
    return out.reshape(BATCH, SEQ, D)

# --- scband reference (transcript-rebuilt; emitter-appended) ---
"""Pipeline reference for scband-positional-embedding-1563368096471 (READ-ONLY COPY).

The authoritative reference and input builder live on the scoring server;
editing this copy changes nothing except your own understanding.
"""

import jax, jax.numpy as jnp
import numpy as np

VOCAB_SIZE = 1000000
SEQ_LEN = 200
EMBED_DIM = 64
BATCH = 4096


def setup_inputs(seed: int = 0) -> dict:
    key = jax.random.key(seed)
    k1, k2, k3 = jax.random.split(key, 3)
    inputs = jax.random.randint(k1, (BATCH, SEQ_LEN), 0, VOCAB_SIZE, dtype=jnp.int64 if jax.config.jax_enable_x64 else jnp.int32)
    token_table = jax.random.normal(k2, (VOCAB_SIZE, EMBED_DIM), dtype=jnp.float32) * 0.02
    pos_table = jax.random.normal(k3, (SEQ_LEN, EMBED_DIM), dtype=jnp.float32) * 0.02
    return {"inputs": inputs, "token_table": token_table, "pos_table": pos_table}


def reference(inputs, token_table, pos_table):
    # PositionalEmbedding.call:
    #   length = inputs.shape[-1]
    #   positions = range(0, length)
    #   embedded_tokens = token_embeddings(inputs)
    #   embedded_positions = position_embeddings(positions)
    #   return embedded_tokens + embedded_positions
    length = inputs.shape[-1]
    positions = jnp.arange(0, length)
    embedded_tokens = jnp.take(token_table, inputs, axis=0)
    embedded_positions = jnp.take(pos_table, positions, axis=0)
    return embedded_tokens + embedded_positions[None, :, :]

if __name__ == "__main__":
    import jax
    _d = setup_inputs()
    print(jax.jit(kernel)(*tuple(_d.values())))

</pallas_src>

<mosaic_0001>
#map = affine_map<(d0, d1) -> (0)>
#map1 = affine_map<(d0, d1) -> (0, 0)>
module attributes {stable_mosaic.version = 14 : i64} {
  func.func @_emb_kernel(%arg0: i32, %arg1: i32, %arg2: memref<819200xi32, #tpu.memory_space<hbm>>, %arg3: memref<1000000x128xf32, #tpu.memory_space<hbm>>, %arg4: memref<3200x64xf32, #tpu.memory_space<hbm>>, %arg5: memref<819200x64xf32, #tpu.memory_space<hbm>>, %arg6: memref<4x128xi32, #tpu.memory_space<vmem>>, %arg7: memref<2x128x128xf32, #tpu.memory_space<vmem>>, %arg8: memref<4x128x64xf32, #tpu.memory_space<vmem>>, %arg9: memref<!tpu.dma_semaphore, #tpu.memory_space<semaphore_mem>>, %arg10: memref<!tpu.dma_semaphore, #tpu.memory_space<semaphore_mem>>, %arg11: memref<!tpu.dma_semaphore, #tpu.memory_space<semaphore_mem>>, %arg12: memref<!tpu.dma_semaphore, #tpu.memory_space<semaphore_mem>>, %arg13: memref<!tpu.dma_semaphore, #tpu.memory_space<semaphore_mem>>, %arg14: memref<!tpu.dma_semaphore, #tpu.memory_space<semaphore_mem>>, %arg15: memref<!tpu.dma_semaphore, #tpu.memory_space<semaphore_mem>>, %arg16: memref<!tpu.dma_semaphore, #tpu.memory_space<semaphore_mem>>, %arg17: memref<!tpu.dma_semaphore, #tpu.memory_space<semaphore_mem>>, %arg18: memref<!tpu.dma_semaphore, #tpu.memory_space<semaphore_mem>>) attributes {dimension_semantics = [#tpu.dimension_semantics<core_parallel>, #tpu.dimension_semantics<subcore_parallel>], iteration_bounds = array<i64: 2, 16>, scalar_prefetch = 0 : i64, scratch_operands = 13 : i64, tpu.core_type = #tpu.core_type<sc_vector_subcore>, window_params = [{transform_indices = #map}, {transform_indices = #map1}, {transform_indices = #map1}, {transform_indices = #map1}]} {
    %mul3A = arith.constant 2 : i32
    %mul3A_0 = arith.muli %arg1, %mul3A : i32
    %add3A = arith.addi %mul3A_0, %arg0 : i32
    %mul3A_1 = arith.constant 25600 : i32
    %mul3A_2 = arith.muli %add3A, %mul3A_1 : i32
    %add3A_3 = arith.constant 0 : i32
    %add3A_4 = arith.addi %mul3A_2, %add3A_3 : i32
    %rem3A = arith.constant 0 : i32
    %rem3A_5 = arith.constant 25 : i32
    %rem3A_6 = arith.remsi %rem3A, %rem3A_5 : i32
    %mul3A_7 = arith.constant 128 : i32
    %mul3A_8 = arith.muli %rem3A_6, %mul3A_7 : i32
    %dma_start3A = arith.constant 0 : i32
    %dma_start3A_9 = arith.constant 0 : i32
    %dma_start3A_10 = tpu.memref_slice %arg6[%dma_start3A, %dma_start3A_9] : memref<4x128xi32, #tpu.memory_space<vmem>> -> memref<1x128xi32, #tpu.memory_space<vmem>>
    %dma_start3A_11 = tpu.memref_squeeze %dma_start3A_10 : memref<1x128xi32, #tpu.memory_space<vmem>> -> memref<128xi32, #tpu.memory_space<vmem>>
    %dma_start3A_12 = tpu.memref_slice %arg2[%add3A_4] : memref<819200xi32, #tpu.memory_space<hbm>> -> memref<128xi32, #tpu.memory_space<hbm>>
    %dma_start3A_13 = arith.constant 0 : i32
    %dma_start3A_14 = tpu.memref_slice %arg6[%dma_start3A, %dma_start3A_13] : memref<4x128xi32, #tpu.memory_space<vmem>> -> memref<1x128xi32, #tpu.memory_space<vmem>>
    %dma_start3A_15 = tpu.memref_squeeze %dma_start3A_14 : memref<1x128xi32, #tpu.memory_space<vmem>> -> memref<128xi32, #tpu.memory_space<vmem>>
    %dma_start3A_16 = tpu.memref_slice %arg2[%add3A_4] : memref<819200xi32, #tpu.memory_space<hbm>> -> memref<128xi32, #tpu.memory_space<hbm>>
    tpu.enqueue_dma source(%dma_start3A_16 : memref<128xi32, #tpu.memory_space<hbm>>) target(%dma_start3A_15 : memref<128xi32, #tpu.memory_space<vmem>>) target_semaphore(%arg9 : memref<!tpu.dma_semaphore, #tpu.memory_space<semaphore_mem>>)
    %dma_start3A_17 = arith.constant 0 : i32
    %dma_start3A_18 = arith.constant 0 : i32
    %dma_start3A_19 = arith.constant 0 : i32
    %dma_start3A_20 = tpu.memref_slice %arg8[%dma_start3A_17, %dma_start3A_18, %dma_start3A_19] : memref<4x128x64xf32, #tpu.memory_space<vmem>> -> memref<1x128x64xf32, #tpu.memory_space<vmem>>
    %dma_start3A_21 = tpu.memref_squeeze %dma_start3A_20 : memref<1x128x64xf32, #tpu.memory_space<vmem>> -> memref<128x64xf32, #tpu.memory_space<vmem>>
    %dma_start3A_22 = arith.constant 0 : i32
    %dma_start3A_23 = tpu.memref_slice %arg4[%mul3A_8, %dma_start3A_22] : memref<3200x64xf32, #tpu.memory_space<hbm>> -> memref<128x64xf32, #tpu.memory_space<hbm>>
    %dma_start3A_24 = arith.constant 0 : i32
    %dma_start3A_25 = arith.constant 0 : i32
    %dma_start3A_26 = tpu.memref_slice %arg8[%dma_start3A_17, %dma_start3A_24, %dma_start3A_25] : memref<4x128x64xf32, #tpu.memory_space<vmem>> -> memref<1x128x64xf32, #tpu.memory_space<vmem>>
    %dma_start3A_27 = tpu.memref_squeeze %dma_start3A_26 : memref<1x128x64xf32, #tpu.memory_space<vmem>> -> memref<128x64xf32, #tpu.memory_space<vmem>>
    %dma_start3A_28 = arith.constant 0 : i32
    %dma_start3A_29 = tpu.memref_slice %arg4[%mul3A_8, %dma_start3A_28] : memref<3200x64xf32, #tpu.memory_space<hbm>> -> memref<128x64xf32, #tpu.memory_space<hbm>>
    tpu.enqueue_dma source(%dma_start3A_29 : memref<128x64xf32, #tpu.memory_space<hbm>>) target(%dma_start3A_27 : memref<128x64xf32, #tpu.memory_space<vmem>>) target_semaphore(%arg9 : memref<!tpu.dma_semaphore, #tpu.memory_space<semaphore_mem>>)
    %add3A_30 = arith.constant 128 : i32
    %add3A_31 = arith.addi %mul3A_2, %add3A_30 : i32
    %rem3A_32 = arith.constant 1 : i32
    %rem3A_33 = arith.constant 25 : i32
    %rem3A_34 = arith.remsi %rem3A_32, %rem3A_33 : i32
    %mul3A_35 = arith.constant 128 : i32
    %mul3A_36 = arith.muli %rem3A_34, %mul3A_35 : i32
    %dma_start3A_37 = arith.constant 1 : i32
    %dma_start3A_38 = arith.constant 0 : i32
    %dma_start3A_39 = tpu.memref_slice %arg6[%dma_start3A_37, %dma_start3A_38] : memref<4x128xi32, #tpu.memory_space<vmem>> -> memref<1x128xi32, #tpu.memory_space<vmem>>
    %dma_start3A_40 = tpu.memref_squeeze %dma_start3A_39 : memref<1x128xi32, #tpu.memory_space<vmem>> -> memref<128xi32, #tpu.memory_space<vmem>>
    %dma_start3A_41 = tpu.memref_slice %arg2[%add3A_31] : memref<819200xi32, #tpu.memory_space<hbm>> -> memref<128xi32, #tpu.memory_space<hbm>>
    %dma_start3A_42 = arith.constant 0 : i32
    %dma_start3A_43 = tpu.memref_slice %arg6[%dma_start3A_37, %dma_start3A_42] : memref<4x128xi32, #tpu.memory_space<vmem>> -> memref<1x128xi32, #tpu.memory_space<vmem>>
    %dma_start3A_44 = tpu.memref_squeeze %dma_start3A_43 : memref<1x128xi32, #tpu.memory_space<vmem>> -> memref<128xi32, #tpu.memory_space<vmem>>
    %dma_start3A_45 = tpu.memref_slice %arg2[%add3A_31] : memref<819200xi32, #tpu.memory_space<hbm>> -> memref<128xi32, #tpu.memory_space<hbm>>
    tpu.enqueue_dma source(%dma_start3A_45 : memref<128xi32, #tpu.memory_space<hbm>>) target(%dma_start3A_44 : memref<128xi32, #tpu.memory_space<vmem>>) target_semaphore(%arg10 : memref<!tpu.dma_semaphore, #tpu.memory_space<semaphore_mem>>)
    %dma_start3A_46 = arith.constant 1 : i32
    %dma_start3A_47 = arith.constant 0 : i32
    %dma_start3A_48 = arith.constant 0 : i32
    %dma_start3A_49 = tpu.memref_slice %arg8[%dma_start3A_46, %dma_start3A_47, %dma_start3A_48] : memref<4x128x64xf32, #tpu.memory_space<vmem>> -> memref<1x128x64xf32, #tpu.memory_space<vmem>>
    %dma_start3A_50 = tpu.memref_squeeze %dma_start3A_49 : memref<1x128x64xf32, #tpu.memory_space<vmem>> -> memref<128x64xf32, #tpu.memory_space<vmem>>
    %dma_start3A_51 = arith.constant 0 : i32
    %dma_start3A_52 = tpu.memref_slice %arg4[%mul3A_36, %dma_start3A_51] : memref<3200x64xf32, #tpu.memory_space<hbm>> -> memref<128x64xf32, #tpu.memory_space<hbm>>
    %dma_start3A_53 = arith.constant 0 : i32
    %dma_start3A_54 = arith.constant 0 : i32
    %dma_start3A_55 = tpu.memref_slice %arg8[%dma_start3A_46, %dma_start3A_53, %dma_start3A_54] : memref<4x128x64xf32, #tpu.memory_space<vmem>> -> memref<1x128x64xf32, #tpu.memory_space<vmem>>
    %dma_start3A_56 = tpu.memref_squeeze %dma_start3A_55 : memref<1x128x64xf32, #tpu.memory_space<vmem>> -> memref<128x64xf32, #tpu.memory_space<vmem>>
    %dma_start3A_57 = arith.constant 0 : i32
    %dma_start3A_58 = tpu.memref_slice %arg4[%mul3A_36, %dma_start3A_57] : memref<3200x64xf32, #tpu.memory_space<hbm>> -> memref<128x64xf32, #tpu.memory_space<hbm>>
    tpu.enqueue_dma source(%dma_start3A_58 : memref<128x64xf32, #tpu.memory_space<hbm>>) target(%dma_start3A_56 : memref<128x64xf32, #tpu.memory_space<vmem>>) target_semaphore(%arg10 : memref<!tpu.dma_semaphore, #tpu.memory_space<semaphore_mem>>)
    %add3A_59 = arith.constant 256 : i32
    %add3A_60 = arith.addi %mul3A_2, %add3A_59 : i32
    %rem3A_61 = arith.constant 2 : i32
    %rem3A_62 = arith.constant 25 : i32
    %rem3A_63 = arith.remsi %rem3A_61, %rem3A_62 : i32
    %mul3A_64 = arith.constant 128 : i32
    %mul3A_65 = arith.muli %rem3A_63, %mul3A_64 : i32
    %dma_start3A_66 = arith.constant 2 : i32
    %dma_start3A_67 = arith.constant 0 : i32
    %dma_start3A_68 = tpu.memref_slice %arg6[%dma_start3A_66, %dma_start3A_67] : memref<4x128xi32, #tpu.memory_space<vmem>> -> memref<1x128xi32, #tpu.memory_space<vmem>>
    %dma_start3A_69 = tpu.memref_squeeze %dma_start3A_68 : memref<1x128xi32, #tpu.memory_space<vmem>> -> memref<128xi32, #tpu.memory_space<vmem>>
    %dma_start3A_70 = tpu.memref_slice %arg2[%add3A_60] : memref<819200xi32, #tpu.memory_space<hbm>> -> memref<128xi32, #tpu.memory_space<hbm>>
    %dma_start3A_71 = arith.constant 0 : i32
    %dma_start3A_72 = tpu.memref_slice %arg6[%dma_start3A_66, %dma_start3A_71] : memref<4x128xi32, #tpu.memory_space<vmem>> -> memref<1x128xi32, #tpu.memory_space<vmem>>
    %dma_start3A_73 = tpu.memref_squeeze %dma_start3A_72 : memref<1x128xi32, #tpu.memory_space<vmem>> -> memref<128xi32, #tpu.memory_space<vmem>>
    %dma_start3A_74 = tpu.memref_slice %arg2[%add3A_60] : memref<819200xi32, #tpu.memory_space<hbm>> -> memref<128xi32, #tpu.memory_space<hbm>>
    tpu.enqueue_dma source(%dma_start3A_74 : memref<128xi32, #tpu.memory_space<hbm>>) target(%dma_start3A_73 : memref<128xi32, #tpu.memory_space<vmem>>) target_semaphore(%arg11 : memref<!tpu.dma_semaphore, #tpu.memory_space<semaphore_mem>>)
    %dma_start3A_75 = arith.constant 2 : i32
    %dma_start3A_76 = arith.constant 0 : i32
    %dma_start3A_77 = arith.constant 0 : i32
    %dma_start3A_78 = tpu.memref_slice %arg8[%dma_start3A_75, %dma_start3A_76, %dma_start3A_77] : memref<4x128x64xf32, #tpu.memory_space<vmem>> -> memref<1x128x64xf32, #tpu.memory_space<vmem>>
    %dma_start3A_79 = tpu.memref_squeeze %dma_start3A_78 : memref<1x128x64xf32, #tpu.memory_space<vmem>> -> memref<128x64xf32, #tpu.memory_space<vmem>>
    %dma_start3A_80 = arith.constant 0 : i32
    %dma_start3A_81 = tpu.memref_slice %arg4[%mul3A_65, %dma_start3A_80] : memref<3200x64xf32, #tpu.memory_space<hbm>> -> memref<128x64xf32, #tpu.memory_space<hbm>>
    %dma_start3A_82 = arith.constant 0 : i32
    %dma_start3A_83 = arith.constant 0 : i32
    %dma_start3A_84 = tpu.memref_slice %arg8[%dma_start3A_75, %dma_start3A_82, %dma_start3A_83] : memref<4x128x64xf32, #tpu.memory_space<vmem>> -> memref<1x128x64xf32, #tpu.memory_space<vmem>>
    %dma_start3A_85 = tpu.memref_squeeze %dma_start3A_84 : memref<1x128x64xf32, #tpu.memory_space<vmem>> -> memref<128x64xf32, #tpu.memory_space<vmem>>
    %dma_start3A_86 = arith.constant 0 : i32
    %dma_start3A_87 = tpu.memref_slice %arg4[%mul3A_65, %dma_start3A_86] : memref<3200x64xf32, #tpu.memory_space<hbm>> -> memref<128x64xf32, #tpu.memory_space<hbm>>
    tpu.enqueue_dma source(%dma_start3A_87 : memref<128x64xf32, #tpu.memory_space<hbm>>) target(%dma_start3A_85 : memref<128x64xf32, #tpu.memory_space<vmem>>) target_semaphore(%arg11 : memref<!tpu.dma_semaphore, #tpu.memory_space<semaphore_mem>>)
    %add3A_88 = arith.constant 0 : i32
    %add3A_89 = arith.addi %mul3A_2, %add3A_88 : i32
    %rem3A_90 = arith.constant 0 : i32
    %rem3A_91 = arith.constant 25 : i32
    %rem3A_92 = arith.remsi %rem3A_90, %rem3A_91 : i32
    %mul3A_93 = arith.constant 128 : i32
    %mul3A_94 = arith.muli %rem3A_92, %mul3A_93 : i32
    %dma_wait3A = arith.constant 0 : i32
    %dma_wait3A_95 = arith.constant 0 : i32
    %dma_wait3A_96 = tpu.memref_slice %arg6[%dma_wait3A, %dma_wait3A_95] : memref<4x128xi32, #tpu.memory_space<vmem>> -> memref<1x128xi32, #tpu.memory_space<vmem>>
    %dma_wait3A_97 = tpu.memref_squeeze %dma_wait3A_96 : memref<1x128xi32, #tpu.memory_space<vmem>> -> memref<128xi32, #tpu.memory_space<vmem>>
    %dma_wait3A_98 = tpu.memref_slice %arg2[%add3A_89] : memref<819200xi32, #tpu.memory_space<hbm>> -> memref<128xi32, #tpu.memory_space<hbm>>
    %dma_wait3A_99 = arith.constant 0 : i32
    %dma_wait3A_100 = tpu.memref_slice %arg6[%dma_wait3A, %dma_wait3A_99] : memref<4x128xi32, #tpu.memory_space<vmem>> -> memref<1x128xi32, #tpu.memory_space<vmem>>
    %dma_wait3A_101 = tpu.memref_squeeze %dma_wait3A_100 : memref<1x128xi32, #tpu.memory_space<vmem>> -> memref<128xi32, #tpu.memory_space<vmem>>
    %dma_wait3A_102 = tpu.memref_slice %arg2[%add3A_89] : memref<819200xi32, #tpu.memory_space<hbm>> -> memref<128xi32, #tpu.memory_space<hbm>>
    tpu.wait_dma2 semaphore(%arg9 : memref<!tpu.dma_semaphore, #tpu.memory_space<semaphore_mem>>) src(%dma_wait3A_102 : memref<128xi32, #tpu.memory_space<hbm>>) dst(%dma_wait3A_101 : memref<128xi32, #tpu.memory_space<vmem>>)
    %dma_wait3A_103 = arith.constant 0 : i32
    %dma_wait3A_104 = arith.constant 0 : i32
    %dma_wait3A_105 = arith.constant 0 : i32
    %dma_wait3A_106 = tpu.memref_slice %arg8[%dma_wait3A_103, %dma_wait3A_104, %dma_wait3A_105] : memref<4x128x64xf32, #tpu.memory_space<vmem>> -> memref<1x128x64xf32, #tpu.memory_space<vmem>>
    %dma_wait3A_107 = tpu.memref_squeeze %dma_wait3A_106 : memref<1x128x64xf32, #tpu.memory_space<vmem>> -> memref<128x64xf32, #tpu.memory_space<vmem>>
    %dma_wait3A_108 = arith.constant 0 : i32
    %dma_wait3A_109 = tpu.memref_slice %arg4[%mul3A_94, %dma_wait3A_108] : memref<3200x64xf32, #tpu.memory_space<hbm>> -> memref<128x64xf32, #tpu.memory_space<hbm>>
    %dma_wait3A_110 = arith.constant 0 : i32
    %dma_wait3A_111 = arith.constant 0 : i32
    %dma_wait3A_112 = tpu.memref_slice %arg8[%dma_wait3A_103, %dma_wait3A_110, %dma_wait3A_111] : memref<4x128x64xf32, #tpu.memory_space<vmem>> -> memref<1x128x64xf32, #tpu.memory_space<vmem>>
    %dma_wait3A_113 = tpu.memref_squeeze %dma_wait3A_112 : memref<1x128x64xf32, #tpu.memory_space<vmem>> -> memref<128x64xf32, #tpu.memory_space<vmem>>
    %dma_wait3A_114 = arith.constant 0 : i32
    %dma_wait3A_115 = tpu.memref_slice %arg4[%mul3A_94, %dma_wait3A_114] : memref<3200x64xf32, #tpu.memory_space<hbm>> -> memref<128x64xf32, #tpu.memory_space<hbm>>
    tpu.wait_dma2 semaphore(%arg9 : memref<!tpu.dma_semaphore, #tpu.memory_space<semaphore_mem>>) src(%dma_wait3A_115 : memref<128x64xf32, #tpu.memory_space<hbm>>) dst(%dma_wait3A_113 : memref<128x64xf32, #tpu.memory_space<vmem>>)
    %dma_start3A_116 = arith.constant 0 : i32
    %dma_start3A_117 = arith.constant 0 : i32
    %dma_start3A_118 = arith.constant 0 : i32
    %dma_start3A_119 = arith.constant 0 : i32
    %dma_start3A_120 = tpu.memref_slice %arg7[%dma_start3A_117, %dma_start3A_118, %dma_start3A_119] : memref<2x128x128xf32, #tpu.memory_space<vmem>> -> memref<1x128x128xf32, #tpu.memory_space<vmem>>
    %dma_start3A_121 = tpu.memref_squeeze %dma_start3A_120 : memref<1x128x128xf32, #tpu.memory_space<vmem>> -> memref<128x128xf32, #tpu.memory_space<vmem>>
    %dma_start3A_122 = arith.constant 0 : i32
    %dma_start3A_123 = tpu.memref_slice %arg6[%dma_start3A_116, %dma_start3A_122] : memref<4x128xi32, #tpu.memory_space<vmem>> -> memref<1x128xi32, #tpu.memory_space<vmem>>
    %dma_start3A_124 = tpu.memref_squeeze %dma_start3A_123 : memref<1x128xi32, #tpu.memory_space<vmem>> -> memref<128xi32, #tpu.memory_space<vmem>>
    %dma_start3A_125 = arith.constant 0 : i32
    %dma_start3A_126 = arith.constant 0 : i32
    %dma_start3A_127 = tpu.memref_slice %arg3[%dma_start3A_125, %dma_start3A_126] : memref<1000000x128xf32, #tpu.memory_space<hbm>> -> memref<1000000x128xf32, #tpu.memory_space<hbm>>
    tpu.enqueue_indirect_dma source(%dma_start3A_127 : memref<1000000x128xf32, #tpu.memory_space<hbm>>) target(%dma_start3A_121 : memref<128x128xf32, #tpu.memory_space<vmem>>) offsets(%dma_start3A_124 : memref<128xi32, #tpu.memory_space<vmem>>) semaphore(%arg13 : memref<!tpu.dma_semaphore, #tpu.memory_space<semaphore_mem>>)
    %add3A_128 = arith.constant 128 : i32
    %add3A_129 = arith.addi %mul3A_2, %add3A_128 : i32
    %rem3A_130 = arith.constant 1 : i32
    %rem3A_131 = arith.constant 25 : i32
    %rem3A_132 = arith.remsi %rem3A_130, %rem3A_131 : i32
    %mul3A_133 = arith.constant 128 : i32
    %mul3A_134 = arith.muli %rem3A_132, %mul3A_133 : i32
    %dma_wait3A_135 = arith.constant 1 : i32
    %dma_wait3A_136 = arith.constant 0 : i32
    %dma_wait3A_137 = tpu.memref_slice %arg6[%dma_wait3A_135, %dma_wait3A_136] : memref<4x128xi32, #tpu.memory_space<vmem>> -> memref<1x128xi32, #tpu.memory_space<vmem>>
    %dma_wait3A_138 = tpu.memref_squeeze %dma_wait3A_137 : memref<1x128xi32, #tpu.memory_space<vmem>> -> memref<128xi32, #tpu.memory_space<vmem>>
    %dma_wait3A_139 = tpu.memref_slice %arg2[%add3A_129] : memref<819200xi32, #tpu.memory_space<hbm>> -> memref<128xi32, #tpu.memory_space<hbm>>
    %dma_wait3A_140 = arith.constant 0 : i32
    %dma_wait3A_141 = tpu.memref_slice %arg6[%dma_wait3A_135, %dma_wait3A_140] : memref<4x128xi32, #tpu.memory_space<vmem>> -> memref<1x128xi32, #tpu.memory_space<vmem>>
    %dma_wait3A_142 = tpu.memref_squeeze %dma_wait3A_141 : memref<1x128xi32, #tpu.memory_space<vmem>> -> memref<128xi32, #tpu.memory_space<vmem>>
    %dma_wait3A_143 = tpu.memref_slice %arg2[%add3A_129] : memref<819200xi32, #tpu.memory_space<hbm>> -> memref<128xi32, #tpu.memory_space<hbm>>
    tpu.wait_dma2 semaphore(%arg10 : memref<!tpu.dma_semaphore, #tpu.memory_space<semaphore_mem>>) src(%dma_wait3A_143 : memref<128xi32, #tpu.memory_space<hbm>>) dst(%dma_wait3A_142 : memref<128xi32, #tpu.memory_space<vmem>>)
    %dma_wait3A_144 = arith.constant 1 : i32
    %dma_wait3A_145 = arith.constant 0 : i32
    %dma_wait3A_146 = arith.constant 0 : i32
    %dma_wait3A_147 = tpu.memref_slice %arg8[%dma_wait3A_144, %dma_wait3A_145, %dma_wait3A_146] : memref<4x128x64xf32, #tpu.memory_space<vmem>> -> memref<1x128x64xf32, #tpu.memory_space<vmem>>
    %dma_wait3A_148 = tpu.memref_squeeze %dma_wait3A_147 : memref<1x128x64xf32, #tpu.memory_space<vmem>> -> memref<128x64xf32, #tpu.memory_space<vmem>>
    %dma_wait3A_149 = arith.constant 0 : i32
    %dma_wait3A_150 = tpu.memref_slice %arg4[%mul3A_134, %dma_wait3A_149] : memref<3200x64xf32, #tpu.memory_space<hbm>> -> memref<128x64xf32, #tpu.memory_space<hbm>>
    %dma_wait3A_151 = arith.constant 0 : i32
    %dma_wait3A_152 = arith.constant 0 : i32
    %dma_wait3A_153 = tpu.memref_slice %arg8[%dma_wait3A_144, %dma_wait3A_151, %dma_wait3A_152] : memref<4x128x64xf32, #tpu.memory_space<vmem>> -> memref<1x128x64xf32, #tpu.memory_space<vmem>>
    %dma_wait3A_154 = tpu.memref_squeeze %dma_wait3A_153 : memref<1x128x64xf32, #tpu.memory_space<vmem>> -> memref<128x64xf32, #tpu.memory_space<vmem>>
    %dma_wait3A_155 = arith.constant 0 : i32
    %dma_wait3A_156 = tpu.memref_slice %arg4[%mul3A_134, %dma_wait3A_155] : memref<3200x64xf32, #tpu.memory_space<hbm>> -> memref<128x64xf32, #tpu.memory_space<hbm>>
    tpu.wait_dma2 semaphore(%arg10 : memref<!tpu.dma_semaphore, #tpu.memory_space<semaphore_mem>>) src(%dma_wait3A_156 : memref<128x64xf32, #tpu.memory_space<hbm>>) dst(%dma_wait3A_154 : memref<128x64xf32, #tpu.memory_space<vmem>>)
    %dma_start3A_157 = arith.constant 1 : i32
    %dma_start3A_158 = arith.constant 1 : i32
    %dma_start3A_159 = arith.constant 0 : i32
    %dma_start3A_160 = arith.constant 0 : i32
    %dma_start3A_161 = tpu.memref_slice %arg7[%dma_start3A_158, %dma_start3A_159, %dma_start3A_160] : memref<2x128x128xf32, #tpu.memory_space<vmem>> -> memref<1x128x128xf32, #tpu.memory_space<vmem>>
    %dma_start3A_162 = tpu.memref_squeeze %dma_start3A_161 : memref<1x128x128xf32, #tpu.memory_space<vmem>> -> memref<128x128xf32, #tpu.memory_space<vmem>>
    %dma_start3A_163 = arith.constant 0 : i32
    %dma_start3A_164 = tpu.memref_slice %arg6[%dma_start3A_157, %dma_start3A_163] : memref<4x128xi32, #tpu.memory_space<vmem>> -> memref<1x128xi32, #tpu.memory_space<vmem>>
    %dma_start3A_165 = tpu.memref_squeeze %dma_start3A_164 : memref<1x128xi32, #tpu.memory_space<vmem>> -> memref<128xi32, #tpu.memory_space<vmem>>
    %dma_start3A_166 = arith.constant 0 : i32
    %dma_start3A_167 = arith.constant 0 : i32
    %dma_start3A_168 = tpu.memref_slice %arg3[%dma_start3A_166, %dma_start3A_167] : memref<1000000x128xf32, #tpu.memory_space<hbm>> -> memref<1000000x128xf32, #tpu.memory_space<hbm>>
    tpu.enqueue_indirect_dma source(%dma_start3A_168 : memref<1000000x128xf32, #tpu.memory_space<hbm>>) target(%dma_start3A_162 : memref<128x128xf32, #tpu.memory_space<vmem>>) offsets(%dma_start3A_165 : memref<128xi32, #tpu.memory_space<vmem>>) semaphore(%arg14 : memref<!tpu.dma_semaphore, #tpu.memory_space<semaphore_mem>>)
    %scan3A = arith.constant 0 : i32
    %scan3A_169 = arith.constant 50 : i32
    %scan3A_170 = arith.addi %scan3A, %scan3A_169 : i32
    %scan3A_171 = arith.constant 1 : i32
    scf.for %scan3A_233 = %scan3A to %scan3A_170 step %scan3A_171  : i32 {
      %mul3A_234 = arith.constant 4 : i32
      %mul3A_235 = arith.muli %scan3A_233, %mul3A_234 : i32
      %add3A_236 = arith.constant 0 : i32
      %add3A_237 = arith.addi %mul3A_235, %add3A_236 : i32
      %dma_wait3A_238 = arith.constant 0 : i32
      %dma_wait3A_239 = arith.constant 0 : i32
      %dma_wait3A_240 = arith.constant 0 : i32
      %dma_wait3A_241 = arith.constant 0 : i32
      %dma_wait3A_242 = tpu.memref_slice %arg7[%dma_wait3A_239, %dma_wait3A_240, %dma_wait3A_241] : memref<2x128x128xf32, #tpu.memory_space<vmem>> -> memref<1x128x128xf32, #tpu.memory_space<vmem>>
      %dma_wait3A_243 = tpu.memref_squeeze %dma_wait3A_242 : memref<1x128x128xf32, #tpu.memory_space<vmem>> -> memref<128x128xf32, #tpu.memory_space<vmem>>
      %dma_wait3A_244 = arith.constant 0 : i32
      %dma_wait3A_245 = tpu.memref_slice %arg6[%dma_wait3A_238, %dma_wait3A_244] : memref<4x128xi32, #tpu.memory_space<vmem>> -> memref<1x128xi32, #tpu.memory_space<vmem>>
      %dma_wait3A_246 = tpu.memref_squeeze %dma_wait3A_245 : memref<1x128xi32, #tpu.memory_space<vmem>> -> memref<128xi32, #tpu.memory_space<vmem>>
      %dma_wait3A_247 = arith.constant 0 : i32
      %dma_wait3A_248 = arith.constant 0 : i32
      %dma_wait3A_249 = tpu.memref_slice %arg3[%dma_wait3A_247, %dma_wait3A_248] : memref<1000000x128xf32, #tpu.memory_space<hbm>> -> memref<1000000x128xf32, #tpu.memory_space<hbm>>
      tpu.wait_indirect_dma semaphore(%arg13 : memref<!tpu.dma_semaphore, #tpu.memory_space<semaphore_mem>>) src(%dma_wait3A_249 : memref<1000000x128xf32, #tpu.memory_space<hbm>>) dst(%dma_wait3A_243 : memref<128x128xf32, #tpu.memory_space<vmem>>)
      %scan3A_250 = arith.constant 0 : i32
      %scan3A_251 = arith.constant 32 : i32
      %scan3A_252 = arith.addi %scan3A_250, %scan3A_251 : i32
      %scan3A_253 = arith.constant 1 : i32
      scf.for %scan3A_485 = %scan3A_250 to %scan3A_252 step %scan3A_253  : i32 {
        %mul3A_486 = arith.constant 4 : i32
        %mul3A_487 = arith.muli %scan3A_485, %mul3A_486 : i32
        %add3A_488 = arith.constant 0 : i32
        %add3A_489 = arith.addi %mul3A_487, %add3A_488 : i32
        %get3A = arith.constant 0 : i32
        %get3A_490 = arith.index_cast %get3A : i32 to index
        %get3A_491 = arith.index_cast %add3A_489 : i32 to index
        %get3A_492 = arith.constant 0 : index
        %get3A_493 = tpu.vector_load %arg7[%get3A_490, %get3A_491, %get3A_492] {strides = array<i32>} : memref<2x128x128xf32, #tpu.memory_space<vmem>>, vector<1x1x16xf32>,
        %get3A_494 = vector.shape_cast %get3A_493 : vector<1x1x16xf32> to vector<16xf32>
        %swap3A = arith.constant 0 : i32
        %swap3A_495 = arith.index_cast %swap3A : i32 to index
        %swap3A_496 = arith.index_cast %add3A_489 : i32 to index
        %swap3A_497 = arith.constant 0 : index
        %swap3A_498 = tpu.vector_load %arg8[%swap3A_495, %swap3A_496, %swap3A_497] {strides = array<i32>} : memref<4x128x64xf32, #tpu.memory_space<vmem>>, vector<1x1x16xf32>,
        %swap3A_499 = vector.shape_cast %swap3A_498 : vector<1x1x16xf32> to vector<16xf32>
        %swap3A_500 = vector.shape_cast %get3A_494 : vector<16xf32> to vector<1x1x16xf32>
        tpu.vector_store %arg8[%swap3A_495, %swap3A_496, %swap3A_497], %swap3A_500 {add = true, strides = array<i32>} : memref<4x128x64xf32, #tpu.memory_space<vmem>>, vector<1x1x16xf32>,
        %get3A_501 = arith.constant 0 : i32
        %get3A_502 = arith.index_cast %get3A_501 : i32 to index
        %get3A_503 = arith.index_cast %add3A_489 : i32 to index
        %get3A_504 = arith.constant 16 : index
        %get3A_505 = tpu.vector_load %arg7[%get3A_502, %get3A_503, %get3A_504] {strides = array<i32>} : memref<2x128x128xf32, #tpu.memory_space<vmem>>, vector<1x1x16xf32>,
        %get3A_506 = vector.shape_cast %get3A_505 : vector<1x1x16xf32> to vector<16xf32>
        %swap3A_507 = arith.constant 0 : i32
        %swap3A_508 = arith.index_cast %swap3A_507 : i32 to index
        %swap3A_509 = arith.index_cast %add3A_489 : i32 to index
        %swap3A_510 = arith.constant 16 : index
        %swap3A_511 = tpu.vector_load %arg8[%swap3A_508, %swap3A_509, %swap3A_510] {strides = array<i32>} : memref<4x128x64xf32, #tpu.memory_space<vmem>>, vector<1x1x16xf32>,
        %swap3A_512 = vector.shape_cast %swap3A_511 : vector<1x1x16xf32> to vector<16xf32>
        %swap3A_513 = vector.shape_cast %get3A_506 : vector<16xf32> to vector<1x1x16xf32>
        tpu.vector_store %arg8[%swap3A_508, %swap3A_509, %swap3A_510], %swap3A_513 {add = true, strides = array<i32>} : memref<4x128x64xf32, #tpu.memory_space<vmem>>, vector<1x1x16xf32>,
        %get3A_514 = arith.constant 0 : i32
        %get3A_515 = arith.index_cast %get3A_514 : i32 to index
        %get3A_516 = arith.index_cast %add3A_489 : i32 to index
        %get3A_517 = arith.constant 32 : index
        %get3A_518 = tpu.vector_load %arg7[%get3A_515, %get3A_516, %get3A_517] {strides = array<i32>} : memref<2x128x128xf32, #tpu.memory_space<vmem>>, vector<1x1x16xf32>,
        %get3A_519 = vector.shape_cast %get3A_518 : vector<1x1x16xf32> to vector<16xf32>
        %swap3A_520 = arith.constant 0 : i32
        %swap3A_521 = arith.index_cast %swap3A_520 : i32 to index
        %swap3A_522 = arith.index_cast %add3A_489 : i32 to index
        %swap3A_523 = arith.constant 32 : index
        %swap3A_524 = tpu.vector_load %arg8[%swap3A_521, %swap3A_522, %swap3A_523] {strides = array<i32>} : memref<4x128x64xf32, #tpu.memory_space<vmem>>, vector<1x1x16xf32>,
        %swap3A_525 = vector.shape_cast %swap3A_524 : vector<1x1x16xf32> to vector<16xf32>
        %swap3A_526 = vector.shape_cast %get3A_519 : vector<16xf32> to vector<1x1x16xf32>
        tpu.vector_store %arg8[%swap3A_521, %swap3A_522, %swap3A_523], %swap3A_526 {add = true, strides = array<i32>} : memref<4x128x64xf32, #tpu.memory_space<vmem>>, vector<1x1x16xf32>,
        %get3A_527 = arith.constant 0 : i32
        %get3A_528 = arith.index_cast %get3A_527 : i32 to index
        %get3A_529 = arith.index_cast %add3A_489 : i32 to index
        %get3A_530 = arith.constant 48 : index
        %get3A_531 = tpu.vector_load %arg7[%get3A_528, %get3A_529, %get3A_530] {strides = array<i32>} : memref<2x128x128xf32, #tpu.memory_space<vmem>>, vector<1x1x16xf32>,
        %get3A_532 = vector.shape_cast %get3A_531 : vector<1x1x16xf32> to vector<16xf32>
        %swap3A_533 = arith.constant 0 : i32
        %swap3A_534 = arith.index_cast %swap3A_533 : i32 to index
        %swap3A_535 = arith.index_cast %add3A_489 : i32 to index
        %swap3A_536 = arith.constant 48 : index
        %swap3A_537 = tpu.vector_load %arg8[%swap3A_534, %swap3A_535, %swap3A_536] {strides = array<i32>} : memref<4x128x64xf32, #tpu.memory_space<vmem>>, vector<1x1x16xf32>,
        %swap3A_538 = vector.shape_cast %swap3A_537 : vector<1x1x16xf32> to vector<16xf32>
        %swap3A_539 = vector.shape_cast %get3A_532 : vector<16xf32> to vector<1x1x16xf32>
        tpu.vector_store %arg8[%swap3A_534, %swap3A_535, %swap3A_536], %swap3A_539 {add = true, strides = array<i32>} : memref<4x128x64xf32, #tpu.memory_space<vmem>>, vector<1x1x16xf32>,
        %mul3A_540 = arith.constant 4 : i32
        %mul3A_541 = arith.muli %scan3A_485, %mul3A_540 : i32
        %add3A_542 = arith.constant 1 : i32
        %add3A_543 = arith.addi %mul3A_541, %add3A_542 : i32
        %get3A_544 = arith.constant 0 : i32
        %get3A_545 = arith.index_cast %get3A_544 : i32 to index
        %get3A_546 = arith.index_cast %add3A_543 : i32 to index
        %get3A_547 = arith.constant 0 : index
        %get3A_548 = tpu.vector_load %arg7[%get3A_545, %get3A_546, %get3A_547] {strides = array<i32>} : memref<2x128x128xf32, #tpu.memory_space<vmem>>, vector<1x1x16xf32>,
        %get3A_549 = vector.shape_cast %get3A_548 : vector<1x1x16xf32> to vector<16xf32>
        %swap3A_550 = arith.constant 0 : i32
        %swap3A_551 = arith.index_cast %swap3A_550 : i32 to index
        %swap3A_552 = arith.index_cast %add3A_543 : i32 to index
        %swap3A_553 = arith.constant 0 : index
        %swap3A_554 = tpu.vector_load %arg8[%swap3A_551, %swap3A_552, %swap3A_553] {strides = array<i32>} : memref<4x128x64xf32, #tpu.memory_space<vmem>>, vector<1x1x16xf32>,
        %swap3A_555 = vector.shape_cast %swap3A_554 : vector<1x1x16xf32> to vector<16xf32>
        %swap3A_556 = vector.shape_cast %get3A_549 : vector<16xf32> to vector<1x1x16xf32>
        tpu.vector_store %arg8[%swap3A_551, %swap3A_552, %swap3A_553], %swap3A_556 {add = true, strides = array<i32>} : memref<4x128x64xf32, #tpu.memory_space<vmem>>, vector<1x1x16xf32>,
        %get3A_557 = arith.constant 0 : i32
        %get3A_558 = arith.index_cast %get3A_557 : i32 to index
        %get3A_559 = arith.index_cast %add3A_543 : i32 to index
        %get3A_560 = arith.constant 16 : index
        %get3A_561 = tpu.vector_load %arg7[%get3A_558, %get3A_559, %get3A_560] {strides = array<i32>} : memref<2x128x128xf32, #tpu.memory_space<vmem>>, vector<1x1x16xf32>,
        %get3A_562 = vector.shape_cast %get3A_561 : vector<1x1x16xf32> to vector<16xf32>
        %swap3A_563 = arith.constant 0 : i32
        %swap3A_564 = arith.index_cast %swap3A_563 : i32 to index
        %swap3A_565 = arith.index_cast %add3A_543 : i32 to index
        %swap3A_566 = arith.constant 16 : index
        %swap3A_567 = tpu.vector_load %arg8[%swap3A_564, %swap3A_565, %swap3A_566] {strides = array<i32>} : memref<4x128x64xf32, #tpu.memory_space<vmem>>, vector<1x1x16xf32>,
        %swap3A_568 = vector.shape_cast %swap3A_567 : vector<1x1x16xf32> to vector<16xf32>
        %swap3A_569 = vector.shape_cast %get3A_562 : vector<16xf32> to vector<1x1x16xf32>
        tpu.vector_store %arg8[%swap3A_564, %swap3A_565, %swap3A_566], %swap3A_569 {add = true, strides = array<i32>} : memref<4x128x64xf32, #tpu.memory_space<vmem>>, vector<1x1x16xf32>,
        %get3A_570 = arith.constant 0 : i32
        %get3A_571 = arith.index_cast %get3A_570 : i32 to index
        %get3A_572 = arith.index_cast %add3A_543 : i32 to index
        %get3A_573 = arith.constant 32 : index
        %get3A_574 = tpu.vector_load %arg7[%get3A_571, %get3A_572, %get3A_573] {strides = array<i32>} : memref<2x128x128xf32, #tpu.memory_space<vmem>>, vector<1x1x16xf32>,
        %get3A_575 = vector.shape_cast %get3A_574 : vector<1x1x16xf32> to vector<16xf32>
        %swap3A_576 = arith.constant 0 : i32
        %swap3A_577 = arith.index_cast %swap3A_576 : i32 to index
        %swap3A_578 = arith.index_cast %add3A_543 : i32 to index
        %swap3A_579 = arith.constant 32 : index
        %swap3A_580 = tpu.vector_load %arg8[%swap3A_577, %swap3A_578, %swap3A_579] {strides = array<i32>} : memref<4x128x64xf32, #tpu.memory_space<vmem>>, vector<1x1x16xf32>,
        %swap3A_581 = vector.shape_cast %swap3A_580 : vector<1x1x16xf32> to vector<16xf32>
        %swap3A_582 = vector.shape_cast %get3A_575 : vector<16xf32> to vector<1x1x16xf32>
        tpu.vector_store %arg8[%swap3A_577, %swap3A_578, %swap3A_579], %swap3A_582 {add = true, strides = array<i32>} : memref<4x128x64xf32, #tpu.memory_space<vmem>>, vector<1x1x16xf32>,
        %get3A_583 = arith.constant 0 : i32
        %get3A_584 = arith.index_cast %get3A_583 : i32 to index
        %get3A_585 = arith.index_cast %add3A_543 : i32 to index
        %get3A_586 = arith.constant 48 : index
        %get3A_587 = tpu.vector_load %arg7[%get3A_584, %get3A_585, %get3A_586] {strides = array<i32>} : memref<2x128x128xf32, #tpu.memory_space<vmem>>, vector<1x1x16xf32>,
        %get3A_588 = vector.shape_cast %get3A_587 : vector<1x1x16xf32> to vector<16xf32>
        %swap3A_589 = arith.constant 0 : i32
        %swap3A_590 = arith.index_cast %swap3A_589 : i32 to index
        %swap3A_591 = arith.index_cast %add3A_543 : i32 to index
        %swap3A_592 = arith.constant 48 : index
        %swap3A_593 = tpu.vector_load %arg8[%swap3A_590, %swap3A_591, %swap3A_592] {strides = array<i32>} : memref<4x128x64xf32, #tpu.memory_space<vmem>>, vector<1x1x16xf32>,
        %swap3A_594 = vector.shape_cast %swap3A_593 : vector<1x1x16xf32> to vector<16xf32>
        %swap3A_595 = vector.shape_cast %get3A_588 : vector<16xf32> to vector<1x1x16xf32>
        tpu.vector_store %arg8[%swap3A_590, %swap3A_591, %swap3A_592], %swap3A_595 {add = true, strides = array<i32>} : memref<4x128x64xf32, #tpu.memory_space<vmem>>, vector<1x1x16xf32>,
        %mul3A_596 = arith.constant 4 : i32
        %mul3A_597 = arith.muli %scan3A_485, %mul3A_596 : i32
        %add3A_598 = arith.constant 2 : i32
        %add3A_599 = arith.addi %mul3A_597, %add3A_598 : i32
        %get3A_600 = arith.constant 0 : i32
        %get3A_601 = arith.index_cast %get3A_600 : i32 to index
        %get3A_602 = arith.index_cast %add3A_599 : i32 to index
        %get3A_603 = arith.constant 0 : index
        %get3A_604 = tpu.vector_load %arg7[%get3A_601, %get3A_602, %get3A_603] {strides = array<i32>} : memref<2x128x128xf32, #tpu.memory_space<vmem>>, vector<1x1x16xf32>,
        %get3A_605 = vector.shape_cast %get3A_604 : vector<1x1x16xf32> to vector<16xf32>
        %swap3A_606 = arith.constant 0 : i32
        %swap3A_607 = arith.index_cast %swap3A_606 : i32 to index
        %swap3A_608 = arith.index_cast %add3A_599 : i32 to index
        %swap3A_609 = arith.constant 0 : index
        %swap3A_610 = tpu.vector_load %arg8[%swap3A_607, %swap3A_608, %swap3A_609] {strides = array<i32>} : memref<4x128x64xf32, #tpu.memory_space<vmem>>, vector<1x1x16xf32>,
        %swap3A_611 = vector.shape_cast %swap3A_610 : vector<1x1x16xf32> to vector<16xf32>
        %swap3A_612 = vector.shape_cast %get3A_605 : vector<16xf32> to vector<1x1x16xf32>
        tpu.vector_store %arg8[%swap3A_607, %swap3A_608, %swap3A_609], %swap3A_612 {add = true, strides = array<i32>} : memref<4x128x64xf32, #tpu.memory_space<vmem>>, vector<1x1x16xf32>,
        %get3A_613 = arith.constant 0 : i32
        %get3A_614 = arith.index_cast %get3A_613 : i32 to index
        %get3A_615 = arith.index_cast %add3A_599 : i32 to index
        %get3A_616 = arith.constant 16 : index
        %get3A_617 = tpu.vector_load %arg7[%get3A_614, %get3A_615, %get3A_616] {strides = array<i32>} : memref<2x128x128xf32, #tpu.memory_space<vmem>>, vector<1x1x16xf32>,
        %get3A_618 = vector.shape_cast %get3A_617 : vector<1x1x16xf32> to vector<16xf32>
        %swap3A_619 = arith.constant 0 : i32
        %swap3A_620 = arith.index_cast %swap3A_619 : i32 to index
        %swap3A_621 = arith.index_cast %add3A_599 : i32 to index
        %swap3A_622 = arith.constant 16 : index
        %swap3A_623 = tpu.vector_load %arg8[%swap3A_620, %swap3A_621, %swap3A_622] {strides = array<i32>} : memref<4x128x64xf32, #tpu.memory_space<vmem>>, vector<1x1x16xf32>,
        %swap3A_624 = vector.shape_cast %swap3A_623 : vector<1x1x16xf32> to vector<16xf32>
        %swap3A_625 = vector.shape_cast %get3A_618 : vector<16xf32> to vector<1x1x16xf32>
        tpu.vector_store %arg8[%swap3A_620, %swap3A_621, %swap3A_622], %swap3A_625 {add = true, strides = array<i32>} : memref<4x128x64xf32, #tpu.memory_space<vmem>>, vector<1x1x16xf32>,
        %get3A_626 = arith.constant 0 : i32
        %get3A_627 = arith.index_cast %get3A_626 : i32 to index
        %get3A_628 = arith.index_cast %add3A_599 : i32 to index
        %get3A_629 = arith.constant 32 : index
        %get3A_630 = tpu.vector_load %arg7[%get3A_627, %get3A_628, %get3A_629] {strides = array<i32>} : memref<2x128x128xf32, #tpu.memory_space<vmem>>, vector<1x1x16xf32>,
        %get3A_631 = vector.shape_cast %get3A_630 : vector<1x1x16xf32> to vector<16xf32>
        %swap3A_632 = arith.constant 0 : i32
        %swap3A_633 = arith.index_cast %swap3A_632 : i32 to index
        %swap3A_634 = arith.index_cast %add3A_599 : i32 to index
        %swap3A_635 = arith.constant 32 : index
        %swap3A_636 = tpu.vector_load %arg8[%swap3A_633, %swap3A_634, %swap3A_635] {strides = array<i32>} : memref<4x128x64xf32, #tpu.memory_space<vmem>>, vector<1x1x16xf32>,
        %swap3A_637 = vector.shape_cast %swap3A_636 : vector<1x1x16xf32> to vector<16xf32>
        %swap3A_638 = vector.shape_cast %get3A_631 : vector<16xf32> to vector<1x1x16xf32>
        tpu.vector_store %arg8[%swap3A_633, %swap3A_634, %swap3A_635], %swap3A_638 {add = true, strides = array<i32>} : memref<4x128x64xf32, #tpu.memory_space<vmem>>, vector<1x1x16xf32>,
        %get3A_639 = arith.constant 0 : i32
        %get3A_640 = arith.index_cast %get3A_639 : i32 to index
        %get3A_641 = arith.index_cast %add3A_599 : i32 to index
        %get3A_642 = arith.constant 48 : index
        %get3A_643 = tpu.vector_load %arg7[%get3A_640, %get3A_641, %get3A_642] {strides = array<i32>} : memref<2x128x128xf32, #tpu.memory_space<vmem>>, vector<1x1x16xf32>,
        %get3A_644 = vector.shape_cast %get3A_643 : vector<1x1x16xf32> to vector<16xf32>
        %swap3A_645 = arith.constant 0 : i32
        %swap3A_646 = arith.index_cast %swap3A_645 : i32 to index
        %swap3A_647 = arith.index_cast %add3A_599 : i32 to index
        %swap3A_648 = arith.constant 48 : index
        %swap3A_649 = tpu.vector_load %arg8[%swap3A_646, %swap3A_647, %swap3A_648] {strides = array<i32>} : memref<4x128x64xf32, #tpu.memory_space<vmem>>, vector<1x1x16xf32>,
        %swap3A_650 = vector.shape_cast %swap3A_649 : vector<1x1x16xf32> to vector<16xf32>
        %swap3A_651 = vector.shape_cast %get3A_644 : vector<16xf32> to vector<1x1x16xf32>
        tpu.vector_store %arg8[%swap3A_646, %swap3A_647, %swap3A_648], %swap3A_651 {add = true, strides = array<i32>} : memref<4x128x64xf32, #tpu.memory_space<vmem>>, vector<1x1x16xf32>,
        %mul3A_652 = arith.constant 4 : i32
        %mul3A_653 = arith.muli %scan3A_485, %mul3A_652 : i32
        %add3A_654 = arith.constant 3 : i32
        %add3A_655 = arith.addi %mul3A_653, %add3A_654 : i32
        %get3A_656 = arith.constant 0 : i32
        %get3A_657 = arith.index_cast %get3A_656 : i32 to index
        %get3A_658 = arith.index_cast %add3A_655 : i32 to index
        %get3A_659 = arith.constant 0 : index
        %get3A_660 = tpu.vector_load %arg7[%get3A_657, %get3A_658, %get3A_659] {strides = array<i32>} : memref<2x128x128xf32, #tpu.memory_space<vmem>>, vector<1x1x16xf32>,
        %get3A_661 = vector.shape_cast %get3A_660 : vector<1x1x16xf32> to vector<16xf32>
        %swap3A_662 = arith.constant 0 : i32
        %swap3A_663 = arith.index_cast %swap3A_662 : i32 to index
        %swap3A_664 = arith.index_cast %add3A_655 : i32 to index
        %swap3A_665 = arith.constant 0 : index
        %swap3A_666 = tpu.vector_load %arg8[%swap3A_663, %swap3A_664, %swap3A_665] {strides = array<i32>} : memref<4x128x64xf32, #tpu.memory_space<vmem>>, vector<1x1x16xf32>,
        %swap3A_667 = vector.shape_cast %swap3A_666 : vector<1x1x16xf32> to vector<16xf32>
        %swap3A_668 = vector.shape_cast %get3A_661 : vector<16xf32> to vector<1x1x16xf32>
        tpu.vector_store %arg8[%swap3A_663, %swap3A_664, %swap3A_665], %swap3A_668 {add = true, strides = array<i32>} : memref<4x128x64xf32, #tpu.memory_space<vmem>>, vector<1x1x16xf32>,
        %get3A_669 = arith.constant 0 : i32
        %get3A_670 = arith.index_cast %get3A_669 : i32 to index
        %get3A_671 = arith.index_cast %add3A_655 : i32 to index
        %get3A_672 = arith.constant 16 : index
        %get3A_673 = tpu.vector_load %arg7[%get3A_670, %get3A_671, %get3A_672] {strides = array<i32>} : memref<2x128x128xf32, #tpu.memory_space<vmem>>, vector<1x1x16xf32>,
        %get3A_674 = vector.shape_cast %get3A_673 : vector<1x1x16xf32> to vector<16xf32>
        %swap3A_675 = arith.constant 0 : i32
        %swap3A_676 = arith.index_cast %swap3A_675 : i32 to index
        %swap3A_677 = arith.index_cast %add3A_655 : i32 to index
        %swap3A_678 = arith.constant 16 : index
        %swap3A_679 = tpu.vector_load %arg8[%swap3A_676, %swap3A_677, %swap3A_678] {strides = array<i32>} : memref<4x128x64xf32, #tpu.memory_space<vmem>>, vector<1x1x16xf32>,
        %swap3A_680 = vector.shape_cast %swap3A_679 : vector<1x1x16xf32> to vector<16xf32>
        %swap3A_681 = vector.shape_cast %get3A_674 : vector<16xf32> to vector<1x1x16xf32>
        tpu.vector_store %arg8[%swap3A_676, %swap3A_677, %swap3A_678], %swap3A_681 {add = true, strides = array<i32>} : memref<4x128x64xf32, #tpu.memory_space<vmem>>, vector<1x1x16xf32>,
        %get3A_682 = arith.constant 0 : i32
        %get3A_683 = arith.index_cast %get3A_682 : i32 to index
        %get3A_684 = arith.index_cast %add3A_655 : i32 to index
        %get3A_685 = arith.constant 32 : index
        %get3A_686 = tpu.vector_load %arg7[%get3A_683, %get3A_684, %get3A_685] {strides = array<i32>} : memref<2x128x128xf32, #tpu.memory_space<vmem>>, vector<1x1x16xf32>,
        %get3A_687 = vector.shape_cast %get3A_686 : vector<1x1x16xf32> to vector<16xf32>
        %swap3A_688 = arith.constant 0 : i32
        %swap3A_689 = arith.index_cast %swap3A_688 : i32 to index
        %swap3A_690 = arith.index_cast %add3A_655 : i32 to index
        %swap3A_691 = arith.constant 32 : index
        %swap3A_692 = tpu.vector_load %arg8[%swap3A_689, %swap3A_690, %swap3A_691] {strides = array<i32>} : memref<4x128x64xf32, #tpu.memory_space<vmem>>, vector<1x1x16xf32>,
        %swap3A_693 = vector.shape_cast %swap3A_692 : vector<1x1x16xf32> to vector<16xf32>
        %swap3A_694 = vector.shape_cast %get3A_687 : vector<16xf32> to vector<1x1x16xf32>
        tpu.vector_store %arg8[%swap3A_689, %swap3A_690, %swap3A_691], %swap3A_694 {add = true, strides = array<i32>} : memref<4x128x64xf32, #tpu.memory_space<vmem>>, vector<1x1x16xf32>,
        %get3A_695 = arith.constant 0 : i32
        %get3A_696 = arith.index_cast %get3A_695 : i32 to index
        %get3A_697 = arith.index_cast %add3A_655 : i32 to index
        %get3A_698 = arith.constant 48 : index
        %get3A_699 = tpu.vector_load %arg7[%get3A_696, %get3A_697, %get3A_698] {strides = array<i32>} : memref<2x128x128xf32, #tpu.memory_space<vmem>>, vector<1x1x16xf32>,
        %get3A_700 = vector.shape_cast %get3A_699 : vector<1x1x16xf32> to vector<16xf32>
        %swap3A_701 = arith.constant 0 : i32
        %swap3A_702 = arith.index_cast %swap3A_701 : i32 to index
        %swap3A_703 = arith.index_cast %add3A_655 : i32 to index
        %swap3A_704 = arith.constant 48 : index
        %swap3A_705 = tpu.vector_load %arg8[%swap3A_702, %swap3A_703, %swap3A_704] {strides = array<i32>} : memref<4x128x64xf32, #tpu.memory_space<vmem>>, vector<1x1x16xf32>,
        %swap3A_706 = vector.shape_cast %swap3A_705 : vector<1x1x16xf32> to vector<16xf32>
        %swap3A_707 = vector.shape_cast %get3A_700 : vector<16xf32> to vector<1x1x16xf32>
        tpu.vector_store %arg8[%swap3A_702, %swap3A_703, %swap3A_704], %swap3A_707 {add = true, strides = array<i32>} : memref<4x128x64xf32, #tpu.memory_space<vmem>>, vector<1x1x16xf32>,
      }
      %scan3A_254 = arith.constant 32 : i32
      %mul3A_255 = arith.constant 128 : i32
      %mul3A_256 = arith.muli %add3A_237, %mul3A_255 : i32
      %add3A_257 = arith.addi %mul3A_2, %mul3A_256 : i32
      %dma_start3A_258 = arith.constant 0 : i32
      %dma_start3A_259 = arith.constant 0 : i32
      %dma_start3A_260 = arith.constant 0 : i32
      %dma_start3A_261 = tpu.memref_slice %arg8[%dma_start3A_258, %dma_start3A_259, %dma_start3A_260] : memref<4x128x64xf32, #tpu.memory_space<vmem>> -> memref<1x128x64xf32, #tpu.memory_space<vmem>>
      %dma_start3A_262 = tpu.memref_squeeze %dma_start3A_261 : memref<1x128x64xf32, #tpu.memory_space<vmem>> -> memref<128x64xf32, #tpu.memory_space<vmem>>
      %dma_start3A_263 = arith.constant 0 : i32
      %dma_start3A_264 = tpu.memref_slice %arg5[%add3A_257, %dma_start3A_263] : memref<819200x64xf32, #tpu.memory_space<hbm>> -> memref<128x64xf32, #tpu.memory_space<hbm>>
      %dma_start3A_265 = arith.constant 0 : i32
      %dma_start3A_266 = tpu.memref_slice %arg5[%add3A_257, %dma_start3A_265] : memref<819200x64xf32, #tpu.memory_space<hbm>> -> memref<128x64xf32, #tpu.memory_space<hbm>>
      %dma_start3A_267 = arith.constant 0 : i32
      %dma_start3A_268 = arith.constant 0 : i32
      %dma_start3A_269 = tpu.memref_slice %arg8[%dma_start3A_258, %dma_start3A_267, %dma_start3A_268] : memref<4x128x64xf32, #tpu.memory_space<vmem>> -> memref<1x128x64xf32, #tpu.memory_space<vmem>>
      %dma_start3A_270 = tpu.memref_squeeze %dma_start3A_269 : memref<1x128x64xf32, #tpu.memory_space<vmem>> -> memref<128x64xf32, #tpu.memory_space<vmem>>
      tpu.enqueue_dma source(%dma_start3A_270 : memref<128x64xf32, #tpu.memory_space<vmem>>) target(%dma_start3A_266 : memref<128x64xf32, #tpu.memory_space<hbm>>) target_semaphore(%arg15 : memref<!tpu.dma_semaphore, #tpu.memory_space<semaphore_mem>>)
      %add3A_271 = arith.constant 2 : i32
      %add3A_272 = arith.addi %add3A_237, %add3A_271 : i32
      %lt3A = arith.constant 200 : i32
      %lt3A_273 = arith.cmpi slt, %add3A_272, %lt3A : i32
      %convert_element_type3A = arith.extui %lt3A_273 : i1 to i32
      %cond3A = arith.constant 0 : i32
      %cond3A_274 = arith.cmpi ne, %convert_element_type3A, %cond3A : i32
      scf.if %cond3A_274 {
        %add3A_485 = arith.constant 2 : i32
        %add3A_486 = arith.addi %add3A_237, %add3A_485 : i32
        %mul3A_487 = arith.constant 128 : i32
        %mul3A_488 = arith.muli %add3A_486, %mul3A_487 : i32
        %add3A_489 = arith.addi %mul3A_2, %mul3A_488 : i32
        %rem3A_490 = arith.constant 25 : i32
        %rem3A_491 = arith.remsi %add3A_486, %rem3A_490 : i32
        %mul3A_492 = arith.constant 128 : i32
        %mul3A_493 = arith.muli %rem3A_491, %mul3A_492 : i32
        %dma_wait3A_494 = arith.constant 2 : i32
        %dma_wait3A_495 = arith.constant 0 : i32
        %dma_wait3A_496 = tpu.memref_slice %arg6[%dma_wait3A_494, %dma_wait3A_495] : memref<4x128xi32, #tpu.memory_space<vmem>> -> memref<1x128xi32, #tpu.memory_space<vmem>>
        %dma_wait3A_497 = tpu.memref_squeeze %dma_wait3A_496 : memref<1x128xi32, #tpu.memory_space<vmem>> -> memref<128xi32, #tpu.memory_space<vmem>>
        %dma_wait3A_498 = tpu.memref_slice %arg2[%add3A_489] : memref<819200xi32, #tpu.memory_space<hbm>> -> memref<128xi32, #tpu.memory_space<hbm>>
        %dma_wait3A_499 = arith.constant 0 : i32
        %dma_wait3A_500 = tpu.memref_slice %arg6[%dma_wait3A_494, %dma_wait3A_499] : memref<4x128xi32, #tpu.memory_space<vmem>> -> memref<1x128xi32, #tpu.memory_space<vmem>>
        %dma_wait3A_501 = tpu.memref_squeeze %dma_wait3A_500 : memref<1x128xi32, #tpu.memory_space<vmem>> -> memref<128xi32, #tpu.memory_space<vmem>>
        %dma_wait3A_502 = tpu.memref_slice %arg2[%add3A_489] : memref<819200xi32, #tpu.memory_space<hbm>> -> memref<128xi32, #tpu.memory_space<hbm>>
        tpu.wait_dma2 semaphore(%arg11 : memref<!tpu.dma_semaphore, #tpu.memory_space<semaphore_mem>>) src(%dma_wait3A_502 : memref<128xi32, #tpu.memory_space<hbm>>) dst(%dma_wait3A_501 : memref<128xi32, #tpu.memory_space<vmem>>)
        %dma_wait3A_503 = arith.constant 2 : i32
        %dma_wait3A_504 = arith.constant 0 : i32
        %dma_wait3A_505 = arith.constant 0 : i32
        %dma_wait3A_506 = tpu.memref_slice %arg8[%dma_wait3A_503, %dma_wait3A_504, %dma_wait3A_505] : memref<4x128x64xf32, #tpu.memory_space<vmem>> -> memref<1x128x64xf32, #tpu.memory_space<vmem>>
        %dma_wait3A_507 = tpu.memref_squeeze %dma_wait3A_506 : memref<1x128x64xf32, #tpu.memory_space<vmem>> -> memref<128x64xf32, #tpu.memory_space<vmem>>
        %dma_wait3A_508 = arith.constant 0 : i32
        %dma_wait3A_509 = tpu.memref_slice %arg4[%mul3A_493, %dma_wait3A_508] : memref<3200x64xf32, #tpu.memory_space<hbm>> -> memref<128x64xf32, #tpu.memory_space<hbm>>
        %dma_wait3A_510 = arith.constant 0 : i32
        %dma_wait3A_511 = arith.constant 0 : i32
        %dma_wait3A_512 = tpu.memref_slice %arg8[%dma_wait3A_503, %dma_wait3A_510, %dma_wait3A_511] : memref<4x128x64xf32, #tpu.memory_space<vmem>> -> memref<1x128x64xf32, #tpu.memory_space<vmem>>
        %dma_wait3A_513 = tpu.memref_squeeze %dma_wait3A_512 : memref<1x128x64xf32, #tpu.memory_space<vmem>> -> memref<128x64xf32, #tpu.memory_space<vmem>>
        %dma_wait3A_514 = arith.constant 0 : i32
        %dma_wait3A_515 = tpu.memref_slice %arg4[%mul3A_493, %dma_wait3A_514] : memref<3200x64xf32, #tpu.memory_space<hbm>> -> memref<128x64xf32, #tpu.memory_space<hbm>>
        tpu.wait_dma2 semaphore(%arg11 : memref<!tpu.dma_semaphore, #tpu.memory_space<semaphore_mem>>) src(%dma_wait3A_515 : memref<128x64xf32, #tpu.memory_space<hbm>>) dst(%dma_wait3A_513 : memref<128x64xf32, #tpu.memory_space<vmem>>)
        %dma_start3A_516 = arith.constant 2 : i32
        %dma_start3A_517 = arith.constant 0 : i32
        %dma_start3A_518 = arith.constant 0 : i32
        %dma_start3A_519 = arith.constant 0 : i32
        %dma_start3A_520 = tpu.memref_slice %arg7[%dma_start3A_517, %dma_start3A_518, %dma_start3A_519] : memref<2x128x128xf32, #tpu.memory_space<vmem>> -> memref<1x128x128xf32, #tpu.memory_space<vmem>>
        %dma_start3A_521 = tpu.memref_squeeze %dma_start3A_520 : memref<1x128x128xf32, #tpu.memory_space<vmem>> -> memref<128x128xf32, #tpu.memory_space<vmem>>
        %dma_start3A_522 = arith.constant 0 : i32
        %dma_start3A_523 = tpu.memref_slice %arg6[%dma_start3A_516, %dma_start3A_522] : memref<4x128xi32, #tpu.memory_space<vmem>> -> memref<1x128xi32, #tpu.memory_space<vmem>>
        %dma_start3A_524 = tpu.memref_squeeze %dma_start3A_523 : memref<1x128xi32, #tpu.memory_space<vmem>> -> memref<128xi32, #tpu.memory_space<vmem>>
        %dma_start3A_525 = arith.constant 0 : i32
        %dma_start3A_526 = arith.constant 0 : i32
        %dma_start3A_527 = tpu.memref_slice %arg3[%dma_start3A_525, %dma_start3A_526] : memref<1000000x128xf32, #tpu.memory_space<hbm>> -> memref<1000000x128xf32, #tpu.memory_space<hbm>>
        tpu.enqueue_indirect_dma source(%dma_start3A_527 : memref<1000000x128xf32, #tpu.memory_space<hbm>>) target(%dma_start3A_521 : memref<128x128xf32, #tpu.memory_space<vmem>>) offsets(%dma_start3A_524 : memref<128xi32, #tpu.memory_space<vmem>>) semaphore(%arg13 : memref<!tpu.dma_semaphore, #tpu.memory_space<semaphore_mem>>)
      } else {
      }
      %add3A_275 = arith.constant 3 : i32
      %add3A_276 = arith.addi %add3A_237, %add3A_275 : i32
      %lt3A_277 = arith.constant 200 : i32
      %lt3A_278 = arith.cmpi slt, %add3A_276, %lt3A_277 : i32
      %ge3A = arith.constant 1 : i32
      %ge3A_279 = arith.cmpi sge, %add3A_237, %ge3A : i32
      %and3A = arith.andi %lt3A_278, %ge3A_279 : i1
      %convert_element_type3A_280 = arith.extui %and3A : i1 to i32
      %cond3A_281 = arith.constant 0 : i32
      %cond3A_282 = arith.cmpi ne, %convert_element_type3A_280, %cond3A_281 : i32
      scf.if %cond3A_282 {
        %sub3A = arith.constant 1 : i32
        %sub3A_485 = arith.subi %add3A_237, %sub3A : i32
        %mul3A_486 = arith.constant 128 : i32
        %mul3A_487 = arith.muli %sub3A_485, %mul3A_486 : i32
        %add3A_488 = arith.addi %mul3A_2, %mul3A_487 : i32
        %dma_wait3A_489 = arith.constant 3 : i32
        %dma_wait3A_490 = arith.constant 0 : i32
        %dma_wait3A_491 = arith.constant 0 : i32
        %dma_wait3A_492 = tpu.memref_slice %arg8[%dma_wait3A_489, %dma_wait3A_490, %dma_wait3A_491] : memref<4x128x64xf32, #tpu.memory_space<vmem>> -> memref<1x128x64xf32, #tpu.memory_space<vmem>>
        %dma_wait3A_493 = tpu.memref_squeeze %dma_wait3A_492 : memref<1x128x64xf32, #tpu.memory_space<vmem>> -> memref<128x64xf32, #tpu.memory_space<vmem>>
        %dma_wait3A_494 = arith.constant 0 : i32
        %dma_wait3A_495 = tpu.memref_slice %arg5[%add3A_488, %dma_wait3A_494] : memref<819200x64xf32, #tpu.memory_space<hbm>> -> memref<128x64xf32, #tpu.memory_space<hbm>>
        %dma_wait3A_496 = arith.constant 0 : i32
        %dma_wait3A_497 = tpu.memref_slice %arg5[%add3A_488, %dma_wait3A_496] : memref<819200x64xf32, #tpu.memory_space<hbm>> -> memref<128x64xf32, #tpu.memory_space<hbm>>
        %dma_wait3A_498 = arith.constant 0 : i32
        %dma_wait3A_499 = arith.constant 0 : i32
        %dma_wait3A_500 = tpu.memref_slice %arg8[%dma_wait3A_489, %dma_wait3A_498, %dma_wait3A_499] : memref<4x128x64xf32, #tpu.memory_space<vmem>> -> memref<1x128x64xf32, #tpu.memory_space<vmem>>
        %dma_wait3A_501 = tpu.memref_squeeze %dma_wait3A_500 : memref<1x128x64xf32, #tpu.memory_space<vmem>> -> memref<128x64xf32, #tpu.memory_space<vmem>>
        tpu.wait_dma2 semaphore(%arg18 : memref<!tpu.dma_semaphore, #tpu.memory_space<semaphore_mem>>) src(%dma_wait3A_501 : memref<128x64xf32, #tpu.memory_space<vmem>>) dst(%dma_wait3A_497 : memref<128x64xf32, #tpu.memory_space<hbm>>)
        %add3A_502 = arith.constant 3 : i32
        %add3A_503 = arith.addi %add3A_237, %add3A_502 : i32
        %mul3A_504 = arith.constant 128 : i32
        %mul3A_505 = arith.muli %add3A_503, %mul3A_504 : i32
        %add3A_506 = arith.addi %mul3A_2, %mul3A_505 : i32
        %rem3A_507 = arith.constant 25 : i32
        %rem3A_508 = arith.remsi %add3A_503, %rem3A_507 : i32
        %mul3A_509 = arith.constant 128 : i32
        %mul3A_510 = arith.muli %rem3A_508, %mul3A_509 : i32
        %dma_start3A_511 = arith.constant 3 : i32
        %dma_start3A_512 = arith.constant 0 : i32
        %dma_start3A_513 = tpu.memref_slice %arg6[%dma_start3A_511, %dma_start3A_512] : memref<4x128xi32, #tpu.memory_space<vmem>> -> memref<1x128xi32, #tpu.memory_space<vmem>>
        %dma_start3A_514 = tpu.memref_squeeze %dma_start3A_513 : memref<1x128xi32, #tpu.memory_space<vmem>> -> memref<128xi32, #tpu.memory_space<vmem>>
        %dma_start3A_515 = tpu.memref_slice %arg2[%add3A_506] : memref<819200xi32, #tpu.memory_space<hbm>> -> memref<128xi32, #tpu.memory_space<hbm>>
        %dma_start3A_516 = arith.constant 0 : i32
        %dma_start3A_517 = tpu.memref_slice %arg6[%dma_start3A_511, %dma_start3A_516] : memref<4x128xi32, #tpu.memory_space<vmem>> -> memref<1x128xi32, #tpu.memory_space<vmem>>
        %dma_start3A_518 = tpu.memref_squeeze %dma_start3A_517 : memref<1x128xi32, #tpu.memory_space<vmem>> -> memref<128xi32, #tpu.memory_space<vmem>>
        %dma_start3A_519 = tpu.memref_slice %arg2[%add3A_506] : memref<819200xi32, #tpu.memory_space<hbm>> -> memref<128xi32, #tpu.memory_space<hbm>>
        tpu.enqueue_dma source(%dma_start3A_519 : memref<128xi32, #tpu.memory_space<hbm>>) target(%dma_start3A_518 : memref<128xi32, #tpu.memory_space<vmem>>) target_semaphore(%arg12 : memref<!tpu.dma_semaphore, #tpu.memory_space<semaphore_mem>>)
        %dma_start3A_520 = arith.constant 3 : i32
        %dma_start3A_521 = arith.constant 0 : i32
        %dma_start3A_522 = arith.constant 0 : i32
        %dma_start3A_523 = tpu.memref_slice %arg8[%dma_start3A_520, %dma_start3A_521, %dma_start3A_522] : memref<4x128x64xf32, #tpu.memory_space<vmem>> -> memref<1x128x64xf32, #tpu.memory_space<vmem>>
        %dma_start3A_524 = tpu.memref_squeeze %dma_start3A_523 : memref<1x128x64xf32, #tpu.memory_space<vmem>> -> memref<128x64xf32, #tpu.memory_space<vmem>>
        %dma_start3A_525 = arith.constant 0 : i32
        %dma_start3A_526 = tpu.memref_slice %arg4[%mul3A_510, %dma_start3A_525] : memref<3200x64xf32, #tpu.memory_space<hbm>> -> memref<128x64xf32, #tpu.memory_space<hbm>>
        %dma_start3A_527 = arith.constant 0 : i32
        %dma_start3A_528 = arith.constant 0 : i32
        %dma_start3A_529 = tpu.memref_slice %arg8[%dma_start3A_520, %dma_start3A_527, %dma_start3A_528] : memref<4x128x64xf32, #tpu.memory_space<vmem>> -> memref<1x128x64xf32, #tpu.memory_space<vmem>>
        %dma_start3A_530 = tpu.memref_squeeze %dma_start3A_529 : memref<1x128x64xf32, #tpu.memory_space<vmem>> -> memref<128x64xf32, #tpu.memory_space<vmem>>
        %dma_start3A_531 = arith.constant 0 : i32
        %dma_start3A_532 = tpu.memref_slice %arg4[%mul3A_510, %dma_start3A_531] : memref<3200x64xf32, #tpu.memory_space<hbm>> -> memref<128x64xf32, #tpu.memory_space<hbm>>
        tpu.enqueue_dma source(%dma_start3A_532 : memref<128x64xf32, #tpu.memory_space<hbm>>) target(%dma_start3A_530 : memref<128x64xf32, #tpu.memory_space<vmem>>) target_semaphore(%arg12 : memref<!tpu.dma_semaphore, #tpu.memory_space<semaphore_mem>>)
      } else {
      }
      %add3A_283 = arith.constant 3 : i32
      %add3A_284 = arith.addi %add3A_237, %add3A_283 : i32
      %lt3A_285 = arith.constant 200 : i32
      %lt3A_286 = arith.cmpi slt, %add3A_284, %lt3A_285 : i32
      %lt3A_287 = arith.constant 1 : i32
      %lt3A_288 = arith.cmpi slt, %add3A_237, %lt3A_287 : i32
      %and3A_289 = arith.andi %lt3A_286, %lt3A_288 : i1
      %convert_element_type3A_290 = arith.extui %and3A_289 : i1 to i32
      %cond3A_291 = arith.constant 0 : i32
      %cond3A_292 = arith.cmpi ne, %convert_element_type3A_290, %cond3A_291 : i32
      scf.if %cond3A_292 {
        %add3A_485 = arith.constant 3 : i32
        %add3A_486 = arith.addi %add3A_237, %add3A_485 : i32
        %mul3A_487 = arith.constant 128 : i32
        %mul3A_488 = arith.muli %add3A_486, %mul3A_487 : i32
        %add3A_489 = arith.addi %mul3A_2, %mul3A_488 : i32
        %rem3A_490 = arith.constant 25 : i32
        %rem3A_491 = arith.remsi %add3A_486, %rem3A_490 : i32
        %mul3A_492 = arith.constant 128 : i32
        %mul3A_493 = arith.muli %rem3A_491, %mul3A_492 : i32
        %dma_start3A_494 = arith.constant 3 : i32
        %dma_start3A_495 = arith.constant 0 : i32
        %dma_start3A_496 = tpu.memref_slice %arg6[%dma_start3A_494, %dma_start3A_495] : memref<4x128xi32, #tpu.memory_space<vmem>> -> memref<1x128xi32, #tpu.memory_space<vmem>>
        %dma_start3A_497 = tpu.memref_squeeze %dma_start3A_496 : memref<1x128xi32, #tpu.memory_space<vmem>> -> memref<128xi32, #tpu.memory_space<vmem>>
        %dma_start3A_498 = tpu.memref_slice %arg2[%add3A_489] : memref<819200xi32, #tpu.memory_space<hbm>> -> memref<128xi32, #tpu.memory_space<hbm>>
        %dma_start3A_499 = arith.constant 0 : i32
        %dma_start3A_500 = tpu.memref_slice %arg6[%dma_start3A_494, %dma_start3A_499] : memref<4x128xi32, #tpu.memory_space<vmem>> -> memref<1x128xi32, #tpu.memory_space<vmem>>
        %dma_start3A_501 = tpu.memref_squeeze %dma_start3A_500 : memref<1x128xi32, #tpu.memory_space<vmem>> -> memref<128xi32, #tpu.memory_space<vmem>>
        %dma_start3A_502 = tpu.memref_slice %arg2[%add3A_489] : memref<819200xi32, #tpu.memory_space<hbm>> -> memref<128xi32, #tpu.memory_space<hbm>>
        tpu.enqueue_dma source(%dma_start3A_502 : memref<128xi32, #tpu.memory_space<hbm>>) target(%dma_start3A_501 : memref<128xi32, #tpu.memory_space<vmem>>) target_semaphore(%arg12 : memref<!tpu.dma_semaphore, #tpu.memory_space<semaphore_mem>>)
        %dma_start3A_503 = arith.constant 3 : i32
        %dma_start3A_504 = arith.constant 0 : i32
        %dma_start3A_505 = arith.constant 0 : i32
        %dma_start3A_506 = tpu.memref_slice %arg8[%dma_start3A_503, %dma_start3A_504, %dma_start3A_505] : memref<4x128x64xf32, #tpu.memory_space<vmem>> -> memref<1x128x64xf32, #tpu.memory_space<vmem>>
        %dma_start3A_507 = tpu.memref_squeeze %dma_start3A_506 : memref<1x128x64xf32, #tpu.memory_space<vmem>> -> memref<128x64xf32, #tpu.memory_space<vmem>>
        %dma_start3A_508 = arith.constant 0 : i32
        %dma_start3A_509 = tpu.memref_slice %arg4[%mul3A_493, %dma_start3A_508] : memref<3200x64xf32, #tpu.memory_space<hbm>> -> memref<128x64xf32, #tpu.memory_space<hbm>>
        %dma_start3A_510 = arith.constant 0 : i32
        %dma_start3A_511 = arith.constant 0 : i32
        %dma_start3A_512 = tpu.memref_slice %arg8[%dma_start3A_503, %dma_start3A_510, %dma_start3A_511] : memref<4x128x64xf32, #tpu.memory_space<vmem>> -> memref<1x128x64xf32, #tpu.memory_space<vmem>>
        %dma_start3A_513 = tpu.memref_squeeze %dma_start3A_512 : memref<1x128x64xf32, #tpu.memory_space<vmem>> -> memref<128x64xf32, #tpu.memory_space<vmem>>
        %dma_start3A_514 = arith.constant 0 : i32
        %dma_start3A_515 = tpu.memref_slice %arg4[%mul3A_493, %dma_start3A_514] : memref<3200x64xf32, #tpu.memory_space<hbm>> -> memref<128x64xf32, #tpu.memory_space<hbm>>
        tpu.enqueue_dma source(%dma_start3A_515 : memref<128x64xf32, #tpu.memory_space<hbm>>) target(%dma_start3A_513 : memref<128x64xf32, #tpu.memory_space<vmem>>) target_semaphore(%arg12 : memref<!tpu.dma_semaphore, #tpu.memory_space<semaphore_mem>>)
      } else {
      }
      %mul3A_293 = arith.constant 4 : i32
      %mul3A_294 = arith.muli %scan3A_233, %mul3A_293 : i32
      %add3A_295 = arith.constant 1 : i32
      %add3A_296 = arith.addi %mul3A_294, %add3A_295 : i32
      %dma_wait3A_297 = arith.constant 1 : i32
      %dma_wait3A_298 = arith.constant 1 : i32
      %dma_wait3A_299 = arith.constant 0 : i32
      %dma_wait3A_300 = arith.constant 0 : i32
      %dma_wait3A_301 = tpu.memref_slice %arg7[%dma_wait3A_298, %dma_wait3A_299, %dma_wait3A_300] : memref<2x128x128xf32, #tpu.memory_space<vmem>> -> memref<1x128x128xf32, #tpu.memory_space<vmem>>
      %dma_wait3A_302 = tpu.memref_squeeze %dma_wait3A_301 : memref<1x128x128xf32, #tpu.memory_space<vmem>> -> memref<128x128xf32, #tpu.memory_space<vmem>>
      %dma_wait3A_303 = arith.constant 0 : i32
      %dma_wait3A_304 = tpu.memref_slice %arg6[%dma_wait3A_297, %dma_wait3A_303] : memref<4x128xi32, #tpu.memory_space<vmem>> -> memref<1x128xi32, #tpu.memory_space<vmem>>
      %dma_wait3A_305 = tpu.memref_squeeze %dma_wait3A_304 : memref<1x128xi32, #tpu.memory_space<vmem>> -> memref<128xi32, #tpu.memory_space<vmem>>
      %dma_wait3A_306 = arith.constant 0 : i32
      %dma_wait3A_307 = arith.constant 0 : i32
      %dma_wait3A_308 = tpu.memref_slice %arg3[%dma_wait3A_306, %dma_wait3A_307] : memref<1000000x128xf32, #tpu.memory_space<hbm>> -> memref<1000000x128xf32, #tpu.memory_space<hbm>>
      tpu.wait_indirect_dma semaphore(%arg14 : memref<!tpu.dma_semaphore, #tpu.memory_space<semaphore_mem>>) src(%dma_wait3A_308 : memref<1000000x128xf32, #tpu.memory_space<hbm>>) dst(%dma_wait3A_302 : memref<128x128xf32, #tpu.memory_space<vmem>>)
      %scan3A_309 = arith.constant 0 : i32
      %scan3A_310 = arith.constant 32 : i32
      %scan3A_311 = arith.addi %scan3A_309, %scan3A_310 : i32
      %scan3A_312 = arith.constant 1 : i32
      scf.for %scan3A_485 = %scan3A_309 to %scan3A_311 step %scan3A_312  : i32 {
        %mul3A_486 = arith.constant 4 : i32
        %mul3A_487 = arith.muli %scan3A_485, %mul3A_486 : i32
        %add3A_488 = arith.constant 0 : i32
        %add3A_489 = arith.addi %mul3A_487, %add3A_488 : i32
        %get3A = arith.constant 1 : i32
        %get3A_490 = arith.index_cast %get3A : i32 to index
        %get3A_491 = arith.index_cast %add3A_489 : i32 to index
        %get3A_492 = arith.constant 0 : index
        %get3A_493 = tpu.vector_load %arg7[%get3A_490, %get3A_491, %get3A_492] {strides = array<i32>} : memref<2x128x128xf32, #tpu.memory_space<vmem>>, vector<1x1x16xf32>,
        %get3A_494 = vector.shape_cast %get3A_493 : vector<1x1x16xf32> to vector<16xf32>
        %swap3A = arith.constant 1 : i32
        %swap3A_495 = arith.index_cast %swap3A : i32 to index
        %swap3A_496 = arith.index_cast %add3A_489 : i32 to index
        %swap3A_497 = arith.constant 0 : index
        %swap3A_498 = tpu.vector_load %arg8[%swap3A_495, %swap3A_496, %swap3A_497] {strides = array<i32>} : memref<4x128x64xf32, #tpu.memory_space<vmem>>, vector<1x1x16xf32>,
        %swap3A_499 = vector.shape_cast %swap3A_498 : vector<1x1x16xf32> to vector<16xf32>
        %swap3A_500 = vector.shape_cast %get3A_494 : vector<16xf32> to vector<1x1x16xf32>
        tpu.vector_store %arg8[%swap3A_495, %swap3A_496, %swap3A_497], %swap3A_500 {add = true, strides = array<i32>} : memref<4x128x64xf32, #tpu.memory_space<vmem>>, vector<1x1x16xf32>,
        %get3A_501 = arith.constant 1 : i32
        %get3A_502 = arith.index_cast %get3A_501 : i32 to index
        %get3A_503 = arith.index_cast %add3A_489 : i32 to index
        %get3A_504 = arith.constant 16 : index
        %get3A_505 = tpu.vector_load %arg7[%get3A_502, %get3A_503, %get3A_504] {strides = array<i32>} : memref<2x128x128xf32, #tpu.memory_space<vmem>>, vector<1x1x16xf32>,
        %get3A_506 = vector.shape_cast %get3A_505 : vector<1x1x16xf32> to vector<16xf32>
        %swap3A_507 = arith.constant 1 : i32
        %swap3A_508 = arith.index_cast %swap3A_507 : i32 to index
        %swap3A_509 = arith.index_cast %add3A_489 : i32 to index
        %swap3A_510 = arith.constant 16 : index
        %swap3A_511 = tpu.vector_load %arg8[%swap3A_508, %swap3A_509, %swap3A_510] {strides = array<i32>} : memref<4x128x64xf32, #tpu.memory_space<vmem>>, vector<1x1x16xf32>,
        %swap3A_512 = vector.shape_cast %swap3A_511 : vector<1x1x16xf32> to vector<16xf32>
        %swap3A_513 = vector.shape_cast %get3A_506 : vector<16xf32> to vector<1x1x16xf32>
        tpu.vector_store %arg8[%swap3A_508, %swap3A_509, %swap3A_510], %swap3A_513 {add = true, strides = array<i32>} : memref<4x128x64xf32, #tpu.memory_space<vmem>>, vector<1x1x16xf32>,
        %get3A_514 = arith.constant 1 : i32
        %get3A_515 = arith.index_cast %get3A_514 : i32 to index
        %get3A_516 = arith.index_cast %add3A_489 : i32 to index
        %get3A_517 = arith.constant 32 : index
        %get3A_518 = tpu.vector_load %arg7[%get3A_515, %get3A_516, %get3A_517] {strides = array<i32>} : memref<2x128x128xf32, #tpu.memory_space<vmem>>, vector<1x1x16xf32>,
        %get3A_519 = vector.shape_cast %get3A_518 : vector<1x1x16xf32> to vector<16xf32>
        %swap3A_520 = arith.constant 1 : i32
        %swap3A_521 = arith.index_cast %swap3A_520 : i32 to index
        %swap3A_522 = arith.index_cast %add3A_489 : i32 to index
        %swap3A_523 = arith.constant 32 : index
        %swap3A_524 = tpu.vector_load %arg8[%swap3A_521, %swap3A_522, %swap3A_523] {strides = array<i32>} : memref<4x128x64xf32, #tpu.memory_space<vmem>>, vector<1x1x16xf32>,
        %swap3A_525 = vector.shape_cast %swap3A_524 : vector<1x1x16xf32> to vector<16xf32>
        %swap3A_526 = vector.shape_cast %get3A_519 : vector<16xf32> to vector<1x1x16xf32>
        tpu.vector_store %arg8[%swap3A_521, %swap3A_522, %swap3A_523], %swap3A_526 {add = true, strides = array<i32>} : memref<4x128x64xf32, #tpu.memory_space<vmem>>, vector<1x1x16xf32>,
        %get3A_527 = arith.constant 1 : i32
        %get3A_528 = arith.index_cast %get3A_527 : i32 to index
        %get3A_529 = arith.index_cast %add3A_489 : i32 to index
        %get3A_530 = arith.constant 48 : index
        %get3A_531 = tpu.vector_load %arg7[%get3A_528, %get3A_529, %get3A_530] {strides = array<i32>} : memref<2x128x128xf32, #tpu.memory_space<vmem>>, vector<1x1x16xf32>,
        %get3A_532 = vector.shape_cast %get3A_531 : vector<1x1x16xf32> to vector<16xf32>
        %swap3A_533 = arith.constant 1 : i32
        %swap3A_534 = arith.index_cast %swap3A_533 : i32 to index
        %swap3A_535 = arith.index_cast %add3A_489 : i32 to index
        %swap3A_536 = arith.constant 48 : index
        %swap3A_537 = tpu.vector_load %arg8[%swap3A_534, %swap3A_535, %swap3A_536] {strides = array<i32>} : memref<4x128x64xf32, #tpu.memory_space<vmem>>, vector<1x1x16xf32>,
        %swap3A_538 = vector.shape_cast %swap3A_537 : vector<1x1x16xf32> to vector<16xf32>
        %swap3A_539 = vector.shape_cast %get3A_532 : vector<16xf32> to vector<1x1x16xf32>
        tpu.vector_store %arg8[%swap3A_534, %swap3A_535, %swap3A_536], %swap3A_539 {add = true, strides = array<i32>} : memref<4x128x64xf32, #tpu.memory_space<vmem>>, vector<1x1x16xf32>,
        %mul3A_540 = arith.constant 4 : i32
        %mul3A_541 = arith.muli %scan3A_485, %mul3A_540 : i32
        %add3A_542 = arith.constant 1 : i32
        %add3A_543 = arith.addi %mul3A_541, %add3A_542 : i32
        %get3A_544 = arith.constant 1 : i32
        %get3A_545 = arith.index_cast %get3A_544 : i32 to index
        %get3A_546 = arith.index_cast %add3A_543 : i32 to index
        %get3A_547 = arith.constant 0 : index
        %get3A_548 = tpu.vector_load %arg7[%get3A_545, %get3A_546, %get3A_547] {strides = array<i32>} : memref<2x128x128xf32, #tpu.memory_space<vmem>>, vector<1x1x16xf32>,
        %get3A_549 = vector.shape_cast %get3A_548 : vector<1x1x16xf32> to vector<16xf32>
        %swap3A_550 = arith.constant 1 : i32
        %swap3A_551 = arith.index_cast %swap3A_550 : i32 to index
        %swap3A_552 = arith.index_cast %add3A_543 : i32 to index
        %swap3A_553 = arith.constant 0 : index
        %swap3A_554 = tpu.vector_load %arg8[%swap3A_551, %swap3A_552, %swap3A_553] {strides = array<i32>} : memref<4x128x64xf32, #tpu.memory_space<vmem>>, vector<1x1x16xf32>,
        %swap3A_555 = vector.shape_cast %swap3A_554 : vector<1x1x16xf32> to vector<16xf32>
        %swap3A_556 = vector.shape_cast %get3A_549 : vector<16xf32> to vector<1x1x16xf32>
        tpu.vector_store %arg8[%swap3A_551, %swap3A_552, %swap3A_553], %swap3A_556 {add = true, strides = array<i32>} : memref<4x128x64xf32, #tpu.memory_space<vmem>>, vector<1x1x16xf32>,
        %get3A_557 = arith.constant 1 : i32
        %get3A_558 = arith.index_cast %get3A_557 : i32 to index
        %get3A_559 = arith.index_cast %add3A_543 : i32 to index
        %get3A_560 = arith.constant 16 : index
        %get3A_561 = tpu.vector_load %arg7[%get3A_558, %get3A_559, %get3A_560] {strides = array<i32>} : memref<2x128x128xf32, #tpu.memory_space<vmem>>, vector<1x1x16xf32>,
        %get3A_562 = vector.shape_cast %get3A_561 : vector<1x1x16xf32> to vector<16xf32>
        %swap3A_563 = arith.constant 1 : i32
        %swap3A_564 = arith.index_cast %swap3A_563 : i32 to index
        %swap3A_565 = arith.index_cast %add3A_543 : i32 to index
        %swap3A_566 = arith.constant 16 : index
        %swap3A_567 = tpu.vector_load %arg8[%swap3A_564, %swap3A_565, %swap3A_566] {strides = array<i32>} : memref<4x128x64xf32, #tpu.memory_space<vmem>>, vector<1x1x16xf32>,
        %swap3A_568 = vector.shape_cast %swap3A_567 : vector<1x1x16xf32> to vector<16xf32>
        %swap3A_569 = vector.shape_cast %get3A_562 : vector<16xf32> to vector<1x1x16xf32>
        tpu.vector_store %arg8[%swap3A_564, %swap3A_565, %swap3A_566], %swap3A_569 {add = true, strides = array<i32>} : memref<4x128x64xf32, #tpu.memory_space<vmem>>, vector<1x1x16xf32>,
        %get3A_570 = arith.constant 1 : i32
        %get3A_571 = arith.index_cast %get3A_570 : i32 to index
        %get3A_572 = arith.index_cast %add3A_543 : i32 to index
        %get3A_573 = arith.constant 32 : index
        %get3A_574 = tpu.vector_load %arg7[%get3A_571, %get3A_572, %get3A_573] {strides = array<i32>} : memref<2x128x128xf32, #tpu.memory_space<vmem>>, vector<1x1x16xf32>,
        %get3A_575 = vector.shape_cast %get3A_574 : vector<1x1x16xf32> to vector<16xf32>
        %swap3A_576 = arith.constant 1 : i32
        %swap3A_577 = arith.index_cast %swap3A_576 : i32 to index
        %swap3A_578 = arith.index_cast %add3A_543 : i32 to index
        %swap3A_579 = arith.constant 32 : index
        %swap3A_580 = tpu.vector_load %arg8[%swap3A_577, %swap3A_578, %swap3A_579] {strides = array<i32>} : memref<4x128x64xf32, #tpu.memory_space<vmem>>, vector<1x1x16xf32>,
        %swap3A_581 = vector.shape_cast %swap3A_580 : vector<1x1x16xf32> to vector<16xf32>
        %swap3A_582 = vector.shape_cast %get3A_575 : vector<16xf32> to vector<1x1x16xf32>
        tpu.vector_store %arg8[%swap3A_577, %swap3A_578, %swap3A_579], %swap3A_582 {add = true, strides = array<i32>} : memref<4x128x64xf32, #tpu.memory_space<vmem>>, vector<1x1x16xf32>,
        %get3A_583 = arith.constant 1 : i32
        %get3A_584 = arith.index_cast %get3A_583 : i32 to index
        %get3A_585 = arith.index_cast %add3A_543 : i32 to index
        %get3A_586 = arith.constant 48 : index
        %get3A_587 = tpu.vector_load %arg7[%get3A_584, %get3A_585, %get3A_586] {strides = array<i32>} : memref<2x128x128xf32, #tpu.memory_space<vmem>>, vector<1x1x16xf32>,
        %get3A_588 = vector.shape_cast %get3A_587 : vector<1x1x16xf32> to vector<16xf32>
        %swap3A_589 = arith.constant 1 : i32
        %swap3A_590 = arith.index_cast %swap3A_589 : i32 to index
        %swap3A_591 = arith.index_cast %add3A_543 : i32 to index
        %swap3A_592 = arith.constant 48 : index
        %swap3A_593 = tpu.vector_load %arg8[%swap3A_590, %swap3A_591, %swap3A_592] {strides = array<i32>} : memref<4x128x64xf32, #tpu.memory_space<vmem>>, vector<1x1x16xf32>,
        %swap3A_594 = vector.shape_cast %swap3A_593 : vector<1x1x16xf32> to vector<16xf32>
        %swap3A_595 = vector.shape_cast %get3A_588 : vector<16xf32> to vector<1x1x16xf32>
        tpu.vector_store %arg8[%swap3A_590, %swap3A_591, %swap3A_592], %swap3A_595 {add = true, strides = array<i32>} : memref<4x128x64xf32, #tpu.memory_space<vmem>>, vector<1x1x16xf32>,
        %mul3A_596 = arith.constant 4 : i32
        %mul3A_597 = arith.muli %scan3A_485, %mul3A_596 : i32
        %add3A_598 = arith.constant 2 : i32
        %add3A_599 = arith.addi %mul3A_597, %add3A_598 : i32
        %get3A_600 = arith.constant 1 : i32
        %get3A_601 = arith.index_cast %get3A_600 : i32 to index
        %get3A_602 = arith.index_cast %add3A_599 : i32 to index
        %get3A_603 = arith.constant 0 : index
        %get3A_604 = tpu.vector_load %arg7[%get3A_601, %get3A_602, %get3A_603] {strides = array<i32>} : memref<2x128x128xf32, #tpu.memory_space<vmem>>, vector<1x1x16xf32>,
        %get3A_605 = vector.shape_cast %get3A_604 : vector<1x1x16xf32> to vector<16xf32>
        %swap3A_606 = arith.constant 1 : i32
        %swap3A_607 = arith.index_cast %swap3A_606 : i32 to index
        %swap3A_608 = arith.index_cast %add3A_599 : i32 to index
        %swap3A_609 = arith.constant 0 : index
        %swap3A_610 = tpu.vector_load %arg8[%swap3A_607, %swap3A_608, %swap3A_609] {strides = array<i32>} : memref<4x128x64xf32, #tpu.memory_space<vmem>>, vector<1x1x16xf32>,
        %swap3A_611 = vector.shape_cast %swap3A_610 : vector<1x1x16xf32> to vector<16xf32>
        %swap3A_612 = vector.shape_cast %get3A_605 : vector<16xf32> to vector<1x1x16xf32>
        tpu.vector_store %arg8[%swap3A_607, %swap3A_608, %swap3A_609], %swap3A_612 {add = true, strides = array<i32>} : memref<4x128x64xf32, #tpu.memory_space<vmem>>, vector<1x1x16xf32>,
        %get3A_613 = arith.constant 1 : i32
        %get3A_614 = arith.index_cast %get3A_613 : i32 to index
        %get3A_615 = arith.index_cast %add3A_599 : i32 to index
        %get3A_616 = arith.constant 16 : index
        %get3A_617 = tpu.vector_load %arg7[%get3A_614, %get3A_615, %get3A_616] {strides = array<i32>} : memref<2x128x128xf32, #tpu.memory_space<vmem>>, vector<1x1x16xf32>,
        %get3A_618 = vector.shape_cast %get3A_617 : vector<1x1x16xf32> to vector<16xf32>
        %swap3A_619 = arith.constant 1 : i32
        %swap3A_620 = arith.index_cast %swap3A_619 : i32 to index
        %swap3A_621 = arith.index_cast %add3A_599 : i32 to index
        %swap3A_622 = arith.constant 16 : index
        %swap3A_623 = tpu.vector_load %arg8[%swap3A_620, %swap3A_621, %swap3A_622] {strides = array<i32>} : memref<4x128x64xf32, #tpu.memory_space<vmem>>, vector<1x1x16xf32>,
        %swap3A_624 = vector.shape_cast %swap3A_623 : vector<1x1x16xf32> to vector<16xf32>
        %swap3A_625 = vector.shape_cast %get3A_618 : vector<16xf32> to vector<1x1x16xf32>
        tpu.vector_store %arg8[%swap3A_620, %swap3A_621, %swap3A_622], %swap3A_625 {add = true, strides = array<i32>} : memref<4x128x64xf32, #tpu.memory_space<vmem>>, vector<1x1x16xf32>,
        %get3A_626 = arith.constant 1 : i32
        %get3A_627 = arith.index_cast %get3A_626 : i32 to index
        %get3A_628 = arith.index_cast %add3A_599 : i32 to index
        %get3A_629 = arith.constant 32 : index
        %get3A_630 = tpu.vector_load %arg7[%get3A_627, %get3A_628, %get3A_629] {strides = array<i32>} : memref<2x128x128xf32, #tpu.memory_space<vmem>>, vector<1x1x16xf32>,
        %get3A_631 = vector.shape_cast %get3A_630 : vector<1x1x16xf32> to vector<16xf32>
        %swap3A_632 = arith.constant 1 : i32
        %swap3A_633 = arith.index_cast %swap3A_632 : i32 to index
        %swap3A_634 = arith.index_cast %add3A_599 : i32 to index
        %swap3A_635 = arith.constant 32 : index
        %swap3A_636 = tpu.vector_load %arg8[%swap3A_633, %swap3A_634, %swap3A_635] {strides = array<i32>} : memref<4x128x64xf32, #tpu.memory_space<vmem>>, vector<1x1x16xf32>,
        %swap3A_637 = vector.shape_cast %swap3A_636 : vector<1x1x16xf32> to vector<16xf32>
        %swap3A_638 = vector.shape_cast %get3A_631 : vector<16xf32> to vector<1x1x16xf32>
        tpu.vector_store %arg8[%swap3A_633, %swap3A_634, %swap3A_635], %swap3A_638 {add = true, strides = array<i32>} : memref<4x128x64xf32, #tpu.memory_space<vmem>>, vector<1x1x16xf32>,
        %get3A_639 = arith.constant 1 : i32
        %get3A_640 = arith.index_cast %get3A_639 : i32 to index
        %get3A_641 = arith.index_cast %add3A_599 : i32 to index
        %get3A_642 = arith.constant 48 : index
        %get3A_643 = tpu.vector_load %arg7[%get3A_640, %get3A_641, %get3A_642] {strides = array<i32>} : memref<2x128x128xf32, #tpu.memory_space<vmem>>, vector<1x1x16xf32>,
        %get3A_644 = vector.shape_cast %get3A_643 : vector<1x1x16xf32> to vector<16xf32>
        %swap3A_645 = arith.constant 1 : i32
        %swap3A_646 = arith.index_cast %swap3A_645 : i32 to index
        %swap3A_647 = arith.index_cast %add3A_599 : i32 to index
        %swap3A_648 = arith.constant 48 : index
        %swap3A_649 = tpu.vector_load %arg8[%swap3A_646, %swap3A_647, %swap3A_648] {strides = array<i32>} : memref<4x128x64xf32, #tpu.memory_space<vmem>>, vector<1x1x16xf32>,
        %swap3A_650 = vector.shape_cast %swap3A_649 : vector<1x1x16xf32> to vector<16xf32>
        %swap3A_651 = vector.shape_cast %get3A_644 : vector<16xf32> to vector<1x1x16xf32>
        tpu.vector_store %arg8[%swap3A_646, %swap3A_647, %swap3A_648], %swap3A_651 {add = true, strides = array<i32>} : memref<4x128x64xf32, #tpu.memory_space<vmem>>, vector<1x1x16xf32>,
        %mul3A_652 = arith.constant 4 : i32
        %mul3A_653 = arith.muli %scan3A_485, %mul3A_652 : i32
        %add3A_654 = arith.constant 3 : i32
        %add3A_655 = arith.addi %mul3A_653, %add3A_654 : i32
        %get3A_656 = arith.constant 1 : i32
        %get3A_657 = arith.index_cast %get3A_656 : i32 to index
        %get3A_658 = arith.index_cast %add3A_655 : i32 to index
        %get3A_659 = arith.constant 0 : index
        %get3A_660 = tpu.vector_load %arg7[%get3A_657, %get3A_658, %get3A_659] {strides = array<i32>} : memref<2x128x128xf32, #tpu.memory_space<vmem>>, vector<1x1x16xf32>,
        %get3A_661 = vector.shape_cast %get3A_660 : vector<1x1x16xf32> to vector<16xf32>
        %swap3A_662 = arith.constant 1 : i32
        %swap3A_663 = arith.index_cast %swap3A_662 : i32 to index
        %swap3A_664 = arith.index_cast %add3A_655 : i32 to index
        %swap3A_665 = arith.constant 0 : index
        %swap3A_666 = tpu.vector_load %arg8[%swap3A_663, %swap3A_664, %swap3A_665] {strides = array<i32>} : memref<4x128x64xf32, #tpu.memory_space<vmem>>, vector<1x1x16xf32>,
        %swap3A_667 = vector.shape_cast %swap3A_666 : vector<1x1x16xf32> to vector<16xf32>
        %swap3A_668 = vector.shape_cast %get3A_661 : vector<16xf32> to vector<1x1x16xf32>
        tpu.vector_store %arg8[%swap3A_663, %swap3A_664, %swap3A_665], %swap3A_668 {add = true, strides = array<i32>} : memref<4x128x64xf32, #tpu.memory_space<vmem>>, vector<1x1x16xf32>,
        %get3A_669 = arith.constant 1 : i32
        %get3A_670 = arith.index_cast %get3A_669 : i32 to index
        %get3A_671 = arith.index_cast %add3A_655 : i32 to index
        %get3A_672 = arith.constant 16 : index
        %get3A_673 = tpu.vector_load %arg7[%get3A_670, %get3A_671, %get3A_672] {strides = array<i32>} : memref<2x128x128xf32, #tpu.memory_space<vmem>>, vector<1x1x16xf32>,
        %get3A_674 = vector.shape_cast %get3A_673 : vector<1x1x16xf32> to vector<16xf32>
        %swap3A_675 = arith.constant 1 : i32
        %swap3A_676 = arith.index_cast %swap3A_675 : i32 to index
        %swap3A_677 = arith.index_cast %add3A_655 : i32 to index
        %swap3A_678 = arith.constant 16 : index
        %swap3A_679 = tpu.vector_load %arg8[%swap3A_676, %swap3A_677, %swap3A_678] {strides = array<i32>} : memref<4x128x64xf32, #tpu.memory_space<vmem>>, vector<1x1x16xf32>,
        %swap3A_680 = vector.shape_cast %swap3A_679 : vector<1x1x16xf32> to vector<16xf32>
        %swap3A_681 = vector.shape_cast %get3A_674 : vector<16xf32> to vector<1x1x16xf32>
        tpu.vector_store %arg8[%swap3A_676, %swap3A_677, %swap3A_678], %swap3A_681 {add = true, strides = array<i32>} : memref<4x128x64xf32, #tpu.memory_space<vmem>>, vector<1x1x16xf32>,
        %get3A_682 = arith.constant 1 : i32
        %get3A_683 = arith.index_cast %get3A_682 : i32 to index
        %get3A_684 = arith.index_cast %add3A_655 : i32 to index
        %get3A_685 = arith.constant 32 : index
        %get3A_686 = tpu.vector_load %arg7[%get3A_683, %get3A_684, %get3A_685] {strides = array<i32>} : memref<2x128x128xf32, #tpu.memory_space<vmem>>, vector<1x1x16xf32>,
        %get3A_687 = vector.shape_cast %get3A_686 : vector<1x1x16xf32> to vector<16xf32>
        %swap3A_688 = arith.constant 1 : i32
        %swap3A_689 = arith.index_cast %swap3A_688 : i32 to index
        %swap3A_690 = arith.index_cast %add3A_655 : i32 to index
        %swap3A_691 = arith.constant 32 : index
        %swap3A_692 = tpu.vector_load %arg8[%swap3A_689, %swap3A_690, %swap3A_691] {strides = array<i32>} : memref<4x128x64xf32, #tpu.memory_space<vmem>>, vector<1x1x16xf32>,
        %swap3A_693 = vector.shape_cast %swap3A_692 : vector<1x1x16xf32> to vector<16xf32>
        %swap3A_694 = vector.shape_cast %get3A_687 : vector<16xf32> to vector<1x1x16xf32>
        tpu.vector_store %arg8[%swap3A_689, %swap3A_690, %swap3A_691], %swap3A_694 {add = true, strides = array<i32>} : memref<4x128x64xf32, #tpu.memory_space<vmem>>, vector<1x1x16xf32>,
        %get3A_695 = arith.constant 1 : i32
        %get3A_696 = arith.index_cast %get3A_695 : i32 to index
        %get3A_697 = arith.index_cast %add3A_655 : i32 to index
        %get3A_698 = arith.constant 48 : index
        %get3A_699 = tpu.vector_load %arg7[%get3A_696, %get3A_697, %get3A_698] {strides = array<i32>} : memref<2x128x128xf32, #tpu.memory_space<vmem>>, vector<1x1x16xf32>,
        %get3A_700 = vector.shape_cast %get3A_699 : vector<1x1x16xf32> to vector<16xf32>
        %swap3A_701 = arith.constant 1 : i32
        %swap3A_702 = arith.index_cast %swap3A_701 : i32 to index
        %swap3A_703 = arith.index_cast %add3A_655 : i32 to index
        %swap3A_704 = arith.constant 48 : index
        %swap3A_705 = tpu.vector_load %arg8[%swap3A_702, %swap3A_703, %swap3A_704] {strides = array<i32>} : memref<4x128x64xf32, #tpu.memory_space<vmem>>, vector<1x1x16xf32>,
        %swap3A_706 = vector.shape_cast %swap3A_705 : vector<1x1x16xf32> to vector<16xf32>
        %swap3A_707 = vector.shape_cast %get3A_700 : vector<16xf32> to vector<1x1x16xf32>
        tpu.vector_store %arg8[%swap3A_702, %swap3A_703, %swap3A_704], %swap3A_707 {add = true, strides = array<i32>} : memref<4x128x64xf32, #tpu.memory_space<vmem>>, vector<1x1x16xf32>,
      }
      %scan3A_313 = arith.constant 32 : i32
      %mul3A_314 = arith.constant 128 : i32
      %mul3A_315 = arith.muli %add3A_296, %mul3A_314 : i32
      %add3A_316 = arith.addi %mul3A_2, %mul3A_315 : i32
      %dma_start3A_317 = arith.constant 1 : i32
      %dma_start3A_318 = arith.constant 0 : i32
      %dma_start3A_319 = arith.constant 0 : i32
      %dma_start3A_320 = tpu.memref_slice %arg8[%dma_start3A_317, %dma_start3A_318, %dma_start3A_319] : memref<4x128x64xf32, #tpu.memory_space<vmem>> -> memref<1x128x64xf32, #tpu.memory_space<vmem>>
      %dma_start3A_321 = tpu.memref_squeeze %dma_start3A_320 : memref<1x128x64xf32, #tpu.memory_space<vmem>> -> memref<128x64xf32, #tpu.memory_space<vmem>>
      %dma_start3A_322 = arith.constant 0 : i32
      %dma_start3A_323 = tpu.memref_slice %arg5[%add3A_316, %dma_start3A_322] : memref<819200x64xf32, #tpu.memory_space<hbm>> -> memref<128x64xf32, #tpu.memory_space<hbm>>
      %dma_start3A_324 = arith.constant 0 : i32
      %dma_start3A_325 = tpu.memref_slice %arg5[%add3A_316, %dma_start3A_324] : memref<819200x64xf32, #tpu.memory_space<hbm>> -> memref<128x64xf32, #tpu.memory_space<hbm>>
      %dma_start3A_326 = arith.constant 0 : i32
      %dma_start3A_327 = arith.constant 0 : i32
      %dma_start3A_328 = tpu.memref_slice %arg8[%dma_start3A_317, %dma_start3A_326, %dma_start3A_327] : memref<4x128x64xf32, #tpu.memory_space<vmem>> -> memref<1x128x64xf32, #tpu.memory_space<vmem>>
      %dma_start3A_329 = tpu.memref_squeeze %dma_start3A_328 : memref<1x128x64xf32, #tpu.memory_space<vmem>> -> memref<128x64xf32, #tpu.memory_space<vmem>>
      tpu.enqueue_dma source(%dma_start3A_329 : memref<128x64xf32, #tpu.memory_space<vmem>>) target(%dma_start3A_325 : memref<128x64xf32, #tpu.memory_space<hbm>>) target_semaphore(%arg16 : memref<!tpu.dma_semaphore, #tpu.memory_space<semaphore_mem>>)
      %add3A_330 = arith.constant 2 : i32
      %add3A_331 = arith.addi %add3A_296, %add3A_330 : i32
      %lt3A_332 = arith.constant 200 : i32
      %lt3A_333 = arith.cmpi slt, %add3A_331, %lt3A_332 : i32
      %convert_element_type3A_334 = arith.extui %lt3A_333 : i1 to i32
      %cond3A_335 = arith.constant 0 : i32
      %cond3A_336 = arith.cmpi ne, %convert_element_type3A_334, %cond3A_335 : i32
      scf.if %cond3A_336 {
        %add3A_485 = arith.constant 2 : i32
        %add3A_486 = arith.addi %add3A_296, %add3A_485 : i32
        %mul3A_487 = arith.constant 128 : i32
        %mul3A_488 = arith.muli %add3A_486, %mul3A_487 : i32
        %add3A_489 = arith.addi %mul3A_2, %mul3A_488 : i32
        %rem3A_490 = arith.constant 25 : i32
        %rem3A_491 = arith.remsi %add3A_486, %rem3A_490 : i32
        %mul3A_492 = arith.constant 128 : i32
        %mul3A_493 = arith.muli %rem3A_491, %mul3A_492 : i32
        %dma_wait3A_494 = arith.constant 3 : i32
        %dma_wait3A_495 = arith.constant 0 : i32
        %dma_wait3A_496 = tpu.memref_slice %arg6[%dma_wait3A_494, %dma_wait3A_495] : memref<4x128xi32, #tpu.memory_space<vmem>> -> memref<1x128xi32, #tpu.memory_space<vmem>>
        %dma_wait3A_497 = tpu.memref_squeeze %dma_wait3A_496 : memref<1x128xi32, #tpu.memory_space<vmem>> -> memref<128xi32, #tpu.memory_space<vmem>>
        %dma_wait3A_498 = tpu.memref_slice %arg2[%add3A_489] : memref<819200xi32, #tpu.memory_space<hbm>> -> memref<128xi32, #tpu.memory_space<hbm>>
        %dma_wait3A_499 = arith.constant 0 : i32
        %dma_wait3A_500 = tpu.memref_slice %arg6[%dma_wait3A_494, %dma_wait3A_499] : memref<4x128xi32, #tpu.memory_space<vmem>> -> memref<1x128xi32, #tpu.memory_space<vmem>>
        %dma_wait3A_501 = tpu.memref_squeeze %dma_wait3A_500 : memref<1x128xi32, #tpu.memory_space<vmem>> -> memref<128xi32, #tpu.memory_space<vmem>>
        %dma_wait3A_502 = tpu.memref_slice %arg2[%add3A_489] : memref<819200xi32, #tpu.memory_space<hbm>> -> memref<128xi32, #tpu.memory_space<hbm>>
        tpu.wait_dma2 semaphore(%arg12 : memref<!tpu.dma_semaphore, #tpu.memory_space<semaphore_mem>>) src(%dma_wait3A_502 : memref<128xi32, #tpu.memory_space<hbm>>) dst(%dma_wait3A_501 : memref<128xi32, #tpu.memory_space<vmem>>)
        %dma_wait3A_503 = arith.constant 3 : i32
        %dma_wait3A_504 = arith.constant 0 : i32
        %dma_wait3A_505 = arith.constant 0 : i32
        %dma_wait3A_506 = tpu.memref_slice %arg8[%dma_wait3A_503, %dma_wait3A_504, %dma_wait3A_505] : memref<4x128x64xf32, #tpu.memory_space<vmem>> -> memref<1x128x64xf32, #tpu.memory_space<vmem>>
        %dma_wait3A_507 = tpu.memref_squeeze %dma_wait3A_506 : memref<1x128x64xf32, #tpu.memory_space<vmem>> -> memref<128x64xf32, #tpu.memory_space<vmem>>
        %dma_wait3A_508 = arith.constant 0 : i32
        %dma_wait3A_509 = tpu.memref_slice %arg4[%mul3A_493, %dma_wait3A_508] : memref<3200x64xf32, #tpu.memory_space<hbm>> -> memref<128x64xf32, #tpu.memory_space<hbm>>
        %dma_wait3A_510 = arith.constant 0 : i32
        %dma_wait3A_511 = arith.constant 0 : i32
        %dma_wait3A_512 = tpu.memref_slice %arg8[%dma_wait3A_503, %dma_wait3A_510, %dma_wait3A_511] : memref<4x128x64xf32, #tpu.memory_space<vmem>> -> memref<1x128x64xf32, #tpu.memory_space<vmem>>
        %dma_wait3A_513 = tpu.memref_squeeze %dma_wait3A_512 : memref<1x128x64xf32, #tpu.memory_space<vmem>> -> memref<128x64xf32, #tpu.memory_space<vmem>>
        %dma_wait3A_514 = arith.constant 0 : i32
        %dma_wait3A_515 = tpu.memref_slice %arg4[%mul3A_493, %dma_wait3A_514] : memref<3200x64xf32, #tpu.memory_space<hbm>> -> memref<128x64xf32, #tpu.memory_space<hbm>>
        tpu.wait_dma2 semaphore(%arg12 : memref<!tpu.dma_semaphore, #tpu.memory_space<semaphore_mem>>) src(%dma_wait3A_515 : memref<128x64xf32, #tpu.memory_space<hbm>>) dst(%dma_wait3A_513 : memref<128x64xf32, #tpu.memory_space<vmem>>)
        %dma_start3A_516 = arith.constant 3 : i32
        %dma_start3A_517 = arith.constant 1 : i32
        %dma_start3A_518 = arith.constant 0 : i32
        %dma_start3A_519 = arith.constant 0 : i32
        %dma_start3A_520 = tpu.memref_slice %arg7[%dma_start3A_517, %dma_start3A_518, %dma_start3A_519] : memref<2x128x128xf32, #tpu.memory_space<vmem>> -> memref<1x128x128xf32, #tpu.memory_space<vmem>>
        %dma_start3A_521 = tpu.memref_squeeze %dma_start3A_520 : memref<1x128x128xf32, #tpu.memory_space<vmem>> -> memref<128x128xf32, #tpu.memory_space<vmem>>
        %dma_start3A_522 = arith.constant 0 : i32
        %dma_start3A_523 = tpu.memref_slice %arg6[%dma_start3A_516, %dma_start3A_522] : memref<4x128xi32, #tpu.memory_space<vmem>> -> memref<1x128xi32, #tpu.memory_space<vmem>>
        %dma_start3A_524 = tpu.memref_squeeze %dma_start3A_523 : memref<1x128xi32, #tpu.memory_space<vmem>> -> memref<128xi32, #tpu.memory_space<vmem>>
        %dma_start3A_525 = arith.constant 0 : i32
        %dma_start3A_526 = arith.constant 0 : i32
        %dma_start3A_527 = tpu.memref_slice %arg3[%dma_start3A_525, %dma_start3A_526] : memref<1000000x128xf32, #tpu.memory_space<hbm>> -> memref<1000000x128xf32, #tpu.memory_space<hbm>>
        tpu.enqueue_indirect_dma source(%dma_start3A_527 : memref<1000000x128xf32, #tpu.memory_space<hbm>>) target(%dma_start3A_521 : memref<128x128xf32, #tpu.memory_space<vmem>>) offsets(%dma_start3A_524 : memref<128xi32, #tpu.memory_space<vmem>>) semaphore(%arg14 : memref<!tpu.dma_semaphore, #tpu.memory_space<semaphore_mem>>)
      } else {
      }
      %add3A_337 = arith.constant 3 : i32
      %add3A_338 = arith.addi %add3A_296, %add3A_337 : i32
      %lt3A_339 = arith.constant 200 : i32
      %lt3A_340 = arith.cmpi slt, %add3A_338, %lt3A_339 : i32
      %ge3A_341 = arith.constant 1 : i32
      %ge3A_342 = arith.cmpi sge, %add3A_296, %ge3A_341 : i32
      %and3A_343 = arith.andi %lt3A_340, %ge3A_342 : i1
      %convert_element_type3A_344 = arith.extui %and3A_343 : i1 to i32
      %cond3A_345 = arith.constant 0 : i32
      %cond3A_346 = arith.cmpi ne, %convert_element_type3A_344, %cond3A_345 : i32
      scf.if %cond3A_346 {
        %sub3A = arith.constant 1 : i32
        %sub3A_485 = arith.subi %add3A_296, %sub3A : i32
        %mul3A_486 = arith.constant 128 : i32
        %mul3A_487 = arith.muli %sub3A_485, %mul3A_486 : i32
        %add3A_488 = arith.addi %mul3A_2, %mul3A_487 : i32
        %dma_wait3A_489 = arith.constant 0 : i32
        %dma_wait3A_490 = arith.constant 0 : i32
        %dma_wait3A_491 = arith.constant 0 : i32
        %dma_wait3A_492 = tpu.memref_slice %arg8[%dma_wait3A_489, %dma_wait3A_490, %dma_wait3A_491] : memref<4x128x64xf32, #tpu.memory_space<vmem>> -> memref<1x128x64xf32, #tpu.memory_space<vmem>>
        %dma_wait3A_493 = tpu.memref_squeeze %dma_wait3A_492 : memref<1x128x64xf32, #tpu.memory_space<vmem>> -> memref<128x64xf32, #tpu.memory_space<vmem>>
        %dma_wait3A_494 = arith.constant 0 : i32
        %dma_wait3A_495 = tpu.memref_slice %arg5[%add3A_488, %dma_wait3A_494] : memref<819200x64xf32, #tpu.memory_space<hbm>> -> memref<128x64xf32, #tpu.memory_space<hbm>>
        %dma_wait3A_496 = arith.constant 0 : i32
        %dma_wait3A_497 = tpu.memref_slice %arg5[%add3A_488, %dma_wait3A_496] : memref<819200x64xf32, #tpu.memory_space<hbm>> -> memref<128x64xf32, #tpu.memory_space<hbm>>
        %dma_wait3A_498 = arith.constant 0 : i32
        %dma_wait3A_499 = arith.constant 0 : i32
        %dma_wait3A_500 = tpu.memref_slice %arg8[%dma_wait3A_489, %dma_wait3A_498, %dma_wait3A_499] : memref<4x128x64xf32, #tpu.memory_space<vmem>> -> memref<1x128x64xf32, #tpu.memory_space<vmem>>
        %dma_wait3A_501 = tpu.memref_squeeze %dma_wait3A_500 : memref<1x128x64xf32, #tpu.memory_space<vmem>> -> memref<128x64xf32, #tpu.memory_space<vmem>>
        tpu.wait_dma2 semaphore(%arg15 : memref<!tpu.dma_semaphore, #tpu.memory_space<semaphore_mem>>) src(%dma_wait3A_501 : memref<128x64xf32, #tpu.memory_space<vmem>>) dst(%dma_wait3A_497 : memref<128x64xf32, #tpu.memory_space<hbm>>)
        %add3A_502 = arith.constant 3 : i32
        %add3A_503 = arith.addi %add3A_296, %add3A_502 : i32
        %mul3A_504 = arith.constant 128 : i32
        %mul3A_505 = arith.muli %add3A_503, %mul3A_504 : i32
        %add3A_506 = arith.addi %mul3A_2, %mul3A_505 : i32
        %rem3A_507 = arith.constant 25 : i32
        %rem3A_508 = arith.remsi %add3A_503, %rem3A_507 : i32
        %mul3A_509 = arith.constant 128 : i32
        %mul3A_510 = arith.muli %rem3A_508, %mul3A_509 : i32
        %dma_start3A_511 = arith.constant 0 : i32
        %dma_start3A_512 = arith.constant 0 : i32
        %dma_start3A_513 = tpu.memref_slice %arg6[%dma_start3A_511, %dma_start3A_512] : memref<4x128xi32, #tpu.memory_space<vmem>> -> memref<1x128xi32, #tpu.memory_space<vmem>>
        %dma_start3A_514 = tpu.memref_squeeze %dma_start3A_513 : memref<1x128xi32, #tpu.memory_space<vmem>> -> memref<128xi32, #tpu.memory_space<vmem>>
        %dma_start3A_515 = tpu.memref_slice %arg2[%add3A_506] : memref<819200xi32, #tpu.memory_space<hbm>> -> memref<128xi32, #tpu.memory_space<hbm>>
        %dma_start3A_516 = arith.constant 0 : i32
        %dma_start3A_517 = tpu.memref_slice %arg6[%dma_start3A_511, %dma_start3A_516] : memref<4x128xi32, #tpu.memory_space<vmem>> -> memref<1x128xi32, #tpu.memory_space<vmem>>
        %dma_start3A_518 = tpu.memref_squeeze %dma_start3A_517 : memref<1x128xi32, #tpu.memory_space<vmem>> -> memref<128xi32, #tpu.memory_space<vmem>>
        %dma_start3A_519 = tpu.memref_slice %arg2[%add3A_506] : memref<819200xi32, #tpu.memory_space<hbm>> -> memref<128xi32, #tpu.memory_space<hbm>>
        tpu.enqueue_dma source(%dma_start3A_519 : memref<128xi32, #tpu.memory_space<hbm>>) target(%dma_start3A_518 : memref<128xi32, #tpu.memory_space<vmem>>) target_semaphore(%arg9 : memref<!tpu.dma_semaphore, #tpu.memory_space<semaphore_mem>>)
        %dma_start3A_520 = arith.constant 0 : i32
        %dma_start3A_521 = arith.constant 0 : i32
        %dma_start3A_522 = arith.constant 0 : i32
        %dma_start3A_523 = tpu.memref_slice %arg8[%dma_start3A_520, %dma_start3A_521, %dma_start3A_522] : memref<4x128x64xf32, #tpu.memory_space<vmem>> -> memref<1x128x64xf32, #tpu.memory_space<vmem>>
        %dma_start3A_524 = tpu.memref_squeeze %dma_start3A_523 : memref<1x128x64xf32, #tpu.memory_space<vmem>> -> memref<128x64xf32, #tpu.memory_space<vmem>>
        %dma_start3A_525 = arith.constant 0 : i32
        %dma_start3A_526 = tpu.memref_slice %arg4[%mul3A_510, %dma_start3A_525] : memref<3200x64xf32, #tpu.memory_space<hbm>> -> memref<128x64xf32, #tpu.memory_space<hbm>>
        %dma_start3A_527 = arith.constant 0 : i32
        %dma_start3A_528 = arith.constant 0 : i32
        %dma_start3A_529 = tpu.memref_slice %arg8[%dma_start3A_520, %dma_start3A_527, %dma_start3A_528] : memref<4x128x64xf32, #tpu.memory_space<vmem>> -> memref<1x128x64xf32, #tpu.memory_space<vmem>>
        %dma_start3A_530 = tpu.memref_squeeze %dma_start3A_529 : memref<1x128x64xf32, #tpu.memory_space<vmem>> -> memref<128x64xf32, #tpu.memory_space<vmem>>
        %dma_start3A_531 = arith.constant 0 : i32
        %dma_start3A_532 = tpu.memref_slice %arg4[%mul3A_510, %dma_start3A_531] : memref<3200x64xf32, #tpu.memory_space<hbm>> -> memref<128x64xf32, #tpu.memory_space<hbm>>
        tpu.enqueue_dma source(%dma_start3A_532 : memref<128x64xf32, #tpu.memory_space<hbm>>) target(%dma_start3A_530 : memref<128x64xf32, #tpu.memory_space<vmem>>) target_semaphore(%arg9 : memref<!tpu.dma_semaphore, #tpu.memory_space<semaphore_mem>>)
      } else {
      }
      %add3A_347 = arith.constant 3 : i32
      %add3A_348 = arith.addi %add3A_296, %add3A_347 : i32
      %lt3A_349 = arith.constant 200 : i32
      %lt3A_350 = arith.cmpi slt, %add3A_348, %lt3A_349 : i32
      %lt3A_351 = arith.constant 1 : i32
      %lt3A_352 = arith.cmpi slt, %add3A_296, %lt3A_351 : i32
      %and3A_353 = arith.andi %lt3A_350, %lt3A_352 : i1
      %convert_element_type3A_354 = arith.extui %and3A_353 : i1 to i32
      %cond3A_355 = arith.constant 0 : i32
      %cond3A_356 = arith.cmpi ne, %convert_element_type3A_354, %cond3A_355 : i32
      scf.if %cond3A_356 {
        %add3A_485 = arith.constant 3 : i32
        %add3A_486 = arith.addi %add3A_296, %add3A_485 : i32
        %mul3A_487 = arith.constant 128 : i32
        %mul3A_488 = arith.muli %add3A_486, %mul3A_487 : i32
        %add3A_489 = arith.addi %mul3A_2, %mul3A_488 : i32
        %rem3A_490 = arith.constant 25 : i32
        %rem3A_491 = arith.remsi %add3A_486, %rem3A_490 : i32
        %mul3A_492 = arith.constant 128 : i32
        %mul3A_493 = arith.muli %rem3A_491, %mul3A_492 : i32
        %dma_start3A_494 = arith.constant 0 : i32
        %dma_start3A_495 = arith.constant 0 : i32
        %dma_start3A_496 = tpu.memref_slice %arg6[%dma_start3A_494, %dma_start3A_495] : memref<4x128xi32, #tpu.memory_space<vmem>> -> memref<1x128xi32, #tpu.memory_space<vmem>>
        %dma_start3A_497 = tpu.memref_squeeze %dma_start3A_496 : memref<1x128xi32, #tpu.memory_space<vmem>> -> memref<128xi32, #tpu.memory_space<vmem>>
        %dma_start3A_498 = tpu.memref_slice %arg2[%add3A_489] : memref<819200xi32, #tpu.memory_space<hbm>> -> memref<128xi32, #tpu.memory_space<hbm>>
        %dma_start3A_499 = arith.constant 0 : i32
        %dma_start3A_500 = tpu.memref_slice %arg6[%dma_start3A_494, %dma_start3A_499] : memref<4x128xi32, #tpu.memory_space<vmem>> -> memref<1x128xi32, #tpu.memory_space<vmem>>
        %dma_start3A_501 = tpu.memref_squeeze %dma_start3A_500 : memref<1x128xi32, #tpu.memory_space<vmem>> -> memref<128xi32, #tpu.memory_space<vmem>>
        %dma_start3A_502 = tpu.memref_slice %arg2[%add3A_489] : memref<819200xi32, #tpu.memory_space<hbm>> -> memref<128xi32, #tpu.memory_space<hbm>>
        tpu.enqueue_dma source(%dma_start3A_502 : memref<128xi32, #tpu.memory_space<hbm>>) target(%dma_start3A_501 : memref<128xi32, #tpu.memory_space<vmem>>) target_semaphore(%arg9 : memref<!tpu.dma_semaphore, #tpu.memory_space<semaphore_mem>>)
        %dma_start3A_503 = arith.constant 0 : i32
        %dma_start3A_504 = arith.constant 0 : i32
        %dma_start3A_505 = arith.constant 0 : i32
        %dma_start3A_506 = tpu.memref_slice %arg8[%dma_start3A_503, %dma_start3A_504, %dma_start3A_505] : memref<4x128x64xf32, #tpu.memory_space<vmem>> -> memref<1x128x64xf32, #tpu.memory_space<vmem>>
        %dma_start3A_507 = tpu.memref_squeeze %dma_start3A_506 : memref<1x128x64xf32, #tpu.memory_space<vmem>> -> memref<128x64xf32, #tpu.memory_space<vmem>>
        %dma_start3A_508 = arith.constant 0 : i32
        %dma_start3A_509 = tpu.memref_slice %arg4[%mul3A_493, %dma_start3A_508] : memref<3200x64xf32, #tpu.memory_space<hbm>> -> memref<128x64xf32, #tpu.memory_space<hbm>>
        %dma_start3A_510 = arith.constant 0 : i32
        %dma_start3A_511 = arith.constant 0 : i32
        %dma_start3A_512 = tpu.memref_slice %arg8[%dma_start3A_503, %dma_start3A_510, %dma_start3A_511] : memref<4x128x64xf32, #tpu.memory_space<vmem>> -> memref<1x128x64xf32, #tpu.memory_space<vmem>>
        %dma_start3A_513 = tpu.memref_squeeze %dma_start3A_512 : memref<1x128x64xf32, #tpu.memory_space<vmem>> -> memref<128x64xf32, #tpu.memory_space<vmem>>
        %dma_start3A_514 = arith.constant 0 : i32
        %dma_start3A_515 = tpu.memref_slice %arg4[%mul3A_493, %dma_start3A_514] : memref<3200x64xf32, #tpu.memory_space<hbm>> -> memref<128x64xf32, #tpu.memory_space<hbm>>
        tpu.enqueue_dma source(%dma_start3A_515 : memref<128x64xf32, #tpu.memory_space<hbm>>) target(%dma_start3A_513 : memref<128x64xf32, #tpu.memory_space<vmem>>) target_semaphore(%arg9 : memref<!tpu.dma_semaphore, #tpu.memory_space<semaphore_mem>>)
      } else {
      }
      %mul3A_357 = arith.constant 4 : i32
      %mul3A_358 = arith.muli %scan3A_233, %mul3A_357 : i32
      %add3A_359 = arith.constant 2 : i32
      %add3A_360 = arith.addi %mul3A_358, %add3A_359 : i32
      %dma_wait3A_361 = arith.constant 2 : i32
      %dma_wait3A_362 = arith.constant 0 : i32
      %dma_wait3A_363 = arith.constant 0 : i32
      %dma_wait3A_364 = arith.constant 0 : i32
      %dma_wait3A_365 = tpu.memref_slice %arg7[%dma_wait3A_362, %dma_wait3A_363, %dma_wait3A_364] : memref<2x128x128xf32, #tpu.memory_space<vmem>> -> memref<1x128x128xf32, #tpu.memory_space<vmem>>
      %dma_wait3A_366 = tpu.memref_squeeze %dma_wait3A_365 : memref<1x128x128xf32, #tpu.memory_space<vmem>> -> memref<128x128xf32, #tpu.memory_space<vmem>>
      %dma_wait3A_367 = arith.constant 0 : i32
      %dma_wait3A_368 = tpu.memref_slice %arg6[%dma_wait3A_361, %dma_wait3A_367] : memref<4x128xi32, #tpu.memory_space<vmem>> -> memref<1x128xi32, #tpu.memory_space<vmem>>
      %dma_wait3A_369 = tpu.memref_squeeze %dma_wait3A_368 : memref<1x128xi32, #tpu.memory_space<vmem>> -> memref<128xi32, #tpu.memory_space<vmem>>
      %dma_wait3A_370 = arith.constant 0 : i32
      %dma_wait3A_371 = arith.constant 0 : i32
      %dma_wait3A_372 = tpu.memref_slice %arg3[%dma_wait3A_370, %dma_wait3A_371] : memref<1000000x128xf32, #tpu.memory_space<hbm>> -> memref<1000000x128xf32, #tpu.memory_space<hbm>>
      tpu.wait_indirect_dma semaphore(%arg13 : memref<!tpu.dma_semaphore, #tpu.memory_space<semaphore_mem>>) src(%dma_wait3A_372 : memref<1000000x128xf32, #tpu.memory_space<hbm>>) dst(%dma_wait3A_366 : memref<128x128xf32, #tpu.memory_space<vmem>>)
      %scan3A_373 = arith.constant 0 : i32
      %scan3A_374 = arith.constant 32 : i32
      %scan3A_375 = arith.addi %scan3A_373, %scan3A_374 : i32
      %scan3A_376 = arith.constant 1 : i32
      scf.for %scan3A_485 = %scan3A_373 to %scan3A_375 step %scan3A_376  : i32 {
        %mul3A_486 = arith.constant 4 : i32
        %mul3A_487 = arith.muli %scan3A_485, %mul3A_486 : i32
        %add3A_488 = arith.constant 0 : i32
        %add3A_489 = arith.addi %mul3A_487, %add3A_488 : i32
        %get3A = arith.constant 0 : i32
        %get3A_490 = arith.index_cast %get3A : i32 to index
        %get3A_491 = arith.index_cast %add3A_489 : i32 to index
        %get3A_492 = arith.constant 0 : index
        %get3A_493 = tpu.vector_load %arg7[%get3A_490, %get3A_491, %get3A_492] {strides = array<i32>} : memref<2x128x128xf32, #tpu.memory_space<vmem>>, vector<1x1x16xf32>,
        %get3A_494 = vector.shape_cast %get3A_493 : vector<1x1x16xf32> to vector<16xf32>
        %swap3A = arith.constant 2 : i32
        %swap3A_495 = arith.index_cast %swap3A : i32 to index
        %swap3A_496 = arith.index_cast %add3A_489 : i32 to index
        %swap3A_497 = arith.constant 0 : index
        %swap3A_498 = tpu.vector_load %arg8[%swap3A_495, %swap3A_496, %swap3A_497] {strides = array<i32>} : memref<4x128x64xf32, #tpu.memory_space<vmem>>, vector<1x1x16xf32>,
        %swap3A_499 = vector.shape_cast %swap3A_498 : vector<1x1x16xf32> to vector<16xf32>
        %swap3A_500 = vector.shape_cast %get3A_494 : vector<16xf32> to vector<1x1x16xf32>
        tpu.vector_store %arg8[%swap3A_495, %swap3A_496, %swap3A_497], %swap3A_500 {add = true, strides = array<i32>} : memref<4x128x64xf32, #tpu.memory_space<vmem>>, vector<1x1x16xf32>,
        %get3A_501 = arith.constant 0 : i32
        %get3A_502 = arith.index_cast %get3A_501 : i32 to index
        %get3A_503 = arith.index_cast %add3A_489 : i32 to index
        %get3A_504 = arith.constant 16 : index
        %get3A_505 = tpu.vector_load %arg7[%get3A_502, %get3A_503, %get3A_504] {strides = array<i32>} : memref<2x128x128xf32, #tpu.memory_space<vmem>>, vector<1x1x16xf32>,
        %get3A_506 = vector.shape_cast %get3A_505 : vector<1x1x16xf32> to vector<16xf32>
        %swap3A_507 = arith.constant 2 : i32
        %swap3A_508 = arith.index_cast %swap3A_507 : i32 to index
        %swap3A_509 = arith.index_cast %add3A_489 : i32 to index
        %swap3A_510 = arith.constant 16 : index
        %swap3A_511 = tpu.vector_load %arg8[%swap3A_508, %swap3A_509, %swap3A_510] {strides = array<i32>} : memref<4x128x64xf32, #tpu.memory_space<vmem>>, vector<1x1x16xf32>,
        %swap3A_512 = vector.shape_cast %swap3A_511 : vector<1x1x16xf32> to vector<16xf32>
        %swap3A_513 = vector.shape_cast %get3A_506 : vector<16xf32> to vector<1x1x16xf32>
        tpu.vector_store %arg8[%swap3A_508, %swap3A_509, %swap3A_510], %swap3A_513 {add = true, strides = array<i32>} : memref<4x128x64xf32, #tpu.memory_space<vmem>>, vector<1x1x16xf32>,
        %get3A_514 = arith.constant 0 : i32
        %get3A_515 = arith.index_cast %get3A_514 : i32 to index
        %get3A_516 = arith.index_cast %add3A_489 : i32 to index
        %get3A_517 = arith.constant 32 : index
        %get3A_518 = tpu.vector_load %arg7[%get3A_515, %get3A_516, %get3A_517] {strides = array<i32>} : memref<2x128x128xf32, #tpu.memory_space<vmem>>, vector<1x1x16xf32>,
        %get3A_519 = vector.shape_cast %get3A_518 : vector<1x1x16xf32> to vector<16xf32>
        %swap3A_520 = arith.constant 2 : i32
        %swap3A_521 = arith.index_cast %swap3A_520 : i32 to index
        %swap3A_522 = arith.index_cast %add3A_489 : i32 to index
        %swap3A_523 = arith.constant 32 : index
        %swap3A_524 = tpu.vector_load %arg8[%swap3A_521, %swap3A_522, %swap3A_523] {strides = array<i32>} : memref<4x128x64xf32, #tpu.memory_space<vmem>>, vector<1x1x16xf32>,
        %swap3A_525 = vector.shape_cast %swap3A_524 : vector<1x1x16xf32> to vector<16xf32>
        %swap3A_526 = vector.shape_cast %get3A_519 : vector<16xf32> to vector<1x1x16xf32>
        tpu.vector_store %arg8[%swap3A_521, %swap3A_522, %swap3A_523], %swap3A_526 {add = true, strides = array<i32>} : memref<4x128x64xf32, #tpu.memory_space<vmem>>, vector<1x1x16xf32>,
        %get3A_527 = arith.constant 0 : i32
        %get3A_528 = arith.index_cast %get3A_527 : i32 to index
        %get3A_529 = arith.index_cast %add3A_489 : i32 to index
        %get3A_530 = arith.constant 48 : index
        %get3A_531 = tpu.vector_load %arg7[%get3A_528, %get3A_529, %get3A_530] {strides = array<i32>} : memref<2x128x128xf32, #tpu.memory_space<vmem>>, vector<1x1x16xf32>,
        %get3A_532 = vector.shape_cast %get3A_531 : vector<1x1x16xf32> to vector<16xf32>
        %swap3A_533 = arith.constant 2 : i32
        %swap3A_534 = arith.index_cast %swap3A_533 : i32 to index
        %swap3A_535 = arith.index_cast %add3A_489 : i32 to index
        %swap3A_536 = arith.constant 48 : index
        %swap3A_537 = tpu.vector_load %arg8[%swap3A_534, %swap3A_535, %swap3A_536] {strides = array<i32>} : memref<4x128x64xf32, #tpu.memory_space<vmem>>, vector<1x1x16xf32>,
        %swap3A_538 = vector.shape_cast %swap3A_537 : vector<1x1x16xf32> to vector<16xf32>
        %swap3A_539 = vector.shape_cast %get3A_532 : vector<16xf32> to vector<1x1x16xf32>
        tpu.vector_store %arg8[%swap3A_534, %swap3A_535, %swap3A_536], %swap3A_539 {add = true, strides = array<i32>} : memref<4x128x64xf32, #tpu.memory_space<vmem>>, vector<1x1x16xf32>,
        %mul3A_540 = arith.constant 4 : i32
        %mul3A_541 = arith.muli %scan3A_485, %mul3A_540 : i32
        %add3A_542 = arith.constant 1 : i32
        %add3A_543 = arith.addi %mul3A_541, %add3A_542 : i32
        %get3A_544 = arith.constant 0 : i32
        %get3A_545 = arith.index_cast %get3A_544 : i32 to index
        %get3A_546 = arith.index_cast %add3A_543 : i32 to index
        %get3A_547 = arith.constant 0 : index
        %get3A_548 = tpu.vector_load %arg7[%get3A_545, %get3A_546, %get3A_547] {strides = array<i32>} : memref<2x128x128xf32, #tpu.memory_space<vmem>>, vector<1x1x16xf32>,
        %get3A_549 = vector.shape_cast %get3A_548 : vector<1x1x16xf32> to vector<16xf32>
        %swap3A_550 = arith.constant 2 : i32
        %swap3A_551 = arith.index_cast %swap3A_550 : i32 to index
        %swap3A_552 = arith.index_cast %add3A_543 : i32 to index
        %swap3A_553 = arith.constant 0 : index
        %swap3A_554 = tpu.vector_load %arg8[%swap3A_551, %swap3A_552, %swap3A_553] {strides = array<i32>} : memref<4x128x64xf32, #tpu.memory_space<vmem>>, vector<1x1x16xf32>,
        %swap3A_555 = vector.shape_cast %swap3A_554 : vector<1x1x16xf32> to vector<16xf32>
        %swap3A_556 = vector.shape_cast %get3A_549 : vector<16xf32> to vector<1x1x16xf32>
        tpu.vector_store %arg8[%swap3A_551, %swap3A_552, %swap3A_553], %swap3A_556 {add = true, strides = array<i32>} : memref<4x128x64xf32, #tpu.memory_space<vmem>>, vector<1x1x16xf32>,
        %get3A_557 = arith.constant 0 : i32
        %get3A_558 = arith.index_cast %get3A_557 : i32 to index
        %get3A_559 = arith.index_cast %add3A_543 : i32 to index
        %get3A_560 = arith.constant 16 : index
        %get3A_561 = tpu.vector_load %arg7[%get3A_558, %get3A_559, %get3A_560] {strides = array<i32>} : memref<2x128x128xf32, #tpu.memory_space<vmem>>, vector<1x1x16xf32>,
        %get3A_562 = vector.shape_cast %get3A_561 : vector<1x1x16xf32> to vector<16xf32>
        %swap3A_563 = arith.constant 2 : i32
        %swap3A_564 = arith.index_cast %swap3A_563 : i32 to index
        %swap3A_565 = arith.index_cast %add3A_543 : i32 to index
        %swap3A_566 = arith.constant 16 : index
        %swap3A_567 = tpu.vector_load %arg8[%swap3A_564, %swap3A_565, %swap3A_566] {strides = array<i32>} : memref<4x128x64xf32, #tpu.memory_space<vmem>>, vector<1x1x16xf32>,
        %swap3A_568 = vector.shape_cast %swap3A_567 : vector<1x1x16xf32> to vector<16xf32>
        %swap3A_569 = vector.shape_cast %get3A_562 : vector<16xf32> to vector<1x1x16xf32>
        tpu.vector_store %arg8[%swap3A_564, %swap3A_565, %swap3A_566], %swap3A_569 {add = true, strides = array<i32>} : memref<4x128x64xf32, #tpu.memory_space<vmem>>, vector<1x1x16xf32>,
        %get3A_570 = arith.constant 0 : i32
        %get3A_571 = arith.index_cast %get3A_570 : i32 to index
        %get3A_572 = arith.index_cast %add3A_543 : i32 to index
        %get3A_573 = arith.constant 32 : index
        %get3A_574 = tpu.vector_load %arg7[%get3A_571, %get3A_572, %get3A_573] {strides = array<i32>} : memref<2x128x128xf32, #tpu.memory_space<vmem>>, vector<1x1x16xf32>,
        %get3A_575 = vector.shape_cast %get3A_574 : vector<1x1x16xf32> to vector<16xf32>
        %swap3A_576 = arith.constant 2 : i32
        %swap3A_577 = arith.index_cast %swap3A_576 : i32 to index
        %swap3A_578 = arith.index_cast %add3A_543 : i32 to index
        %swap3A_579 = arith.constant 32 : index
        %swap3A_580 = tpu.vector_load %arg8[%swap3A_577, %swap3A_578, %swap3A_579] {strides = array<i32>} : memref<4x128x64xf32, #tpu.memory_space<vmem>>, vector<1x1x16xf32>,
        %swap3A_581 = vector.shape_cast %swap3A_580 : vector<1x1x16xf32> to vector<16xf32>
        %swap3A_582 = vector.shape_cast %get3A_575 : vector<16xf32> to vector<1x1x16xf32>
        tpu.vector_store %arg8[%swap3A_577, %swap3A_578, %swap3A_579], %swap3A_582 {add = true, strides = array<i32>} : memref<4x128x64xf32, #tpu.memory_space<vmem>>, vector<1x1x16xf32>,
        %get3A_583 = arith.constant 0 : i32
        %get3A_584 = arith.index_cast %get3A_583 : i32 to index
        %get3A_585 = arith.index_cast %add3A_543 : i32 to index
        %get3A_586 = arith.constant 48 : index
        %get3A_587 = tpu.vector_load %arg7[%get3A_584, %get3A_585, %get3A_586] {strides = array<i32>} : memref<2x128x128xf32, #tpu.memory_space<vmem>>, vector<1x1x16xf32>,
        %get3A_588 = vector.shape_cast %get3A_587 : vector<1x1x16xf32> to vector<16xf32>
        %swap3A_589 = arith.constant 2 : i32
        %swap3A_590 = arith.index_cast %swap3A_589 : i32 to index
        %swap3A_591 = arith.index_cast %add3A_543 : i32 to index
        %swap3A_592 = arith.constant 48 : index
        %swap3A_593 = tpu.vector_load %arg8[%swap3A_590, %swap3A_591, %swap3A_592] {strides = array<i32>} : memref<4x128x64xf32, #tpu.memory_space<vmem>>, vector<1x1x16xf32>,
        %swap3A_594 = vector.shape_cast %swap3A_593 : vector<1x1x16xf32> to vector<16xf32>
        %swap3A_595 = vector.shape_cast %get3A_588 : vector<16xf32> to vector<1x1x16xf32>
        tpu.vector_store %arg8[%swap3A_590, %swap3A_591, %swap3A_592], %swap3A_595 {add = true, strides = array<i32>} : memref<4x128x64xf32, #tpu.memory_space<vmem>>, vector<1x1x16xf32>,
        %mul3A_596 = arith.constant 4 : i32
        %mul3A_597 = arith.muli %scan3A_485, %mul3A_596 : i32
        %add3A_598 = arith.constant 2 : i32
        %add3A_599 = arith.addi %mul3A_597, %add3A_598 : i32
        %get3A_600 = arith.constant 0 : i32
        %get3A_601 = arith.index_cast %get3A_600 : i32 to index
        %get3A_602 = arith.index_cast %add3A_599 : i32 to index
        %get3A_603 = arith.constant 0 : index
        %get3A_604 = tpu.vector_load %arg7[%get3A_601, %get3A_602, %get3A_603] {strides = array<i32>} : memref<2x128x128xf32, #tpu.memory_space<vmem>>, vector<1x1x16xf32>,
        %get3A_605 = vector.shape_cast %get3A_604 : vector<1x1x16xf32> to vector<16xf32>
        %swap3A_606 = arith.constant 2 : i32
        %swap3A_607 = arith.index_cast %swap3A_606 : i32 to index
        %swap3A_608 = arith.index_cast %add3A_599 : i32 to index
        %swap3A_609 = arith.constant 0 : index
        %swap3A_610 = tpu.vector_load %arg8[%swap3A_607, %swap3A_608, %swap3A_609] {strides = array<i32>} : memref<4x128x64xf32, #tpu.memory_space<vmem>>, vector<1x1x16xf32>,
        %swap3A_611 = vector.shape_cast %swap3A_610 : vector<1x1x16xf32> to vector<16xf32>
        %swap3A_612 = vector.shape_cast %get3A_605 : vector<16xf32> to vector<1x1x16xf32>
        tpu.vector_store %arg8[%swap3A_607, %swap3A_608, %swap3A_609], %swap3A_612 {add = true, strides = array<i32>} : memref<4x128x64xf32, #tpu.memory_space<vmem>>, vector<1x1x16xf32>,
        %get3A_613 = arith.constant 0 : i32
        %get3A_614 = arith.index_cast %get3A_613 : i32 to index
        %get3A_615 = arith.index_cast %add3A_599 : i32 to index
        %get3A_616 = arith.constant 16 : index
        %get3A_617 = tpu.vector_load %arg7[%get3A_614, %get3A_615, %get3A_616] {strides = array<i32>} : memref<2x128x128xf32, #tpu.memory_space<vmem>>, vector<1x1x16xf32>,
        %get3A_618 = vector.shape_cast %get3A_617 : vector<1x1x16xf32> to vector<16xf32>
        %swap3A_619 = arith.constant 2 : i32
        %swap3A_620 = arith.index_cast %swap3A_619 : i32 to index
        %swap3A_621 = arith.index_cast %add3A_599 : i32 to index
        %swap3A_622 = arith.constant 16 : index
        %swap3A_623 = tpu.vector_load %arg8[%swap3A_620, %swap3A_621, %swap3A_622] {strides = array<i32>} : memref<4x128x64xf32, #tpu.memory_space<vmem>>, vector<1x1x16xf32>,
        %swap3A_624 = vector.shape_cast %swap3A_623 : vector<1x1x16xf32> to vector<16xf32>
        %swap3A_625 = vector.shape_cast %get3A_618 : vector<16xf32> to vector<1x1x16xf32>
        tpu.vector_store %arg8[%swap3A_620, %swap3A_621, %swap3A_622], %swap3A_625 {add = true, strides = array<i32>} : memref<4x128x64xf32, #tpu.memory_space<vmem>>, vector<1x1x16xf32>,
        %get3A_626 = arith.constant 0 : i32
        %get3A_627 = arith.index_cast %get3A_626 : i32 to index
        %get3A_628 = arith.index_cast %add3A_599 : i32 to index
        %get3A_629 = arith.constant 32 : index
        %get3A_630 = tpu.vector_load %arg7[%get3A_627, %get3A_628, %get3A_629] {strides = array<i32>} : memref<2x128x128xf32, #tpu.memory_space<vmem>>, vector<1x1x16xf32>,
        %get3A_631 = vector.shape_cast %get3A_630 : vector<1x1x16xf32> to vector<16xf32>
        %swap3A_632 = arith.constant 2 : i32
        %swap3A_633 = arith.index_cast %swap3A_632 : i32 to index
        %swap3A_634 = arith.index_cast %add3A_599 : i32 to index
        %swap3A_635 = arith.constant 32 : index
        %swap3A_636 = tpu.vector_load %arg8[%swap3A_633, %swap3A_634, %swap3A_635] {strides = array<i32>} : memref<4x128x64xf32, #tpu.memory_space<vmem>>, vector<1x1x16xf32>,
        %swap3A_637 = vector.shape_cast %swap3A_636 : vector<1x1x16xf32> to vector<16xf32>
        %swap3A_638 = vector.shape_cast %get3A_631 : vector<16xf32> to vector<1x1x16xf32>
        tpu.vector_store %arg8[%swap3A_633, %swap3A_634, %swap3A_635], %swap3A_638 {add = true, strides = array<i32>} : memref<4x128x64xf32, #tpu.memory_space<vmem>>, vector<1x1x16xf32>,
        %get3A_639 = arith.constant 0 : i32
        %get3A_640 = arith.index_cast %get3A_639 : i32 to index
        %get3A_641 = arith.index_cast %add3A_599 : i32 to index
        %get3A_642 = arith.constant 48 : index
        %get3A_643 = tpu.vector_load %arg7[%get3A_640, %get3A_641, %get3A_642] {strides = array<i32>} : memref<2x128x128xf32, #tpu.memory_space<vmem>>, vector<1x1x16xf32>,
        %get3A_644 = vector.shape_cast %get3A_643 : vector<1x1x16xf32> to vector<16xf32>
        %swap3A_645 = arith.constant 2 : i32
        %swap3A_646 = arith.index_cast %swap3A_645 : i32 to index
        %swap3A_647 = arith.index_cast %add3A_599 : i32 to index
        %swap3A_648 = arith.constant 48 : index
        %swap3A_649 = tpu.vector_load %arg8[%swap3A_646, %swap3A_647, %swap3A_648] {strides = array<i32>} : memref<4x128x64xf32, #tpu.memory_space<vmem>>, vector<1x1x16xf32>,
        %swap3A_650 = vector.shape_cast %swap3A_649 : vector<1x1x16xf32> to vector<16xf32>
        %swap3A_651 = vector.shape_cast %get3A_644 : vector<16xf32> to vector<1x1x16xf32>
        tpu.vector_store %arg8[%swap3A_646, %swap3A_647, %swap3A_648], %swap3A_651 {add = true, strides = array<i32>} : memref<4x128x64xf32, #tpu.memory_space<vmem>>, vector<1x1x16xf32>,
        %mul3A_652 = arith.constant 4 : i32
        %mul3A_653 = arith.muli %scan3A_485, %mul3A_652 : i32
        %add3A_654 = arith.constant 3 : i32
        %add3A_655 = arith.addi %mul3A_653, %add3A_654 : i32
        %get3A_656 = arith.constant 0 : i32
        %get3A_657 = arith.index_cast %get3A_656 : i32 to index
        %get3A_658 = arith.index_cast %add3A_655 : i32 to index
        %get3A_659 = arith.constant 0 : index
        %get3A_660 = tpu.vector_load %arg7[%get3A_657, %get3A_658, %get3A_659] {strides = array<i32>} : memref<2x128x128xf32, #tpu.memory_space<vmem>>, vector<1x1x16xf32>,
        %get3A_661 = vector.shape_cast %get3A_660 : vector<1x1x16xf32> to vector<16xf32>
        %swap3A_662 = arith.constant 2 : i32
        %swap3A_663 = arith.index_cast %swap3A_662 : i32 to index
        %swap3A_664 = arith.index_cast %add3A_655 : i32 to index
        %swap3A_665 = arith.constant 0 : index
        %swap3A_666 = tpu.vector_load %arg8[%swap3A_663, %swap3A_664, %swap3A_665] {strides = array<i32>} : memref<4x128x64xf32, #tpu.memory_space<vmem>>, vector<1x1x16xf32>,
        %swap3A_667 = vector.shape_cast %swap3A_666 : vector<1x1x16xf32> to vector<16xf32>
        %swap3A_668 = vector.shape_cast %get3A_661 : vector<16xf32> to vector<1x1x16xf32>
        tpu.vector_store %arg8[%swap3A_663, %swap3A_664, %swap3A_665], %swap3A_668 {add = true, strides = array<i32>} : memref<4x128x64xf32, #tpu.memory_space<vmem>>, vector<1x1x16xf32>,
        %get3A_669 = arith.constant 0 : i32
        %get3A_670 = arith.index_cast %get3A_669 : i32 to index
        %get3A_671 = arith.index_cast %add3A_655 : i32 to index
        %get3A_672 = arith.constant 16 : index
        %get3A_673 = tpu.vector_load %arg7[%get3A_670, %get3A_671, %get3A_672] {strides = array<i32>} : memref<2x128x128xf32, #tpu.memory_space<vmem>>, vector<1x1x16xf32>,
        %get3A_674 = vector.shape_cast %get3A_673 : vector<1x1x16xf32> to vector<16xf32>
        %swap3A_675 = arith.constant 2 : i32
        %swap3A_676 = arith.index_cast %swap3A_675 : i32 to index
        %swap3A_677 = arith.index_cast %add3A_655 : i32 to index
        %swap3A_678 = arith.constant 16 : index
        %swap3A_679 = tpu.vector_load %arg8[%swap3A_676, %swap3A_677, %swap3A_678] {strides = array<i32>} : memref<4x128x64xf32, #tpu.memory_space<vmem>>, vector<1x1x16xf32>,
        %swap3A_680 = vector.shape_cast %swap3A_679 : vector<1x1x16xf32> to vector<16xf32>
        %swap3A_681 = vector.shape_cast %get3A_674 : vector<16xf32> to vector<1x1x16xf32>
        tpu.vector_store %arg8[%swap3A_676, %swap3A_677, %swap3A_678], %swap3A_681 {add = true, strides = array<i32>} : memref<4x128x64xf32, #tpu.memory_space<vmem>>, vector<1x1x16xf32>,
        %get3A_682 = arith.constant 0 : i32
        %get3A_683 = arith.index_cast %get3A_682 : i32 to index
        %get3A_684 = arith.index_cast %add3A_655 : i32 to index
        %get3A_685 = arith.constant 32 : index
        %get3A_686 = tpu.vector_load %arg7[%get3A_683, %get3A_684, %get3A_685] {strides = array<i32>} : memref<2x128x128xf32, #tpu.memory_space<vmem>>, vector<1x1x16xf32>,
        %get3A_687 = vector.shape_cast %get3A_686 : vector<1x1x16xf32> to vector<16xf32>
        %swap3A_688 = arith.constant 2 : i32
        %swap3A_689 = arith.index_cast %swap3A_688 : i32 to index
        %swap3A_690 = arith.index_cast %add3A_655 : i32 to index
        %swap3A_691 = arith.constant 32 : index
        %swap3A_692 = tpu.vector_load %arg8[%swap3A_689, %swap3A_690, %swap3A_691] {strides = array<i32>} : memref<4x128x64xf32, #tpu.memory_space<vmem>>, vector<1x1x16xf32>,
        %swap3A_693 = vector.shape_cast %swap3A_692 : vector<1x1x16xf32> to vector<16xf32>
        %swap3A_694 = vector.shape_cast %get3A_687 : vector<16xf32> to vector<1x1x16xf32>
        tpu.vector_store %arg8[%swap3A_689, %swap3A_690, %swap3A_691], %swap3A_694 {add = true, strides = array<i32>} : memref<4x128x64xf32, #tpu.memory_space<vmem>>, vector<1x1x16xf32>,
        %get3A_695 = arith.constant 0 : i32
        %get3A_696 = arith.index_cast %get3A_695 : i32 to index
        %get3A_697 = arith.index_cast %add3A_655 : i32 to index
        %get3A_698 = arith.constant 48 : index
        %get3A_699 = tpu.vector_load %arg7[%get3A_696, %get3A_697, %get3A_698] {strides = array<i32>} : memref<2x128x128xf32, #tpu.memory_space<vmem>>, vector<1x1x16xf32>,
        %get3A_700 = vector.shape_cast %get3A_699 : vector<1x1x16xf32> to vector<16xf32>
        %swap3A_701 = arith.constant 2 : i32
        %swap3A_702 = arith.index_cast %swap3A_701 : i32 to index
        %swap3A_703 = arith.index_cast %add3A_655 : i32 to index
        %swap3A_704 = arith.constant 48 : index
        %swap3A_705 = tpu.vector_load %arg8[%swap3A_702, %swap3A_703, %swap3A_704] {strides = array<i32>} : memref<4x128x64xf32, #tpu.memory_space<vmem>>, vector<1x1x16xf32>,
        %swap3A_706 = vector.shape_cast %swap3A_705 : vector<1x1x16xf32> to vector<16xf32>
        %swap3A_707 = vector.shape_cast %get3A_700 : vector<16xf32> to vector<1x1x16xf32>
        tpu.vector_store %arg8[%swap3A_702, %swap3A_703, %swap3A_704], %swap3A_707 {add = true, strides = array<i32>} : memref<4x128x64xf32, #tpu.memory_space<vmem>>, vector<1x1x16xf32>,
      }
      %scan3A_377 = arith.constant 32 : i32
      %mul3A_378 = arith.constant 128 : i32
      %mul3A_379 = arith.muli %add3A_360, %mul3A_378 : i32
      %add3A_380 = arith.addi %mul3A_2, %mul3A_379 : i32
      %dma_start3A_381 = arith.constant 2 : i32
      %dma_start3A_382 = arith.constant 0 : i32
      %dma_start3A_383 = arith.constant 0 : i32
      %dma_start3A_384 = tpu.memref_slice %arg8[%dma_start3A_381, %dma_start3A_382, %dma_start3A_383] : memref<4x128x64xf32, #tpu.memory_space<vmem>> -> memref<1x128x64xf32, #tpu.memory_space<vmem>>
      %dma_start3A_385 = tpu.memref_squeeze %dma_start3A_384 : memref<1x128x64xf32, #tpu.memory_space<vmem>> -> memref<128x64xf32, #tpu.memory_space<vmem>>
      %dma_start3A_386 = arith.constant 0 : i32
      %dma_start3A_387 = tpu.memref_slice %arg5[%add3A_380, %dma_start3A_386] : memref<819200x64xf32, #tpu.memory_space<hbm>> -> memref<128x64xf32, #tpu.memory_space<hbm>>
      %dma_start3A_388 = arith.constant 0 : i32
      %dma_start3A_389 = tpu.memref_slice %arg5[%add3A_380, %dma_start3A_388] : memref<819200x64xf32, #tpu.memory_space<hbm>> -> memref<128x64xf32, #tpu.memory_space<hbm>>
      %dma_start3A_390 = arith.constant 0 : i32
      %dma_start3A_391 = arith.constant 0 : i32
      %dma_start3A_392 = tpu.memref_slice %arg8[%dma_start3A_381, %dma_start3A_390, %dma_start3A_391] : memref<4x128x64xf32, #tpu.memory_space<vmem>> -> memref<1x128x64xf32, #tpu.memory_space<vmem>>
      %dma_start3A_393 = tpu.memref_squeeze %dma_start3A_392 : memref<1x128x64xf32, #tpu.memory_space<vmem>> -> memref<128x64xf32, #tpu.memory_space<vmem>>
      tpu.enqueue_dma source(%dma_start3A_393 : memref<128x64xf32, #tpu.memory_space<vmem>>) target(%dma_start3A_389 : memref<128x64xf32, #tpu.memory_space<hbm>>) target_semaphore(%arg17 : memref<!tpu.dma_semaphore, #tpu.memory_space<semaphore_mem>>)
      %add3A_394 = arith.constant 2 : i32
      %add3A_395 = arith.addi %add3A_360, %add3A_394 : i32
      %lt3A_396 = arith.constant 200 : i32
      %lt3A_397 = arith.cmpi slt, %add3A_395, %lt3A_396 : i32
      %convert_element_type3A_398 = arith.extui %lt3A_397 : i1 to i32
      %cond3A_399 = arith.constant 0 : i32
      %cond3A_400 = arith.cmpi ne, %convert_element_type3A_398, %cond3A_399 : i32
      scf.if %cond3A_400 {
        %add3A_485 = arith.constant 2 : i32
        %add3A_486 = arith.addi %add3A_360, %add3A_485 : i32
        %mul3A_487 = arith.constant 128 : i32
        %mul3A_488 = arith.muli %add3A_486, %mul3A_487 : i32
        %add3A_489 = arith.addi %mul3A_2, %mul3A_488 : i32
        %rem3A_490 = arith.constant 25 : i32
        %rem3A_491 = arith.remsi %add3A_486, %rem3A_490 : i32
        %mul3A_492 = arith.constant 128 : i32
        %mul3A_493 = arith.muli %rem3A_491, %mul3A_492 : i32
        %dma_wait3A_494 = arith.constant 0 : i32
        %dma_wait3A_495 = arith.constant 0 : i32
        %dma_wait3A_496 = tpu.memref_slice %arg6[%dma_wait3A_494, %dma_wait3A_495] : memref<4x128xi32, #tpu.memory_space<vmem>> -> memref<1x128xi32, #tpu.memory_space<vmem>>
        %dma_wait3A_497 = tpu.memref_squeeze %dma_wait3A_496 : memref<1x128xi32, #tpu.memory_space<vmem>> -> memref<128xi32, #tpu.memory_space<vmem>>
        %dma_wait3A_498 = tpu.memref_slice %arg2[%add3A_489] : memref<819200xi32, #tpu.memory_space<hbm>> -> memref<128xi32, #tpu.memory_space<hbm>>
        %dma_wait3A_499 = arith.constant 0 : i32
        %dma_wait3A_500 = tpu.memref_slice %arg6[%dma_wait3A_494, %dma_wait3A_499] : memref<4x128xi32, #tpu.memory_space<vmem>> -> memref<1x128xi32, #tpu.memory_space<vmem>>
        %dma_wait3A_501 = tpu.memref_squeeze %dma_wait3A_500 : memref<1x128xi32, #tpu.memory_space<vmem>> -> memref<128xi32, #tpu.memory_space<vmem>>
        %dma_wait3A_502 = tpu.memref_slice %arg2[%add3A_489] : memref<819200xi32, #tpu.memory_space<hbm>> -> memref<128xi32, #tpu.memory_space<hbm>>
        tpu.wait_dma2 semaphore(%arg9 : memref<!tpu.dma_semaphore, #tpu.memory_space<semaphore_mem>>) src(%dma_wait3A_502 : memref<128xi32, #tpu.memory_space<hbm>>) dst(%dma_wait3A_501 : memref<128xi32, #tpu.memory_space<vmem>>)
        %dma_wait3A_503 = arith.constant 0 : i32
        %dma_wait3A_504 = arith.constant 0 : i32
        %dma_wait3A_505 = arith.constant 0 : i32
        %dma_wait3A_506 = tpu.memref_slice %arg8[%dma_wait3A_503, %dma_wait3A_504, %dma_wait3A_505] : memref<4x128x64xf32, #tpu.memory_space<vmem>> -> memref<1x128x64xf32, #tpu.memory_space<vmem>>
        %dma_wait3A_507 = tpu.memref_squeeze %dma_wait3A_506 : memref<1x128x64xf32, #tpu.memory_space<vmem>> -> memref<128x64xf32, #tpu.memory_space<vmem>>
        %dma_wait3A_508 = arith.constant 0 : i32
        %dma_wait3A_509 = tpu.memref_slice %arg4[%mul3A_493, %dma_wait3A_508] : memref<3200x64xf32, #tpu.memory_space<hbm>> -> memref<128x64xf32, #tpu.memory_space<hbm>>
        %dma_wait3A_510 = arith.constant 0 : i32
        %dma_wait3A_511 = arith.constant 0 : i32
        %dma_wait3A_512 = tpu.memref_slice %arg8[%dma_wait3A_503, %dma_wait3A_510, %dma_wait3A_511] : memref<4x128x64xf32, #tpu.memory_space<vmem>> -> memref<1x128x64xf32, #tpu.memory_space<vmem>>
        %dma_wait3A_513 = tpu.memref_squeeze %dma_wait3A_512 : memref<1x128x64xf32, #tpu.memory_space<vmem>> -> memref<128x64xf32, #tpu.memory_space<vmem>>
        %dma_wait3A_514 = arith.constant 0 : i32
        %dma_wait3A_515 = tpu.memref_slice %arg4[%mul3A_493, %dma_wait3A_514] : memref<3200x64xf32, #tpu.memory_space<hbm>> -> memref<128x64xf32, #tpu.memory_space<hbm>>
        tpu.wait_dma2 semaphore(%arg9 : memref<!tpu.dma_semaphore, #tpu.memory_space<semaphore_mem>>) src(%dma_wait3A_515 : memref<128x64xf32, #tpu.memory_space<hbm>>) dst(%dma_wait3A_513 : memref<128x64xf32, #tpu.memory_space<vmem>>)
        %dma_start3A_516 = arith.constant 0 : i32
        %dma_start3A_517 = arith.constant 0 : i32
        %dma_start3A_518 = arith.constant 0 : i32
        %dma_start3A_519 = arith.constant 0 : i32
        %dma_start3A_520 = tpu.memref_slice %arg7[%dma_start3A_517, %dma_start3A_518, %dma_start3A_519] : memref<2x128x128xf32, #tpu.memory_space<vmem>> -> memref<1x128x128xf32, #tpu.memory_space<vmem>>
        %dma_start3A_521 = tpu.memref_squeeze %dma_start3A_520 : memref<1x128x128xf32, #tpu.memory_space<vmem>> -> memref<128x128xf32, #tpu.memory_space<vmem>>
        %dma_start3A_522 = arith.constant 0 : i32
        %dma_start3A_523 = tpu.memref_slice %arg6[%dma_start3A_516, %dma_start3A_522] : memref<4x128xi32, #tpu.memory_space<vmem>> -> memref<1x128xi32, #tpu.memory_space<vmem>>
        %dma_start3A_524 = tpu.memref_squeeze %dma_start3A_523 : memref<1x128xi32, #tpu.memory_space<vmem>> -> memref<128xi32, #tpu.memory_space<vmem>>
        %dma_start3A_525 = arith.constant 0 : i32
        %dma_start3A_526 = arith.constant 0 : i32
        %dma_start3A_527 = tpu.memref_slice %arg3[%dma_start3A_525, %dma_start3A_526] : memref<1000000x128xf32, #tpu.memory_space<hbm>> -> memref<1000000x128xf32, #tpu.memory_space<hbm>>
        tpu.enqueue_indirect_dma source(%dma_start3A_527 : memref<1000000x128xf32, #tpu.memory_space<hbm>>) target(%dma_start3A_521 : memref<128x128xf32, #tpu.memory_space<vmem>>) offsets(%dma_start3A_524 : memref<128xi32, #tpu.memory_space<vmem>>) semaphore(%arg13 : memref<!tpu.dma_semaphore, #tpu.memory_space<semaphore_mem>>)
      } else {
      }
      %add3A_401 = arith.constant 3 : i32
      %add3A_402 = arith.addi %add3A_360, %add3A_401 : i32
      %lt3A_403 = arith.constant 200 : i32
      %lt3A_404 = arith.cmpi slt, %add3A_402, %lt3A_403 : i32
      %ge3A_405 = arith.constant 1 : i32
      %ge3A_406 = arith.cmpi sge, %add3A_360, %ge3A_405 : i32
      %and3A_407 = arith.andi %lt3A_404, %ge3A_406 : i1
      %convert_element_type3A_408 = arith.extui %and3A_407 : i1 to i32
      %cond3A_409 = arith.constant 0 : i32
      %cond3A_410 = arith.cmpi ne, %convert_element_type3A_408, %cond3A_409 : i32
      scf.if %cond3A_410 {
        %sub3A = arith.constant 1 : i32
        %sub3A_485 = arith.subi %add3A_360, %sub3A : i32
        %mul3A_486 = arith.constant 128 : i32
        %mul3A_487 = arith.muli %sub3A_485, %mul3A_486 : i32
        %add3A_488 = arith.addi %mul3A_2, %mul3A_487 : i32
        %dma_wait3A_489 = arith.constant 1 : i32
        %dma_wait3A_490 = arith.constant 0 : i32
        %dma_wait3A_491 = arith.constant 0 : i32
        %dma_wait3A_492 = tpu.memref_slice %arg8[%dma_wait3A_489, %dma_wait3A_490, %dma_wait3A_491] : memref<4x128x64xf32, #tpu.memory_space<vmem>> -> memref<1x128x64xf32, #tpu.memory_space<vmem>>
        %dma_wait3A_493 = tpu.memref_squeeze %dma_wait3A_492 : memref<1x128x64xf32, #tpu.memory_space<vmem>> -> memref<128x64xf32, #tpu.memory_space<vmem>>
        %dma_wait3A_494 = arith.constant 0 : i32
        %dma_wait3A_495 = tpu.memref_slice %arg5[%add3A_488, %dma_wait3A_494] : memref<819200x64xf32, #tpu.memory_space<hbm>> -> memref<128x64xf32, #tpu.memory_space<hbm>>
        %dma_wait3A_496 = arith.constant 0 : i32
        %dma_wait3A_497 = tpu.memref_slice %arg5[%add3A_488, %dma_wait3A_496] : memref<819200x64xf32, #tpu.memory_space<hbm>> -> memref<128x64xf32, #tpu.memory_space<hbm>>
        %dma_wait3A_498 = arith.constant 0 : i32
        %dma_wait3A_499 = arith.constant 0 : i32
        %dma_wait3A_500 = tpu.memref_slice %arg8[%dma_wait3A_489, %dma_wait3A_498, %dma_wait3A_499] : memref<4x128x64xf32, #tpu.memory_space<vmem>> -> memref<1x128x64xf32, #tpu.memory_space<vmem>>
        %dma_wait3A_501 = tpu.memref_squeeze %dma_wait3A_500 : memref<1x128x64xf32, #tpu.memory_space<vmem>> -> memref<128x64xf32, #tpu.memory_space<vmem>>
        tpu.wait_dma2 semaphore(%arg16 : memref<!tpu.dma_semaphore, #tpu.memory_space<semaphore_mem>>) src(%dma_wait3A_501 : memref<128x64xf32, #tpu.memory_space<vmem>>) dst(%dma_wait3A_497 : memref<128x64xf32, #tpu.memory_space<hbm>>)
        %add3A_502 = arith.constant 3 : i32
        %add3A_503 = arith.addi %add3A_360, %add3A_502 : i32
        %mul3A_504 = arith.constant 128 : i32
        %mul3A_505 = arith.muli %add3A_503, %mul3A_504 : i32
        %add3A_506 = arith.addi %mul3A_2, %mul3A_505 : i32
        %rem3A_507 = arith.constant 25 : i32
        %rem3A_508 = arith.remsi %add3A_503, %rem3A_507 : i32
        %mul3A_509 = arith.constant 128 : i32
        %mul3A_510 = arith.muli %rem3A_508, %mul3A_509 : i32
        %dma_start3A_511 = arith.constant 1 : i32
        %dma_start3A_512 = arith.constant 0 : i32
        %dma_start3A_513 = tpu.memref_slice %arg6[%dma_start3A_511, %dma_start3A_512] : memref<4x128xi32, #tpu.memory_space<vmem>> -> memref<1x128xi32, #tpu.memory_space<vmem>>
        %dma_start3A_514 = tpu.memref_squeeze %dma_start3A_513 : memref<1x128xi32, #tpu.memory_space<vmem>> -> memref<128xi32, #tpu.memory_space<vmem>>
        %dma_start3A_515 = tpu.memref_slice %arg2[%add3A_506] : memref<819200xi32, #tpu.memory_space<hbm>> -> memref<128xi32, #tpu.memory_space<hbm>>
        %dma_start3A_516 = arith.constant 0 : i32
        %dma_start3A_517 = tpu.memref_slice %arg6[%dma_start3A_511, %dma_start3A_516] : memref<4x128xi32, #tpu.memory_space<vmem>> -> memref<1x128xi32, #tpu.memory_space<vmem>>
        %dma_start3A_518 = tpu.memref_squeeze %dma_start3A_517 : memref<1x128xi32, #tpu.memory_space<vmem>> -> memref<128xi32, #tpu.memory_space<vmem>>
        %dma_start3A_519 = tpu.memref_slice %arg2[%add3A_506] : memref<819200xi32, #tpu.memory_space<hbm>> -> memref<128xi32, #tpu.memory_space<hbm>>
        tpu.enqueue_dma source(%dma_start3A_519 : memref<128xi32, #tpu.memory_space<hbm>>) target(%dma_start3A_518 : memref<128xi32, #tpu.memory_space<vmem>>) target_semaphore(%arg10 : memref<!tpu.dma_semaphore, #tpu.memory_space<semaphore_mem>>)
        %dma_start3A_520 = arith.constant 1 : i32
        %dma_start3A_521 = arith.constant 0 : i32
        %dma_start3A_522 = arith.constant 0 : i32
        %dma_start3A_523 = tpu.memref_slice %arg8[%dma_start3A_520, %dma_start3A_521, %dma_start3A_522] : memref<4x128x64xf32, #tpu.memory_space<vmem>> -> memref<1x128x64xf32, #tpu.memory_space<vmem>>
        %dma_start3A_524 = tpu.memref_squeeze %dma_start3A_523 : memref<1x128x64xf32, #tpu.memory_space<vmem>> -> memref<128x64xf32, #tpu.memory_space<vmem>>
        %dma_start3A_525 = arith.constant 0 : i32
        %dma_start3A_526 = tpu.memref_slice %arg4[%mul3A_510, %dma_start3A_525] : memref<3200x64xf32, #tpu.memory_space<hbm>> -> memref<128x64xf32, #tpu.memory_space<hbm>>
        %dma_start3A_527 = arith.constant 0 : i32
        %dma_start3A_528 = arith.constant 0 : i32
        %dma_start3A_529 = tpu.memref_slice %arg8[%dma_start3A_520, %dma_start3A_527, %dma_start3A_528] : memref<4x128x64xf32, #tpu.memory_space<vmem>> -> memref<1x128x64xf32, #tpu.memory_space<vmem>>
        %dma_start3A_530 = tpu.memref_squeeze %dma_start3A_529 : memref<1x128x64xf32, #tpu.memory_space<vmem>> -> memref<128x64xf32, #tpu.memory_space<vmem>>
        %dma_start3A_531 = arith.constant 0 : i32
        %dma_start3A_532 = tpu.memref_slice %arg4[%mul3A_510, %dma_start3A_531] : memref<3200x64xf32, #tpu.memory_space<hbm>> -> memref<128x64xf32, #tpu.memory_space<hbm>>
        tpu.enqueue_dma source(%dma_start3A_532 : memref<128x64xf32, #tpu.memory_space<hbm>>) target(%dma_start3A_530 : memref<128x64xf32, #tpu.memory_space<vmem>>) target_semaphore(%arg10 : memref<!tpu.dma_semaphore, #tpu.memory_space<semaphore_mem>>)
      } else {
      }
      %add3A_411 = arith.constant 3 : i32
      %add3A_412 = arith.addi %add3A_360, %add3A_411 : i32
      %lt3A_413 = arith.constant 200 : i32
      %lt3A_414 = arith.cmpi slt, %add3A_412, %lt3A_413 : i32
      %lt3A_415 = arith.constant 1 : i32
      %lt3A_416 = arith.cmpi slt, %add3A_360, %lt3A_415 : i32
      %and3A_417 = arith.andi %lt3A_414, %lt3A_416 : i1
      %convert_element_type3A_418 = arith.extui %and3A_417 : i1 to i32
      %cond3A_419 = arith.constant 0 : i32
      %cond3A_420 = arith.cmpi ne, %convert_element_type3A_418, %cond3A_419 : i32
      scf.if %cond3A_420 {
        %add3A_485 = arith.constant 3 : i32
        %add3A_486 = arith.addi %add3A_360, %add3A_485 : i32
        %mul3A_487 = arith.constant 128 : i32
        %mul3A_488 = arith.muli %add3A_486, %mul3A_487 : i32
        %add3A_489 = arith.addi %mul3A_2, %mul3A_488 : i32
        %rem3A_490 = arith.constant 25 : i32
        %rem3A_491 = arith.remsi %add3A_486, %rem3A_490 : i32
        %mul3A_492 = arith.constant 128 : i32
        %mul3A_493 = arith.muli %rem3A_491, %mul3A_492 : i32
        %dma_start3A_494 = arith.constant 1 : i32
        %dma_start3A_495 = arith.constant 0 : i32
        %dma_start3A_496 = tpu.memref_slice %arg6[%dma_start3A_494, %dma_start3A_495] : memref<4x128xi32, #tpu.memory_space<vmem>> -> memref<1x128xi32, #tpu.memory_space<vmem>>
        %dma_start3A_497 = tpu.memref_squeeze %dma_start3A_496 : memref<1x128xi32, #tpu.memory_space<vmem>> -> memref<128xi32, #tpu.memory_space<vmem>>
        %dma_start3A_498 = tpu.memref_slice %arg2[%add3A_489] : memref<819200xi32, #tpu.memory_space<hbm>> -> memref<128xi32, #tpu.memory_space<hbm>>
        %dma_start3A_499 = arith.constant 0 : i32
        %dma_start3A_500 = tpu.memref_slice %arg6[%dma_start3A_494, %dma_start3A_499] : memref<4x128xi32, #tpu.memory_space<vmem>> -> memref<1x128xi32, #tpu.memory_space<vmem>>
        %dma_start3A_501 = tpu.memref_squeeze %dma_start3A_500 : memref<1x128xi32, #tpu.memory_space<vmem>> -> memref<128xi32, #tpu.memory_space<vmem>>
        %dma_start3A_502 = tpu.memref_slice %arg2[%add3A_489] : memref<819200xi32, #tpu.memory_space<hbm>> -> memref<128xi32, #tpu.memory_space<hbm>>
        tpu.enqueue_dma source(%dma_start3A_502 : memref<128xi32, #tpu.memory_space<hbm>>) target(%dma_start3A_501 : memref<128xi32, #tpu.memory_space<vmem>>) target_semaphore(%arg10 : memref<!tpu.dma_semaphore, #tpu.memory_space<semaphore_mem>>)
        %dma_start3A_503 = arith.constant 1 : i32
        %dma_start3A_504 = arith.constant 0 : i32
        %dma_start3A_505 = arith.constant 0 : i32
        %dma_start3A_506 = tpu.memref_slice %arg8[%dma_start3A_503, %dma_start3A_504, %dma_start3A_505] : memref<4x128x64xf32, #tpu.memory_space<vmem>> -> memref<1x128x64xf32, #tpu.memory_space<vmem>>
        %dma_start3A_507 = tpu.memref_squeeze %dma_start3A_506 : memref<1x128x64xf32, #tpu.memory_space<vmem>> -> memref<128x64xf32, #tpu.memory_space<vmem>>
        %dma_start3A_508 = arith.constant 0 : i32
        %dma_start3A_509 = tpu.memref_slice %arg4[%mul3A_493, %dma_start3A_508] : memref<3200x64xf32, #tpu.memory_space<hbm>> -> memref<128x64xf32, #tpu.memory_space<hbm>>
        %dma_start3A_510 = arith.constant 0 : i32
        %dma_start3A_511 = arith.constant 0 : i32
        %dma_start3A_512 = tpu.memref_slice %arg8[%dma_start3A_503, %dma_start3A_510, %dma_start3A_511] : memref<4x128x64xf32, #tpu.memory_space<vmem>> -> memref<1x128x64xf32, #tpu.memory_space<vmem>>
        %dma_start3A_513 = tpu.memref_squeeze %dma_start3A_512 : memref<1x128x64xf32, #tpu.memory_space<vmem>> -> memref<128x64xf32, #tpu.memory_space<vmem>>
        %dma_start3A_514 = arith.constant 0 : i32
        %dma_start3A_515 = tpu.memref_slice %arg4[%mul3A_493, %dma_start3A_514] : memref<3200x64xf32, #tpu.memory_space<hbm>> -> memref<128x64xf32, #tpu.memory_space<hbm>>
        tpu.enqueue_dma source(%dma_start3A_515 : memref<128x64xf32, #tpu.memory_space<hbm>>) target(%dma_start3A_513 : memref<128x64xf32, #tpu.memory_space<vmem>>) target_semaphore(%arg10 : memref<!tpu.dma_semaphore, #tpu.memory_space<semaphore_mem>>)
      } else {
      }
      %mul3A_421 = arith.constant 4 : i32
      %mul3A_422 = arith.muli %scan3A_233, %mul3A_421 : i32
      %add3A_423 = arith.constant 3 : i32
      %add3A_424 = arith.addi %mul3A_422, %add3A_423 : i32
      %dma_wait3A_425 = arith.constant 3 : i32
      %dma_wait3A_426 = arith.constant 1 : i32
      %dma_wait3A_427 = arith.constant 0 : i32
      %dma_wait3A_428 = arith.constant 0 : i32
      %dma_wait3A_429 = tpu.memref_slice %arg7[%dma_wait3A_426, %dma_wait3A_427, %dma_wait3A_428] : memref<2x128x128xf32, #tpu.memory_space<vmem>> -> memref<1x128x128xf32, #tpu.memory_space<vmem>>
      %dma_wait3A_430 = tpu.memref_squeeze %dma_wait3A_429 : memref<1x128x128xf32, #tpu.memory_space<vmem>> -> memref<128x128xf32, #tpu.memory_space<vmem>>
      %dma_wait3A_431 = arith.constant 0 : i32
      %dma_wait3A_432 = tpu.memref_slice %arg6[%dma_wait3A_425, %dma_wait3A_431] : memref<4x128xi32, #tpu.memory_space<vmem>> -> memref<1x128xi32, #tpu.memory_space<vmem>>
      %dma_wait3A_433 = tpu.memref_squeeze %dma_wait3A_432 : memref<1x128xi32, #tpu.memory_space<vmem>> -> memref<128xi32, #tpu.memory_space<vmem>>
      %dma_wait3A_434 = arith.constant 0 : i32
      %dma_wait3A_435 = arith.constant 0 : i32
      %dma_wait3A_436 = tpu.memref_slice %arg3[%dma_wait3A_434, %dma_wait3A_435] : memref<1000000x128xf32, #tpu.memory_space<hbm>> -> memref<1000000x128xf32, #tpu.memory_space<hbm>>
      tpu.wait_indirect_dma semaphore(%arg14 : memref<!tpu.dma_semaphore, #tpu.memory_space<semaphore_mem>>) src(%dma_wait3A_436 : memref<1000000x128xf32, #tpu.memory_space<hbm>>) dst(%dma_wait3A_430 : memref<128x128xf32, #tpu.memory_space<vmem>>)
      %scan3A_437 = arith.constant 0 : i32
      %scan3A_438 = arith.constant 32 : i32
      %scan3A_439 = arith.addi %scan3A_437, %scan3A_438 : i32
      %scan3A_440 = arith.constant 1 : i32
      scf.for %scan3A_485 = %scan3A_437 to %scan3A_439 step %scan3A_440  : i32 {
        %mul3A_486 = arith.constant 4 : i32
        %mul3A_487 = arith.muli %scan3A_485, %mul3A_486 : i32
        %add3A_488 = arith.constant 0 : i32
        %add3A_489 = arith.addi %mul3A_487, %add3A_488 : i32
        %get3A = arith.constant 1 : i32
        %get3A_490 = arith.index_cast %get3A : i32 to index
        %get3A_491 = arith.index_cast %add3A_489 : i32 to index
        %get3A_492 = arith.constant 0 : index
        %get3A_493 = tpu.vector_load %arg7[%get3A_490, %get3A_491, %get3A_492] {strides = array<i32>} : memref<2x128x128xf32, #tpu.memory_space<vmem>>, vector<1x1x16xf32>,
        %get3A_494 = vector.shape_cast %get3A_493 : vector<1x1x16xf32> to vector<16xf32>
        %swap3A = arith.constant 3 : i32
        %swap3A_495 = arith.index_cast %swap3A : i32 to index
        %swap3A_496 = arith.index_cast %add3A_489 : i32 to index
        %swap3A_497 = arith.constant 0 : index
        %swap3A_498 = tpu.vector_load %arg8[%swap3A_495, %swap3A_496, %swap3A_497] {strides = array<i32>} : memref<4x128x64xf32, #tpu.memory_space<vmem>>, vector<1x1x16xf32>,
        %swap3A_499 = vector.shape_cast %swap3A_498 : vector<1x1x16xf32> to vector<16xf32>
        %swap3A_500 = vector.shape_cast %get3A_494 : vector<16xf32> to vector<1x1x16xf32>
        tpu.vector_store %arg8[%swap3A_495, %swap3A_496, %swap3A_497], %swap3A_500 {add = true, strides = array<i32>} : memref<4x128x64xf32, #tpu.memory_space<vmem>>, vector<1x1x16xf32>,
        %get3A_501 = arith.constant 1 : i32
        %get3A_502 = arith.index_cast %get3A_501 : i32 to index
        %get3A_503 = arith.index_cast %add3A_489 : i32 to index
        %get3A_504 = arith.constant 16 : index
        %get3A_505 = tpu.vector_load %arg7[%get3A_502, %get3A_503, %get3A_504] {strides = array<i32>} : memref<2x128x128xf32, #tpu.memory_space<vmem>>, vector<1x1x16xf32>,
        %get3A_506 = vector.shape_cast %get3A_505 : vector<1x1x16xf32> to vector<16xf32>
        %swap3A_507 = arith.constant 3 : i32
        %swap3A_508 = arith.index_cast %swap3A_507 : i32 to index
        %swap3A_509 = arith.index_cast %add3A_489 : i32 to index
        %swap3A_510 = arith.constant 16 : index
        %swap3A_511 = tpu.vector_load %arg8[%swap3A_508, %swap3A_509, %swap3A_510] {strides = array<i32>} : memref<4x128x64xf32, #tpu.memory_space<vmem>>, vector<1x1x16xf32>,
        %swap3A_512 = vector.shape_cast %swap3A_511 : vector<1x1x16xf32> to vector<16xf32>
        %swap3A_513 = vector.shape_cast %get3A_506 : vector<16xf32> to vector<1x1x16xf32>
        tpu.vector_store %arg8[%swap3A_508, %swap3A_509, %swap3A_510], %swap3A_513 {add = true, strides = array<i32>} : memref<4x128x64xf32, #tpu.memory_space<vmem>>, vector<1x1x16xf32>,
        %get3A_514 = arith.constant 1 : i32
        %get3A_515 = arith.index_cast %get3A_514 : i32 to index
        %get3A_516 = arith.index_cast %add3A_489 : i32 to index
        %get3A_517 = arith.constant 32 : index
        %get3A_518 = tpu.vector_load %arg7[%get3A_515, %get3A_516, %get3A_517] {strides = array<i32>} : memref<2x128x128xf32, #tpu.memory_space<vmem>>, vector<1x1x16xf32>,
        %get3A_519 = vector.shape_cast %get3A_518 : vector<1x1x16xf32> to vector<16xf32>
        %swap3A_520 = arith.constant 3 : i32
        %swap3A_521 = arith.index_cast %swap3A_520 : i32 to index
        %swap3A_522 = arith.index_cast %add3A_489 : i32 to index
        %swap3A_523 = arith.constant 32 : index
        %swap3A_524 = tpu.vector_load %arg8[%swap3A_521, %swap3A_522, %swap3A_523] {strides = array<i32>} : memref<4x128x64xf32, #tpu.memory_space<vmem>>, vector<1x1x16xf32>,
        %swap3A_525 = vector.shape_cast %swap3A_524 : vector<1x1x16xf32> to vector<16xf32>
        %swap3A_526 = vector.shape_cast %get3A_519 : vector<16xf32> to vector<1x1x16xf32>
        tpu.vector_store %arg8[%swap3A_521, %swap3A_522, %swap3A_523], %swap3A_526 {add = true, strides = array<i32>} : memref<4x128x64xf32, #tpu.memory_space<vmem>>, vector<1x1x16xf32>,
        %get3A_527 = arith.constant 1 : i32
        %get3A_528 = arith.index_cast %get3A_527 : i32 to index
        %get3A_529 = arith.index_cast %add3A_489 : i32 to index
        %get3A_530 = arith.constant 48 : index
        %get3A_531 = tpu.vector_load %arg7[%get3A_528, %get3A_529, %get3A_530] {strides = array<i32>} : memref<2x128x128xf32, #tpu.memory_space<vmem>>, vector<1x1x16xf32>,
        %get3A_532 = vector.shape_cast %get3A_531 : vector<1x1x16xf32> to vector<16xf32>
        %swap3A_533 = arith.constant 3 : i32
        %swap3A_534 = arith.index_cast %swap3A_533 : i32 to index
        %swap3A_535 = arith.index_cast %add3A_489 : i32 to index
        %swap3A_536 = arith.constant 48 : index
        %swap3A_537 = tpu.vector_load %arg8[%swap3A_534, %swap3A_535, %swap3A_536] {strides = array<i32>} : memref<4x128x64xf32, #tpu.memory_space<vmem>>, vector<1x1x16xf32>,
        %swap3A_538 = vector.shape_cast %swap3A_537 : vector<1x1x16xf32> to vector<16xf32>
        %swap3A_539 = vector.shape_cast %get3A_532 : vector<16xf32> to vector<1x1x16xf32>
        tpu.vector_store %arg8[%swap3A_534, %swap3A_535, %swap3A_536], %swap3A_539 {add = true, strides = array<i32>} : memref<4x128x64xf32, #tpu.memory_space<vmem>>, vector<1x1x16xf32>,
        %mul3A_540 = arith.constant 4 : i32
        %mul3A_541 = arith.muli %scan3A_485, %mul3A_540 : i32
        %add3A_542 = arith.constant 1 : i32
        %add3A_543 = arith.addi %mul3A_541, %add3A_542 : i32
        %get3A_544 = arith.constant 1 : i32
        %get3A_545 = arith.index_cast %get3A_544 : i32 to index
        %get3A_546 = arith.index_cast %add3A_543 : i32 to index
        %get3A_547 = arith.constant 0 : index
        %get3A_548 = tpu.vector_load %arg7[%get3A_545, %get3A_546, %get3A_547] {strides = array<i32>} : memref<2x128x128xf32, #tpu.memory_space<vmem>>, vector<1x1x16xf32>,
        %get3A_549 = vector.shape_cast %get3A_548 : vector<1x1x16xf32> to vector<16xf32>
        %swap3A_550 = arith.constant 3 : i32
        %swap3A_551 = arith.index_cast %swap3A_550 : i32 to index
        %swap3A_552 = arith.index_cast %add3A_543 : i32 to index
        %swap3A_553 = arith.constant 0 : index
        %swap3A_554 = tpu.vector_load %arg8[%swap3A_551, %swap3A_552, %swap3A_553] {strides = array<i32>} : memref<4x128x64xf32, #tpu.memory_space<vmem>>, vector<1x1x16xf32>,
        %swap3A_555 = vector.shape_cast %swap3A_554 : vector<1x1x16xf32> to vector<16xf32>
        %swap3A_556 = vector.shape_cast %get3A_549 : vector<16xf32> to vector<1x1x16xf32>
        tpu.vector_store %arg8[%swap3A_551, %swap3A_552, %swap3A_553], %swap3A_556 {add = true, strides = array<i32>} : memref<4x128x64xf32, #tpu.memory_space<vmem>>, vector<1x1x16xf32>,
        %get3A_557 = arith.constant 1 : i32
        %get3A_558 = arith.index_cast %get3A_557 : i32 to index
        %get3A_559 = arith.index_cast %add3A_543 : i32 to index
        %get3A_560 = arith.constant 16 : index
        %get3A_561 = tpu.vector_load %arg7[%get3A_558, %get3A_559, %get3A_560] {strides = array<i32>} : memref<2x128x128xf32, #tpu.memory_space<vmem>>, vector<1x1x16xf32>,
        %get3A_562 = vector.shape_cast %get3A_561 : vector<1x1x16xf32> to vector<16xf32>
        %swap3A_563 = arith.constant 3 : i32
        %swap3A_564 = arith.index_cast %swap3A_563 : i32 to index
        %swap3A_565 = arith.index_cast %add3A_543 : i32 to index
        %swap3A_566 = arith.constant 16 : index
        %swap3A_567 = tpu.vector_load %arg8[%swap3A_564, %swap3A_565, %swap3A_566] {strides = array<i32>} : memref<4x128x64xf32, #tpu.memory_space<vmem>>, vector<1x1x16xf32>,
        %swap3A_568 = vector.shape_cast %swap3A_567 : vector<1x1x16xf32> to vector<16xf32>
        %swap3A_569 = vector.shape_cast %get3A_562 : vector<16xf32> to vector<1x1x16xf32>
        tpu.vector_store %arg8[%swap3A_564, %swap3A_565, %swap3A_566], %swap3A_569 {add = true, strides = array<i32>} : memref<4x128x64xf32, #tpu.memory_space<vmem>>, vector<1x1x16xf32>,
        %get3A_570 = arith.constant 1 : i32
        %get3A_571 = arith.index_cast %get3A_570 : i32 to index
        %get3A_572 = arith.index_cast %add3A_543 : i32 to index
        %get3A_573 = arith.constant 32 : index
        %get3A_574 = tpu.vector_load %arg7[%get3A_571, %get3A_572, %get3A_573] {strides = array<i32>} : memref<2x128x128xf32, #tpu.memory_space<vmem>>, vector<1x1x16xf32>,
        %get3A_575 = vector.shape_cast %get3A_574 : vector<1x1x16xf32> to vector<16xf32>
        %swap3A_576 = arith.constant 3 : i32
        %swap3A_577 = arith.index_cast %swap3A_576 : i32 to index
        %swap3A_578 = arith.index_cast %add3A_543 : i32 to index
        %swap3A_579 = arith.constant 32 : index
        %swap3A_580 = tpu.vector_load %arg8[%swap3A_577, %swap3A_578, %swap3A_579] {strides = array<i32>} : memref<4x128x64xf32, #tpu.memory_space<vmem>>, vector<1x1x16xf32>,
        %swap3A_581 = vector.shape_cast %swap3A_580 : vector<1x1x16xf32> to vector<16xf32>
        %swap3A_582 = vector.shape_cast %get3A_575 : vector<16xf32> to vector<1x1x16xf32>
        tpu.vector_store %arg8[%swap3A_577, %swap3A_578, %swap3A_579], %swap3A_582 {add = true, strides = array<i32>} : memref<4x128x64xf32, #tpu.memory_space<vmem>>, vector<1x1x16xf32>,
        %get3A_583 = arith.constant 1 : i32
        %get3A_584 = arith.index_cast %get3A_583 : i32 to index
        %get3A_585 = arith.index_cast %add3A_543 : i32 to index
        %get3A_586 = arith.constant 48 : index
        %get3A_587 = tpu.vector_load %arg7[%get3A_584, %get3A_585, %get3A_586] {strides = array<i32>} : memref<2x128x128xf32, #tpu.memory_space<vmem>>, vector<1x1x16xf32>,
        %get3A_588 = vector.shape_cast %get3A_587 : vector<1x1x16xf32> to vector<16xf32>
        %swap3A_589 = arith.constant 3 : i32
        %swap3A_590 = arith.index_cast %swap3A_589 : i32 to index
        %swap3A_591 = arith.index_cast %add3A_543 : i32 to index
        %swap3A_592 = arith.constant 48 : index
        %swap3A_593 = tpu.vector_load %arg8[%swap3A_590, %swap3A_591, %swap3A_592] {strides = array<i32>} : memref<4x128x64xf32, #tpu.memory_space<vmem>>, vector<1x1x16xf32>,
        %swap3A_594 = vector.shape_cast %swap3A_593 : vector<1x1x16xf32> to vector<16xf32>
        %swap3A_595 = vector.shape_cast %get3A_588 : vector<16xf32> to vector<1x1x16xf32>
        tpu.vector_store %arg8[%swap3A_590, %swap3A_591, %swap3A_592], %swap3A_595 {add = true, strides = array<i32>} : memref<4x128x64xf32, #tpu.memory_space<vmem>>, vector<1x1x16xf32>,
        %mul3A_596 = arith.constant 4 : i32
        %mul3A_597 = arith.muli %scan3A_485, %mul3A_596 : i32
        %add3A_598 = arith.constant 2 : i32
        %add3A_599 = arith.addi %mul3A_597, %add3A_598 : i32
        %get3A_600 = arith.constant 1 : i32
        %get3A_601 = arith.index_cast %get3A_600 : i32 to index
        %get3A_602 = arith.index_cast %add3A_599 : i32 to index
        %get3A_603 = arith.constant 0 : index
        %get3A_604 = tpu.vector_load %arg7[%get3A_601, %get3A_602, %get3A_603] {strides = array<i32>} : memref<2x128x128xf32, #tpu.memory_space<vmem>>, vector<1x1x16xf32>,
        %get3A_605 = vector.shape_cast %get3A_604 : vector<1x1x16xf32> to vector<16xf32>
        %swap3A_606 = arith.constant 3 : i32
        %swap3A_607 = arith.index_cast %swap3A_606 : i32 to index
        %swap3A_608 = arith.index_cast %add3A_599 : i32 to index
        %swap3A_609 = arith.constant 0 : index
        %swap3A_610 = tpu.vector_load %arg8[%swap3A_607, %swap3A_608, %swap3A_609] {strides = array<i32>} : memref<4x128x64xf32, #tpu.memory_space<vmem>>, vector<1x1x16xf32>,
        %swap3A_611 = vector.shape_cast %swap3A_610 : vector<1x1x16xf32> to vector<16xf32>
        %swap3A_612 = vector.shape_cast %get3A_605 : vector<16xf32> to vector<1x1x16xf32>
        tpu.vector_store %arg8[%swap3A_607, %swap3A_608, %swap3A_609], %swap3A_612 {add = true, strides = array<i32>} : memref<4x128x64xf32, #tpu.memory_space<vmem>>, vector<1x1x16xf32>,
        %get3A_613 = arith.constant 1 : i32
        %get3A_614 = arith.index_cast %get3A_613 : i32 to index
        %get3A_615 = arith.index_cast %add3A_599 : i32 to index
        %get3A_616 = arith.constant 16 : index
        %get3A_617 = tpu.vector_load %arg7[%get3A_614, %get3A_615, %get3A_616] {strides = array<i32>} : memref<2x128x128xf32, #tpu.memory_space<vmem>>, vector<1x1x16xf32>,
        %get3A_618 = vector.shape_cast %get3A_617 : vector<1x1x16xf32> to vector<16xf32>
        %swap3A_619 = arith.constant 3 : i32
        %swap3A_620 = arith.index_cast %swap3A_619 : i32 to index
        %swap3A_621 = arith.index_cast %add3A_599 : i32 to index
        %swap3A_622 = arith.constant 16 : index
        %swap3A_623 = tpu.vector_load %arg8[%swap3A_620, %swap3A_621, %swap3A_622] {strides = array<i32>} : memref<4x128x64xf32, #tpu.memory_space<vmem>>, vector<1x1x16xf32>,
        %swap3A_624 = vector.shape_cast %swap3A_623 : vector<1x1x16xf32> to vector<16xf32>
        %swap3A_625 = vector.shape_cast %get3A_618 : vector<16xf32> to vector<1x1x16xf32>
        tpu.vector_store %arg8[%swap3A_620, %swap3A_621, %swap3A_622], %swap3A_625 {add = true, strides = array<i32>} : memref<4x128x64xf32, #tpu.memory_space<vmem>>, vector<1x1x16xf32>,
        %get3A_626 = arith.constant 1 : i32
        %get3A_627 = arith.index_cast %get3A_626 : i32 to index
        %get3A_628 = arith.index_cast %add3A_599 : i32 to index
        %get3A_629 = arith.constant 32 : index
        %get3A_630 = tpu.vector_load %arg7[%get3A_627, %get3A_628, %get3A_629] {strides = array<i32>} : memref<2x128x128xf32, #tpu.memory_space<vmem>>, vector<1x1x16xf32>,
        %get3A_631 = vector.shape_cast %get3A_630 : vector<1x1x16xf32> to vector<16xf32>
        %swap3A_632 = arith.constant 3 : i32
        %swap3A_633 = arith.index_cast %swap3A_632 : i32 to index
        %swap3A_634 = arith.index_cast %add3A_599 : i32 to index
        %swap3A_635 = arith.constant 32 : index
        %swap3A_636 = tpu.vector_load %arg8[%swap3A_633, %swap3A_634, %swap3A_635] {strides = array<i32>} : memref<4x128x64xf32, #tpu.memory_space<vmem>>, vector<1x1x16xf32>,
        %swap3A_637 = vector.shape_cast %swap3A_636 : vector<1x1x16xf32> to vector<16xf32>
        %swap3A_638 = vector.shape_cast %get3A_631 : vector<16xf32> to vector<1x1x16xf32>
        tpu.vector_store %arg8[%swap3A_633, %swap3A_634, %swap3A_635], %swap3A_638 {add = true, strides = array<i32>} : memref<4x128x64xf32, #tpu.memory_space<vmem>>, vector<1x1x16xf32>,
        %get3A_639 = arith.constant 1 : i32
        %get3A_640 = arith.index_cast %get3A_639 : i32 to index
        %get3A_641 = arith.index_cast %add3A_599 : i32 to index
        %get3A_642 = arith.constant 48 : index
        %get3A_643 = tpu.vector_load %arg7[%get3A_640, %get3A_641, %get3A_642] {strides = array<i32>} : memref<2x128x128xf32, #tpu.memory_space<vmem>>, vector<1x1x16xf32>,
        %get3A_644 = vector.shape_cast %get3A_643 : vector<1x1x16xf32> to vector<16xf32>
        %swap3A_645 = arith.constant 3 : i32
        %swap3A_646 = arith.index_cast %swap3A_645 : i32 to index
        %swap3A_647 = arith.index_cast %add3A_599 : i32 to index
        %swap3A_648 = arith.constant 48 : index
        %swap3A_649 = tpu.vector_load %arg8[%swap3A_646, %swap3A_647, %swap3A_648] {strides = array<i32>} : memref<4x128x64xf32, #tpu.memory_space<vmem>>, vector<1x1x16xf32>,
        %swap3A_650 = vector.shape_cast %swap3A_649 : vector<1x1x16xf32> to vector<16xf32>
        %swap3A_651 = vector.shape_cast %get3A_644 : vector<16xf32> to vector<1x1x16xf32>
        tpu.vector_store %arg8[%swap3A_646, %swap3A_647, %swap3A_648], %swap3A_651 {add = true, strides = array<i32>} : memref<4x128x64xf32, #tpu.memory_space<vmem>>, vector<1x1x16xf32>,
        %mul3A_652 = arith.constant 4 : i32
        %mul3A_653 = arith.muli %scan3A_485, %mul3A_652 : i32
        %add3A_654 = arith.constant 3 : i32
        %add3A_655 = arith.addi %mul3A_653, %add3A_654 : i32
        %get3A_656 = arith.constant 1 : i32
        %get3A_657 = arith.index_cast %get3A_656 : i32 to index
        %get3A_658 = arith.index_cast %add3A_655 : i32 to index
        %get3A_659 = arith.constant 0 : index
        %get3A_660 = tpu.vector_load %arg7[%get3A_657, %get3A_658, %get3A_659] {strides = array<i32>} : memref<2x128x128xf32, #tpu.memory_space<vmem>>, vector<1x1x16xf32>,
        %get3A_661 = vector.shape_cast %get3A_660 : vector<1x1x16xf32> to vector<16xf32>
        %swap3A_662 = arith.constant 3 : i32
        %swap3A_663 = arith.index_cast %swap3A_662 : i32 to index
        %swap3A_664 = arith.index_cast %add3A_655 : i32 to index
        %swap3A_665 = arith.constant 0 : index
        %swap3A_666 = tpu.vector_load %arg8[%swap3A_663, %swap3A_664, %swap3A_665] {strides = array<i32>} : memref<4x128x64xf32, #tpu.memory_space<vmem>>, vector<1x1x16xf32>,
        %swap3A_667 = vector.shape_cast %swap3A_666 : vector<1x1x16xf32> to vector<16xf32>
        %swap3A_668 = vector.shape_cast %get3A_661 : vector<16xf32> to vector<1x1x16xf32>
        tpu.vector_store %arg8[%swap3A_663, %swap3A_664, %swap3A_665], %swap3A_668 {add = true, strides = array<i32>} : memref<4x128x64xf32, #tpu.memory_space<vmem>>, vector<1x1x16xf32>,
        %get3A_669 = arith.constant 1 : i32
        %get3A_670 = arith.index_cast %get3A_669 : i32 to index
        %get3A_671 = arith.index_cast %add3A_655 : i32 to index
        %get3A_672 = arith.constant 16 : index
        %get3A_673 = tpu.vector_load %arg7[%get3A_670, %get3A_671, %get3A_672] {strides = array<i32>} : memref<2x128x128xf32, #tpu.memory_space<vmem>>, vector<1x1x16xf32>,
        %get3A_674 = vector.shape_cast %get3A_673 : vector<1x1x16xf32> to vector<16xf32>
        %swap3A_675 = arith.constant 3 : i32
        %swap3A_676 = arith.index_cast %swap3A_675 : i32 to index
        %swap3A_677 = arith.index_cast %add3A_655 : i32 to index
        %swap3A_678 = arith.constant 16 : index
        %swap3A_679 = tpu.vector_load %arg8[%swap3A_676, %swap3A_677, %swap3A_678] {strides = array<i32>} : memref<4x128x64xf32, #tpu.memory_space<vmem>>, vector<1x1x16xf32>,
        %swap3A_680 = vector.shape_cast %swap3A_679 : vector<1x1x16xf32> to vector<16xf32>
        %swap3A_681 = vector.shape_cast %get3A_674 : vector<16xf32> to vector<1x1x16xf32>
        tpu.vector_store %arg8[%swap3A_676, %swap3A_677, %swap3A_678], %swap3A_681 {add = true, strides = array<i32>} : memref<4x128x64xf32, #tpu.memory_space<vmem>>, vector<1x1x16xf32>,
        %get3A_682 = arith.constant 1 : i32
        %get3A_683 = arith.index_cast %get3A_682 : i32 to index
        %get3A_684 = arith.index_cast %add3A_655 : i32 to index
        %get3A_685 = arith.constant 32 : index
        %get3A_686 = tpu.vector_load %arg7[%get3A_683, %get3A_684, %get3A_685] {strides = array<i32>} : memref<2x128x128xf32, #tpu.memory_space<vmem>>, vector<1x1x16xf32>,
        %get3A_687 = vector.shape_cast %get3A_686 : vector<1x1x16xf32> to vector<16xf32>
        %swap3A_688 = arith.constant 3 : i32
        %swap3A_689 = arith.index_cast %swap3A_688 : i32 to index
        %swap3A_690 = arith.index_cast %add3A_655 : i32 to index
        %swap3A_691 = arith.constant 32 : index
        %swap3A_692 = tpu.vector_load %arg8[%swap3A_689, %swap3A_690, %swap3A_691] {strides = array<i32>} : memref<4x128x64xf32, #tpu.memory_space<vmem>>, vector<1x1x16xf32>,
        %swap3A_693 = vector.shape_cast %swap3A_692 : vector<1x1x16xf32> to vector<16xf32>
        %swap3A_694 = vector.shape_cast %get3A_687 : vector<16xf32> to vector<1x1x16xf32>
        tpu.vector_store %arg8[%swap3A_689, %swap3A_690, %swap3A_691], %swap3A_694 {add = true, strides = array<i32>} : memref<4x128x64xf32, #tpu.memory_space<vmem>>, vector<1x1x16xf32>,
        %get3A_695 = arith.constant 1 : i32
        %get3A_696 = arith.index_cast %get3A_695 : i32 to index
        %get3A_697 = arith.index_cast %add3A_655 : i32 to index
        %get3A_698 = arith.constant 48 : index
        %get3A_699 = tpu.vector_load %arg7[%get3A_696, %get3A_697, %get3A_698] {strides = array<i32>} : memref<2x128x128xf32, #tpu.memory_space<vmem>>, vector<1x1x16xf32>,
        %get3A_700 = vector.shape_cast %get3A_699 : vector<1x1x16xf32> to vector<16xf32>
        %swap3A_701 = arith.constant 3 : i32
        %swap3A_702 = arith.index_cast %swap3A_701 : i32 to index
        %swap3A_703 = arith.index_cast %add3A_655 : i32 to index
        %swap3A_704 = arith.constant 48 : index
        %swap3A_705 = tpu.vector_load %arg8[%swap3A_702, %swap3A_703, %swap3A_704] {strides = array<i32>} : memref<4x128x64xf32, #tpu.memory_space<vmem>>, vector<1x1x16xf32>,
        %swap3A_706 = vector.shape_cast %swap3A_705 : vector<1x1x16xf32> to vector<16xf32>
        %swap3A_707 = vector.shape_cast %get3A_700 : vector<16xf32> to vector<1x1x16xf32>
        tpu.vector_store %arg8[%swap3A_702, %swap3A_703, %swap3A_704], %swap3A_707 {add = true, strides = array<i32>} : memref<4x128x64xf32, #tpu.memory_space<vmem>>, vector<1x1x16xf32>,
      }
      %scan3A_441 = arith.constant 32 : i32
      %mul3A_442 = arith.constant 128 : i32
      %mul3A_443 = arith.muli %add3A_424, %mul3A_442 : i32
      %add3A_444 = arith.addi %mul3A_2, %mul3A_443 : i32
      %dma_start3A_445 = arith.constant 3 : i32
      %dma_start3A_446 = arith.constant 0 : i32
      %dma_start3A_447 = arith.constant 0 : i32
      %dma_start3A_448 = tpu.memref_slice %arg8[%dma_start3A_445, %dma_start3A_446, %dma_start3A_447] : memref<4x128x64xf32, #tpu.memory_space<vmem>> -> memref<1x128x64xf32, #tpu.memory_space<vmem>>
      %dma_start3A_449 = tpu.memref_squeeze %dma_start3A_448 : memref<1x128x64xf32, #tpu.memory_space<vmem>> -> memref<128x64xf32, #tpu.memory_space<vmem>>
      %dma_start3A_450 = arith.constant 0 : i32
      %dma_start3A_451 = tpu.memref_slice %arg5[%add3A_444, %dma_start3A_450] : memref<819200x64xf32, #tpu.memory_space<hbm>> -> memref<128x64xf32, #tpu.memory_space<hbm>>
      %dma_start3A_452 = arith.constant 0 : i32
      %dma_start3A_453 = tpu.memref_slice %arg5[%add3A_444, %dma_start3A_452] : memref<819200x64xf32, #tpu.memory_space<hbm>> -> memref<128x64xf32, #tpu.memory_space<hbm>>
      %dma_start3A_454 = arith.constant 0 : i32
      %dma_start3A_455 = arith.constant 0 : i32
      %dma_start3A_456 = tpu.memref_slice %arg8[%dma_start3A_445, %dma_start3A_454, %dma_start3A_455] : memref<4x128x64xf32, #tpu.memory_space<vmem>> -> memref<1x128x64xf32, #tpu.memory_space<vmem>>
      %dma_start3A_457 = tpu.memref_squeeze %dma_start3A_456 : memref<1x128x64xf32, #tpu.memory_space<vmem>> -> memref<128x64xf32, #tpu.memory_space<vmem>>
      tpu.enqueue_dma source(%dma_start3A_457 : memref<128x64xf32, #tpu.memory_space<vmem>>) target(%dma_start3A_453 : memref<128x64xf32, #tpu.memory_space<hbm>>) target_semaphore(%arg18 : memref<!tpu.dma_semaphore, #tpu.memory_space<semaphore_mem>>)
      %add3A_458 = arith.constant 2 : i32
      %add3A_459 = arith.addi %add3A_424, %add3A_458 : i32
      %lt3A_460 = arith.constant 200 : i32
      %lt3A_461 = arith.cmpi slt, %add3A_459, %lt3A_460 : i32
      %convert_element_type3A_462 = arith.extui %lt3A_461 : i1 to i32
      %cond3A_463 = arith.constant 0 : i32
      %cond3A_464 = arith.cmpi ne, %convert_element_type3A_462, %cond3A_463 : i32
      scf.if %cond3A_464 {
        %add3A_485 = arith.constant 2 : i32
        %add3A_486 = arith.addi %add3A_424, %add3A_485 : i32
        %mul3A_487 = arith.constant 128 : i32
        %mul3A_488 = arith.muli %add3A_486, %mul3A_487 : i32
        %add3A_489 = arith.addi %mul3A_2, %mul3A_488 : i32
        %rem3A_490 = arith.constant 25 : i32
        %rem3A_491 = arith.remsi %add3A_486, %rem3A_490 : i32
        %mul3A_492 = arith.constant 128 : i32
        %mul3A_493 = arith.muli %rem3A_491, %mul3A_492 : i32
        %dma_wait3A_494 = arith.constant 1 : i32
        %dma_wait3A_495 = arith.constant 0 : i32
        %dma_wait3A_496 = tpu.memref_slice %arg6[%dma_wait3A_494, %dma_wait3A_495] : memref<4x128xi32, #tpu.memory_space<vmem>> -> memref<1x128xi32, #tpu.memory_space<vmem>>
        %dma_wait3A_497 = tpu.memref_squeeze %dma_wait3A_496 : memref<1x128xi32, #tpu.memory_space<vmem>> -> memref<128xi32, #tpu.memory_space<vmem>>
        %dma_wait3A_498 = tpu.memref_slice %arg2[%add3A_489] : memref<819200xi32, #tpu.memory_space<hbm>> -> memref<128xi32, #tpu.memory_space<hbm>>
        %dma_wait3A_499 = arith.constant 0 : i32
        %dma_wait3A_500 = tpu.memref_slice %arg6[%dma_wait3A_494, %dma_wait3A_499] : memref<4x128xi32, #tpu.memory_space<vmem>> -> memref<1x128xi32, #tpu.memory_space<vmem>>
        %dma_wait3A_501 = tpu.memref_squeeze %dma_wait3A_500 : memref<1x128xi32, #tpu.memory_space<vmem>> -> memref<128xi32, #tpu.memory_space<vmem>>
        %dma_wait3A_502 = tpu.memref_slice %arg2[%add3A_489] : memref<819200xi32, #tpu.memory_space<hbm>> -> memref<128xi32, #tpu.memory_space<hbm>>
        tpu.wait_dma2 semaphore(%arg10 : memref<!tpu.dma_semaphore, #tpu.memory_space<semaphore_mem>>) src(%dma_wait3A_502 : memref<128xi32, #tpu.memory_space<hbm>>) dst(%dma_wait3A_501 : memref<128xi32, #tpu.memory_space<vmem>>)
        %dma_wait3A_503 = arith.constant 1 : i32
        %dma_wait3A_504 = arith.constant 0 : i32
        %dma_wait3A_505 = arith.constant 0 : i32
        %dma_wait3A_506 = tpu.memref_slice %arg8[%dma_wait3A_503, %dma_wait3A_504, %dma_wait3A_505] : memref<4x128x64xf32, #tpu.memory_space<vmem>> -> memref<1x128x64xf32, #tpu.memory_space<vmem>>
        %dma_wait3A_507 = tpu.memref_squeeze %dma_wait3A_506 : memref<1x128x64xf32, #tpu.memory_space<vmem>> -> memref<128x64xf32, #tpu.memory_space<vmem>>
        %dma_wait3A_508 = arith.constant 0 : i32
        %dma_wait3A_509 = tpu.memref_slice %arg4[%mul3A_493, %dma_wait3A_508] : memref<3200x64xf32, #tpu.memory_space<hbm>> -> memref<128x64xf32, #tpu.memory_space<hbm>>
        %dma_wait3A_510 = arith.constant 0 : i32
        %dma_wait3A_511 = arith.constant 0 : i32
        %dma_wait3A_512 = tpu.memref_slice %arg8[%dma_wait3A_503, %dma_wait3A_510, %dma_wait3A_511] : memref<4x128x64xf32, #tpu.memory_space<vmem>> -> memref<1x128x64xf32, #tpu.memory_space<vmem>>
        %dma_wait3A_513 = tpu.memref_squeeze %dma_wait3A_512 : memref<1x128x64xf32, #tpu.memory_space<vmem>> -> memref<128x64xf32, #tpu.memory_space<vmem>>
        %dma_wait3A_514 = arith.constant 0 : i32
        %dma_wait3A_515 = tpu.memref_slice %arg4[%mul3A_493, %dma_wait3A_514] : memref<3200x64xf32, #tpu.memory_space<hbm>> -> memref<128x64xf32, #tpu.memory_space<hbm>>
        tpu.wait_dma2 semaphore(%arg10 : memref<!tpu.dma_semaphore, #tpu.memory_space<semaphore_mem>>) src(%dma_wait3A_515 : memref<128x64xf32, #tpu.memory_space<hbm>>) dst(%dma_wait3A_513 : memref<128x64xf32, #tpu.memory_space<vmem>>)
        %dma_start3A_516 = arith.constant 1 : i32
        %dma_start3A_517 = arith.constant 1 : i32
        %dma_start3A_518 = arith.constant 0 : i32
        %dma_start3A_519 = arith.constant 0 : i32
        %dma_start3A_520 = tpu.memref_slice %arg7[%dma_start3A_517, %dma_start3A_518, %dma_start3A_519] : memref<2x128x128xf32, #tpu.memory_space<vmem>> -> memref<1x128x128xf32, #tpu.memory_space<vmem>>
        %dma_start3A_521 = tpu.memref_squeeze %dma_start3A_520 : memref<1x128x128xf32, #tpu.memory_space<vmem>> -> memref<128x128xf32, #tpu.memory_space<vmem>>
        %dma_start3A_522 = arith.constant 0 : i32
        %dma_start3A_523 = tpu.memref_slice %arg6[%dma_start3A_516, %dma_start3A_522] : memref<4x128xi32, #tpu.memory_space<vmem>> -> memref<1x128xi32, #tpu.memory_space<vmem>>
        %dma_start3A_524 = tpu.memref_squeeze %dma_start3A_523 : memref<1x128xi32, #tpu.memory_space<vmem>> -> memref<128xi32, #tpu.memory_space<vmem>>
        %dma_start3A_525 = arith.constant 0 : i32
        %dma_start3A_526 = arith.constant 0 : i32
        %dma_start3A_527 = tpu.memref_slice %arg3[%dma_start3A_525, %dma_start3A_526] : memref<1000000x128xf32, #tpu.memory_space<hbm>> -> memref<1000000x128xf32, #tpu.memory_space<hbm>>
        tpu.enqueue_indirect_dma source(%dma_start3A_527 : memref<1000000x128xf32, #tpu.memory_space<hbm>>) target(%dma_start3A_521 : memref<128x128xf32, #tpu.memory_space<vmem>>) offsets(%dma_start3A_524 : memref<128xi32, #tpu.memory_space<vmem>>) semaphore(%arg14 : memref<!tpu.dma_semaphore, #tpu.memory_space<semaphore_mem>>)
      } else {
      }
      %add3A_465 = arith.constant 3 : i32
      %add3A_466 = arith.addi %add3A_424, %add3A_465 : i32
      %lt3A_467 = arith.constant 200 : i32
      %lt3A_468 = arith.cmpi slt, %add3A_466, %lt3A_467 : i32
      %ge3A_469 = arith.constant 1 : i32
      %ge3A_470 = arith.cmpi sge, %add3A_424, %ge3A_469 : i32
      %and3A_471 = arith.andi %lt3A_468, %ge3A_470 : i1
      %convert_element_type3A_472 = arith.extui %and3A_471 : i1 to i32
      %cond3A_473 = arith.constant 0 : i32
      %cond3A_474 = arith.cmpi ne, %convert_element_type3A_472, %cond3A_473 : i32
      scf.if %cond3A_474 {
        %sub3A = arith.constant 1 : i32
        %sub3A_485 = arith.subi %add3A_424, %sub3A : i32
        %mul3A_486 = arith.constant 128 : i32
        %mul3A_487 = arith.muli %sub3A_485, %mul3A_486 : i32
        %add3A_488 = arith.addi %mul3A_2, %mul3A_487 : i32
        %dma_wait3A_489 = arith.constant 2 : i32
        %dma_wait3A_490 = arith.constant 0 : i32
        %dma_wait3A_491 = arith.constant 0 : i32
        %dma_wait3A_492 = tpu.memref_slice %arg8[%dma_wait3A_489, %dma_wait3A_490, %dma_wait3A_491] : memref<4x128x64xf32, #tpu.memory_space<vmem>> -> memref<1x128x64xf32, #tpu.memory_space<vmem>>
        %dma_wait3A_493 = tpu.memref_squeeze %dma_wait3A_492 : memref<1x128x64xf32, #tpu.memory_space<vmem>> -> memref<128x64xf32, #tpu.memory_space<vmem>>
        %dma_wait3A_494 = arith.constant 0 : i32
        %dma_wait3A_495 = tpu.memref_slice %arg5[%add3A_488, %dma_wait3A_494] : memref<819200x64xf32, #tpu.memory_space<hbm>> -> memref<128x64xf32, #tpu.memory_space<hbm>>
        %dma_wait3A_496 = arith.constant 0 : i32
        %dma_wait3A_497 = tpu.memref_slice %arg5[%add3A_488, %dma_wait3A_496] : memref<819200x64xf32, #tpu.memory_space<hbm>> -> memref<128x64xf32, #tpu.memory_space<hbm>>
        %dma_wait3A_498 = arith.constant 0 : i32
        %dma_wait3A_499 = arith.constant 0 : i32
        %dma_wait3A_500 = tpu.memref_slice %arg8[%dma_wait3A_489, %dma_wait3A_498, %dma_wait3A_499] : memref<4x128x64xf32, #tpu.memory_space<vmem>> -> memref<1x128x64xf32, #tpu.memory_space<vmem>>
        %dma_wait3A_501 = tpu.memref_squeeze %dma_wait3A_500 : memref<1x128x64xf32, #tpu.memory_space<vmem>> -> memref<128x64xf32, #tpu.memory_space<vmem>>
        tpu.wait_dma2 semaphore(%arg17 : memref<!tpu.dma_semaphore, #tpu.memory_space<semaphore_mem>>) src(%dma_wait3A_501 : memref<128x64xf32, #tpu.memory_space<vmem>>) dst(%dma_wait3A_497 : memref<128x64xf32, #tpu.memory_space<hbm>>)
        %add3A_502 = arith.constant 3 : i32
        %add3A_503 = arith.addi %add3A_424, %add3A_502 : i32
        %mul3A_504 = arith.constant 128 : i32
        %mul3A_505 = arith.muli %add3A_503, %mul3A_504 : i32
        %add3A_506 = arith.addi %mul3A_2, %mul3A_505 : i32
        %rem3A_507 = arith.constant 25 : i32
        %rem3A_508 = arith.remsi %add3A_503, %rem3A_507 : i32
        %mul3A_509 = arith.constant 128 : i32
        %mul3A_510 = arith.muli %rem3A_508, %mul3A_509 : i32
        %dma_start3A_511 = arith.constant 2 : i32
        %dma_start3A_512 = arith.constant 0 : i32
        %dma_start3A_513 = tpu.memref_slice %arg6[%dma_start3A_511, %dma_start3A_512] : memref<4x128xi32, #tpu.memory_space<vmem>> -> memref<1x128xi32, #tpu.memory_space<vmem>>
        %dma_start3A_514 = tpu.memref_squeeze %dma_start3A_513 : memref<1x128xi32, #tpu.memory_space<vmem>> -> memref<128xi32, #tpu.memory_space<vmem>>
        %dma_start3A_515 = tpu.memref_slice %arg2[%add3A_506] : memref<819200xi32, #tpu.memory_space<hbm>> -> memref<128xi32, #tpu.memory_space<hbm>>
        %dma_start3A_516 = arith.constant 0 : i32
        %dma_start3A_517 = tpu.memref_slice %arg6[%dma_start3A_511, %dma_start3A_516] : memref<4x128xi32, #tpu.memory_space<vmem>> -> memref<1x128xi32, #tpu.memory_space<vmem>>
        %dma_start3A_518 = tpu.memref_squeeze %dma_start3A_517 : memref<1x128xi32, #tpu.memory_space<vmem>> -> memref<128xi32, #tpu.memory_space<vmem>>
        %dma_start3A_519 = tpu.memref_slice %arg2[%add3A_506] : memref<819200xi32, #tpu.memory_space<hbm>> -> memref<128xi32, #tpu.memory_space<hbm>>
        tpu.enqueue_dma source(%dma_start3A_519 : memref<128xi32, #tpu.memory_space<hbm>>) target(%dma_start3A_518 : memref<128xi32, #tpu.memory_space<vmem>>) target_semaphore(%arg11 : memref<!tpu.dma_semaphore, #tpu.memory_space<semaphore_mem>>)
        %dma_start3A_520 = arith.constant 2 : i32
        %dma_start3A_521 = arith.constant 0 : i32
        %dma_start3A_522 = arith.constant 0 : i32
        %dma_start3A_523 = tpu.memref_slice %arg8[%dma_start3A_520, %dma_start3A_521, %dma_start3A_522] : memref<4x128x64xf32, #tpu.memory_space<vmem>> -> memref<1x128x64xf32, #tpu.memory_space<vmem>>
        %dma_start3A_524 = tpu.memref_squeeze %dma_start3A_523 : memref<1x128x64xf32, #tpu.memory_space<vmem>> -> memref<128x64xf32, #tpu.memory_space<vmem>>
        %dma_start3A_525 = arith.constant 0 : i32
        %dma_start3A_526 = tpu.memref_slice %arg4[%mul3A_510, %dma_start3A_525] : memref<3200x64xf32, #tpu.memory_space<hbm>> -> memref<128x64xf32, #tpu.memory_space<hbm>>
        %dma_start3A_527 = arith.constant 0 : i32
        %dma_start3A_528 = arith.constant 0 : i32
        %dma_start3A_529 = tpu.memref_slice %arg8[%dma_start3A_520, %dma_start3A_527, %dma_start3A_528] : memref<4x128x64xf32, #tpu.memory_space<vmem>> -> memref<1x128x64xf32, #tpu.memory_space<vmem>>
        %dma_start3A_530 = tpu.memref_squeeze %dma_start3A_529 : memref<1x128x64xf32, #tpu.memory_space<vmem>> -> memref<128x64xf32, #tpu.memory_space<vmem>>
        %dma_start3A_531 = arith.constant 0 : i32
        %dma_start3A_532 = tpu.memref_slice %arg4[%mul3A_510, %dma_start3A_531] : memref<3200x64xf32, #tpu.memory_space<hbm>> -> memref<128x64xf32, #tpu.memory_space<hbm>>
        tpu.enqueue_dma source(%dma_start3A_532 : memref<128x64xf32, #tpu.memory_space<hbm>>) target(%dma_start3A_530 : memref<128x64xf32, #tpu.memory_space<vmem>>) target_semaphore(%arg11 : memref<!tpu.dma_semaphore, #tpu.memory_space<semaphore_mem>>)
      } else {
      }
      %add3A_475 = arith.constant 3 : i32
      %add3A_476 = arith.addi %add3A_424, %add3A_475 : i32
      %lt3A_477 = arith.constant 200 : i32
      %lt3A_478 = arith.cmpi slt, %add3A_476, %lt3A_477 : i32
      %lt3A_479 = arith.constant 1 : i32
      %lt3A_480 = arith.cmpi slt, %add3A_424, %lt3A_479 : i32
      %and3A_481 = arith.andi %lt3A_478, %lt3A_480 : i1
      %convert_element_type3A_482 = arith.extui %and3A_481 : i1 to i32
      %cond3A_483 = arith.constant 0 : i32
      %cond3A_484 = arith.cmpi ne, %convert_element_type3A_482, %cond3A_483 : i32
      scf.if %cond3A_484 {
        %add3A_485 = arith.constant 3 : i32
        %add3A_486 = arith.addi %add3A_424, %add3A_485 : i32
        %mul3A_487 = arith.constant 128 : i32
        %mul3A_488 = arith.muli %add3A_486, %mul3A_487 : i32
        %add3A_489 = arith.addi %mul3A_2, %mul3A_488 : i32
        %rem3A_490 = arith.constant 25 : i32
        %rem3A_491 = arith.remsi %add3A_486, %rem3A_490 : i32
        %mul3A_492 = arith.constant 128 : i32
        %mul3A_493 = arith.muli %rem3A_491, %mul3A_492 : i32
        %dma_start3A_494 = arith.constant 2 : i32
        %dma_start3A_495 = arith.constant 0 : i32
        %dma_start3A_496 = tpu.memref_slice %arg6[%dma_start3A_494, %dma_start3A_495] : memref<4x128xi32, #tpu.memory_space<vmem>> -> memref<1x128xi32, #tpu.memory_space<vmem>>
        %dma_start3A_497 = tpu.memref_squeeze %dma_start3A_496 : memref<1x128xi32, #tpu.memory_space<vmem>> -> memref<128xi32, #tpu.memory_space<vmem>>
        %dma_start3A_498 = tpu.memref_slice %arg2[%add3A_489] : memref<819200xi32, #tpu.memory_space<hbm>> -> memref<128xi32, #tpu.memory_space<hbm>>
        %dma_start3A_499 = arith.constant 0 : i32
        %dma_start3A_500 = tpu.memref_slice %arg6[%dma_start3A_494, %dma_start3A_499] : memref<4x128xi32, #tpu.memory_space<vmem>> -> memref<1x128xi32, #tpu.memory_space<vmem>>
        %dma_start3A_501 = tpu.memref_squeeze %dma_start3A_500 : memref<1x128xi32, #tpu.memory_space<vmem>> -> memref<128xi32, #tpu.memory_space<vmem>>
        %dma_start3A_502 = tpu.memref_slice %arg2[%add3A_489] : memref<819200xi32, #tpu.memory_space<hbm>> -> memref<128xi32, #tpu.memory_space<hbm>>
        tpu.enqueue_dma source(%dma_start3A_502 : memref<128xi32, #tpu.memory_space<hbm>>) target(%dma_start3A_501 : memref<128xi32, #tpu.memory_space<vmem>>) target_semaphore(%arg11 : memref<!tpu.dma_semaphore, #tpu.memory_space<semaphore_mem>>)
        %dma_start3A_503 = arith.constant 2 : i32
        %dma_start3A_504 = arith.constant 0 : i32
        %dma_start3A_505 = arith.constant 0 : i32
        %dma_start3A_506 = tpu.memref_slice %arg8[%dma_start3A_503, %dma_start3A_504, %dma_start3A_505] : memref<4x128x64xf32, #tpu.memory_space<vmem>> -> memref<1x128x64xf32, #tpu.memory_space<vmem>>
        %dma_start3A_507 = tpu.memref_squeeze %dma_start3A_506 : memref<1x128x64xf32, #tpu.memory_space<vmem>> -> memref<128x64xf32, #tpu.memory_space<vmem>>
        %dma_start3A_508 = arith.constant 0 : i32
        %dma_start3A_509 = tpu.memref_slice %arg4[%mul3A_493, %dma_start3A_508] : memref<3200x64xf32, #tpu.memory_space<hbm>> -> memref<128x64xf32, #tpu.memory_space<hbm>>
        %dma_start3A_510 = arith.constant 0 : i32
        %dma_start3A_511 = arith.constant 0 : i32
        %dma_start3A_512 = tpu.memref_slice %arg8[%dma_start3A_503, %dma_start3A_510, %dma_start3A_511] : memref<4x128x64xf32, #tpu.memory_space<vmem>> -> memref<1x128x64xf32, #tpu.memory_space<vmem>>
        %dma_start3A_513 = tpu.memref_squeeze %dma_start3A_512 : memref<1x128x64xf32, #tpu.memory_space<vmem>> -> memref<128x64xf32, #tpu.memory_space<vmem>>
        %dma_start3A_514 = arith.constant 0 : i32
        %dma_start3A_515 = tpu.memref_slice %arg4[%mul3A_493, %dma_start3A_514] : memref<3200x64xf32, #tpu.memory_space<hbm>> -> memref<128x64xf32, #tpu.memory_space<hbm>>
        tpu.enqueue_dma source(%dma_start3A_515 : memref<128x64xf32, #tpu.memory_space<hbm>>) target(%dma_start3A_513 : memref<128x64xf32, #tpu.memory_space<vmem>>) target_semaphore(%arg11 : memref<!tpu.dma_semaphore, #tpu.memory_space<semaphore_mem>>)
      } else {
      }
    }
    %scan3A_172 = arith.constant 50 : i32
    %add3A_173 = arith.constant 25088 : i32
    %add3A_174 = arith.addi %mul3A_2, %add3A_173 : i32
    %dma_wait3A_175 = arith.constant 0 : i32
    %dma_wait3A_176 = arith.constant 0 : i32
    %dma_wait3A_177 = arith.constant 0 : i32
    %dma_wait3A_178 = tpu.memref_slice %arg8[%dma_wait3A_175, %dma_wait3A_176, %dma_wait3A_177] : memref<4x128x64xf32, #tpu.memory_space<vmem>> -> memref<1x128x64xf32, #tpu.memory_space<vmem>>
    %dma_wait3A_179 = tpu.memref_squeeze %dma_wait3A_178 : memref<1x128x64xf32, #tpu.memory_space<vmem>> -> memref<128x64xf32, #tpu.memory_space<vmem>>
    %dma_wait3A_180 = arith.constant 0 : i32
    %dma_wait3A_181 = tpu.memref_slice %arg5[%add3A_174, %dma_wait3A_180] : memref<819200x64xf32, #tpu.memory_space<hbm>> -> memref<128x64xf32, #tpu.memory_space<hbm>>
    %dma_wait3A_182 = arith.constant 0 : i32
    %dma_wait3A_183 = tpu.memref_slice %arg5[%add3A_174, %dma_wait3A_182] : memref<819200x64xf32, #tpu.memory_space<hbm>> -> memref<128x64xf32, #tpu.memory_space<hbm>>
    %dma_wait3A_184 = arith.constant 0 : i32
    %dma_wait3A_185 = arith.constant 0 : i32
    %dma_wait3A_186 = tpu.memref_slice %arg8[%dma_wait3A_175, %dma_wait3A_184, %dma_wait3A_185] : memref<4x128x64xf32, #tpu.memory_space<vmem>> -> memref<1x128x64xf32, #tpu.memory_space<vmem>>
    %dma_wait3A_187 = tpu.memref_squeeze %dma_wait3A_186 : memref<1x128x64xf32, #tpu.memory_space<vmem>> -> memref<128x64xf32, #tpu.memory_space<vmem>>
    tpu.wait_dma2 semaphore(%arg15 : memref<!tpu.dma_semaphore, #tpu.memory_space<semaphore_mem>>) src(%dma_wait3A_187 : memref<128x64xf32, #tpu.memory_space<vmem>>) dst(%dma_wait3A_183 : memref<128x64xf32, #tpu.memory_space<hbm>>)
    %add3A_188 = arith.constant 25216 : i32
    %add3A_189 = arith.addi %mul3A_2, %add3A_188 : i32
    %dma_wait3A_190 = arith.constant 1 : i32
    %dma_wait3A_191 = arith.constant 0 : i32
    %dma_wait3A_192 = arith.constant 0 : i32
    %dma_wait3A_193 = tpu.memref_slice %arg8[%dma_wait3A_190, %dma_wait3A_191, %dma_wait3A_192] : memref<4x128x64xf32, #tpu.memory_space<vmem>> -> memref<1x128x64xf32, #tpu.memory_space<vmem>>
    %dma_wait3A_194 = tpu.memref_squeeze %dma_wait3A_193 : memref<1x128x64xf32, #tpu.memory_space<vmem>> -> memref<128x64xf32, #tpu.memory_space<vmem>>
    %dma_wait3A_195 = arith.constant 0 : i32
    %dma_wait3A_196 = tpu.memref_slice %arg5[%add3A_189, %dma_wait3A_195] : memref<819200x64xf32, #tpu.memory_space<hbm>> -> memref<128x64xf32, #tpu.memory_space<hbm>>
    %dma_wait3A_197 = arith.constant 0 : i32
    %dma_wait3A_198 = tpu.memref_slice %arg5[%add3A_189, %dma_wait3A_197] : memref<819200x64xf32, #tpu.memory_space<hbm>> -> memref<128x64xf32, #tpu.memory_space<hbm>>
    %dma_wait3A_199 = arith.constant 0 : i32
    %dma_wait3A_200 = arith.constant 0 : i32
    %dma_wait3A_201 = tpu.memref_slice %arg8[%dma_wait3A_190, %dma_wait3A_199, %dma_wait3A_200] : memref<4x128x64xf32, #tpu.memory_space<vmem>> -> memref<1x128x64xf32, #tpu.memory_space<vmem>>
    %dma_wait3A_202 = tpu.memref_squeeze %dma_wait3A_201 : memref<1x128x64xf32, #tpu.memory_space<vmem>> -> memref<128x64xf32, #tpu.memory_space<vmem>>
    tpu.wait_dma2 semaphore(%arg16 : memref<!tpu.dma_semaphore, #tpu.memory_space<semaphore_mem>>) src(%dma_wait3A_202 : memref<128x64xf32, #tpu.memory_space<vmem>>) dst(%dma_wait3A_198 : memref<128x64xf32, #tpu.memory_space<hbm>>)
    %add3A_203 = arith.constant 25344 : i32
    %add3A_204 = arith.addi %mul3A_2, %add3A_203 : i32
    %dma_wait3A_205 = arith.constant 2 : i32
    %dma_wait3A_206 = arith.constant 0 : i32
    %dma_wait3A_207 = arith.constant 0 : i32
    %dma_wait3A_208 = tpu.memref_slice %arg8[%dma_wait3A_205, %dma_wait3A_206, %dma_wait3A_207] : memref<4x128x64xf32, #tpu.memory_space<vmem>> -> memref<1x128x64xf32, #tpu.memory_space<vmem>>
    %dma_wait3A_209 = tpu.memref_squeeze %dma_wait3A_208 : memref<1x128x64xf32, #tpu.memory_space<vmem>> -> memref<128x64xf32, #tpu.memory_space<vmem>>
    %dma_wait3A_210 = arith.constant 0 : i32
    %dma_wait3A_211 = tpu.memref_slice %arg5[%add3A_204, %dma_wait3A_210] : memref<819200x64xf32, #tpu.memory_space<hbm>> -> memref<128x64xf32, #tpu.memory_space<hbm>>
    %dma_wait3A_212 = arith.constant 0 : i32
    %dma_wait3A_213 = tpu.memref_slice %arg5[%add3A_204, %dma_wait3A_212] : memref<819200x64xf32, #tpu.memory_space<hbm>> -> memref<128x64xf32, #tpu.memory_space<hbm>>
    %dma_wait3A_214 = arith.constant 0 : i32
    %dma_wait3A_215 = arith.constant 0 : i32
    %dma_wait3A_216 = tpu.memref_slice %arg8[%dma_wait3A_205, %dma_wait3A_214, %dma_wait3A_215] : memref<4x128x64xf32, #tpu.memory_space<vmem>> -> memref<1x128x64xf32, #tpu.memory_space<vmem>>
    %dma_wait3A_217 = tpu.memref_squeeze %dma_wait3A_216 : memref<1x128x64xf32, #tpu.memory_space<vmem>> -> memref<128x64xf32, #tpu.memory_space<vmem>>
    tpu.wait_dma2 semaphore(%arg17 : memref<!tpu.dma_semaphore, #tpu.memory_space<semaphore_mem>>) src(%dma_wait3A_217 : memref<128x64xf32, #tpu.memory_space<vmem>>) dst(%dma_wait3A_213 : memref<128x64xf32, #tpu.memory_space<hbm>>)
    %add3A_218 = arith.constant 25472 : i32
    %add3A_219 = arith.addi %mul3A_2, %add3A_218 : i32
    %dma_wait3A_220 = arith.constant 3 : i32
    %dma_wait3A_221 = arith.constant 0 : i32
    %dma_wait3A_222 = arith.constant 0 : i32
    %dma_wait3A_223 = tpu.memref_slice %arg8[%dma_wait3A_220, %dma_wait3A_221, %dma_wait3A_222] : memref<4x128x64xf32, #tpu.memory_space<vmem>> -> memref<1x128x64xf32, #tpu.memory_space<vmem>>
    %dma_wait3A_224 = tpu.memref_squeeze %dma_wait3A_223 : memref<1x128x64xf32, #tpu.memory_space<vmem>> -> memref<128x64xf32, #tpu.memory_space<vmem>>
    %dma_wait3A_225 = arith.constant 0 : i32
    %dma_wait3A_226 = tpu.memref_slice %arg5[%add3A_219, %dma_wait3A_225] : memref<819200x64xf32, #tpu.memory_space<hbm>> -> memref<128x64xf32, #tpu.memory_space<hbm>>
    %dma_wait3A_227 = arith.constant 0 : i32
    %dma_wait3A_228 = tpu.memref_slice %arg5[%add3A_219, %dma_wait3A_227] : memref<819200x64xf32, #tpu.memory_space<hbm>> -> memref<128x64xf32, #tpu.memory_space<hbm>>
    %dma_wait3A_229 = arith.constant 0 : i32
    %dma_wait3A_230 = arith.constant 0 : i32
    %dma_wait3A_231 = tpu.memref_slice %arg8[%dma_wait3A_220, %dma_wait3A_229, %dma_wait3A_230] : memref<4x128x64xf32, #tpu.memory_space<vmem>> -> memref<1x128x64xf32, #tpu.memory_space<vmem>>
    %dma_wait3A_232 = tpu.memref_squeeze %dma_wait3A_231 : memref<1x128x64xf32, #tpu.memory_space<vmem>> -> memref<128x64xf32, #tpu.memory_space<vmem>>
    tpu.wait_dma2 semaphore(%arg18 : memref<!tpu.dma_semaphore, #tpu.memory_space<semaphore_mem>>) src(%dma_wait3A_232 : memref<128x64xf32, #tpu.memory_space<vmem>>) dst(%dma_wait3A_228 : memref<128x64xf32, #tpu.memory_space<hbm>>)
    return
  }
}

</mosaic_0001>

<sc_bundles>
// kernel: _embed.3.cloned.1.call-start
scs
__scs_entry_jumppad:
0x0: {  	(pc) =	sbr.rel $0x88, $3  }
0x1: {  	(tag) =	ssettag $0x0;
	lr =	simm.s32 $0x1  }
0x2: {  	[smem:$0x3F9E] =	sst lr;
	_ =	strace $0xD0000000  }
0x3: {  	_ = 	snop  }
0x4: {  	_ = 	snop  }
0x5: {  	_ = 	snop  }
0x6: {  	_ = 	snop  }
0x7: {  	_ = 	snop  }
__scs_overlays_trampoline_lowered:
0x8: {  	[smem:$0x3FAD] =	sst s0  }
0x9: {  	[smem:$0x3FAE] =	sst s1  }
0xa: {  	[smem:$0x3FAF] =	sst s2  }
0xb: {  	[smem:$0x3FB0] =	sst s3  }
0xc: {  	[smem:$0x3FB1] =	sst s4  }
0xd: {  	[smem:$0x3FB2] =	sst s5  }
0xe: {  	[smem:$0x3FB3] =	sst s6  }
0xf: {  	[smem:$0x3FB4] =	sst s7  }
0x10: {  	[smem:$0x3FB5] =	sst s8  }
0x11: {  	[smem:$0x3FB6] =	sst s9;
	s0 =	simm.s32 @!p0 $0x0  }
0x12: {  	s1 =	sld [smem:$0x3F9C];
	s0 =	simm.s32 @p0 $0x1  }
0x13: {  	[smem:$0x3FB7] =	sst s0;
	s0 =	simm.s32 @!p1 $0x0  }
0x14: {  	s2 =	sld [smem:$0x3F9B];
	s0 =	simm.s32 @p1 $0x1  }
0x15: {  	[smem:$0x3FB8] =	sst s0;
	s0 =	simm.s32 @!p2 $0x0  }
0x16: {  	s3 =	sld [smem:$0x3FDB];
	s0 =	simm.s32 @p2 $0x1  }
0x17: {  	s4 =	simm.s32 $0x1BF5;
	[smem:$0x3FBA] =	sst s0  }
0x18: {  	s0 =	sld [smem:$0x3F9D];
	_ =	swait.ge [sflag:s4], $0x0  }
0x19: {  	s7 =	sld [smem:$0x3F9E]  }
0x1a: {  	s8 =	sadd.s32 $0xFFFFE003, lr  }
0x1b: {  	s9 =	sadd.s32 $0xFFFFFEF7, lr;
	s5 =	simm.s32 $0xFFFFFFFF;
	p2 =	slt.u32 s8, $0xFFFFF086  }
0x1c: {  	p1 =	slt.u32 s9, $0xF7A;
	s5 =	simm.s32 @!p2 $0x0  }
0x1d: {  	s5 =	simm.s32 @p1 $0x1;
	p0 =	seq.s32 s7, s2  }
0x1e: {  	s7 =	smul.u32 @!p0 $0xF7A, s2;
	p2 =	seq.s32 @!p0 s5, $0x0  }
0x1f: {  	s9 =	smul.u32 $0xF7A, s1;
	s8 =	simm.s32 @!p0 $0x1BF5;
	p2 =	por !p2, p0  }
0x20: {  	[sflag:s8] =	ssyncset.s32 @!p0 $0xFFFFF086;
	s6 =	sadd.s32 @!p0 s3, s7;
	s7 =	simm.s32 @!p0 $0x108  }
0x21: {  	s3 =	sadd.s32 s3, s9;
	s6 =	sadd.s32 @!p0 $0x88, s6;
	s7 =	simm.s32 @p2 $0x1082  }
0x22: {  	[simem:s7], [sflag:s8] =	dma.local @!p0 [hbm:s6], $0xF7A  }
0x23: {  	s9 =	sor.u32 $0xD0000000, s2;
	s6 =	simm.s32 $0x108;
	_ =	swait.ge @!p0 [sflag:s8], $0x0  }
0x24: {  	s3 =	sadd.s32 $0x88, s3;
	s6 =	simm.s32 @!p1 $0x1082;
	[sflag:s4] =	ssyncset.s32 $0xFFFFF086  }
0x25: {  	[simem:s6], [sflag:s4] =	dma.local [hbm:s3], $0xF7A  }
0x26: {  	[smem:$0x3F9E] =	sst s1;
	(tag) =	ssettag s2;
	_ =	strace s9  }
0x27: {  	s1 =	sld [smem:$0x3FAE]  }
0x28: {  	s2 =	sld [smem:$0x3FAF]  }
0x29: {  	s4 =	sld [smem:$0x3FB1]  }
0x2a: {  	p0 =	seq.s32 s5, $0x0;
	s5 =	sld [smem:$0x3FB2]  }
0x2b: {  	s6 =	sld [smem:$0x3FB3]  }
0x2c: {  	s7 =	sld [smem:$0x3FB4]  }
0x2d: {  	s3 =	simm.s32 $0x108;
	s8 =	sld [smem:$0x3FB5]  }
0x2e: {  	s3 =	simm.s32 @!p0 $0x1082;
	s9 =	sld [smem:$0x3FB6]  }
0x2f: {  	lr =	sadd.s32 s0, s3;
	s0 =	sld [smem:$0x3FAD]  }
0x30: {  	s3 =	sld [smem:$0x3FB0]  }
0x31: {  	[smem:$0x3FB9] =	sst s10  }
0x32: {  	s10 =	sld [smem:$0x3FB7];
	_ =	sdelay $0x3  }
0x33: {  	p0 =	seq.s32 s10, $0x1;
	s10 =	sld [smem:$0x3FB9];
	_ =	sdelay $0x3  }
0x34: {  	[smem:$0x3FB9] =	sst s10  }
0x35: {  	s10 =	sld [smem:$0x3FB8];
	_ =	sdelay $0x3  }
0x36: {  	p1 =	seq.s32 s10, $0x1;
	s10 =	sld [smem:$0x3FB9];
	_ =	sdelay $0x3  }
0x37: {  	[smem:$0x3FB9] =	sst s10  }
0x38: {  	s10 =	sld [smem:$0x3FBA]  }
0x39: {  	_ = 	snop;
	(pc) =	sbr.ind lr, $3  }
0x3a: {  	_ = 	snop  }
0x3b: {  	_ = 	snop  }
0x3c: {  	p2 =	seq.s32 s10, $0x1;
	s10 =	sld [smem:$0x3FB9]  }
0x3d: {  	_ =	shalt  }
0x3e: {  	_ =	shalt  }
0x3f: {  	_ =	shalt  }
0x40: {  	_ =	shalt  }
0x41: {  	_ =	shalt  }
0x42: {  	_ =	shalt  }
0x43: {  	_ =	shalt  }
0x44: {  	_ =	shalt  }
0x45: {  	_ =	shalt  }
0x46: {  	_ =	shalt  }
0x47: {  	_ =	shalt  }
0x48: {  	_ =	shalt  }
0x49: {  	_ =	shalt  }
0x4a: {  	_ =	shalt  }
0x4b: {  	_ =	shalt  }
0x4c: {  	_ =	shalt  }
0x4d: {  	_ =	shalt  }
0x4e: {  	_ =	shalt  }
0x4f: {  	_ =	shalt  }
0x50: {  	_ =	shalt  }
0x51: {  	_ =	shalt  }
0x52: {  	_ =	shalt  }
0x53: {  	_ =	shalt  }
0x54: {  	_ =	shalt  }
0x55: {  	_ =	shalt  }
0x56: {  	_ =	shalt  }
0x57: {  	_ =	shalt  }
0x58: {  	_ =	shalt  }
0x59: {  	_ =	shalt  }
0x5a: {  	_ =	shalt  }
0x5b: {  	_ =	shalt  }
0x5c: {  	_ =	shalt  }
0x5d: {  	_ =	shalt  }
0x5e: {  	_ =	shalt  }
0x5f: {  	_ =	shalt  }
0x60: {  	_ =	shalt  }
0x61: {  	_ =	shalt  }
0x62: {  	_ =	shalt  }
0x63: {  	_ =	shalt  }
0x64: {  	_ =	shalt  }
0x65: {  	_ =	shalt  }
0x66: {  	_ =	shalt  }
0x67: {  	_ =	shalt  }
0x68: {  	_ =	shalt  }
0x69: {  	_ =	shalt  }
0x6a: {  	_ =	shalt  }
0x6b: {  	_ =	shalt  }
0x6c: {  	_ =	shalt  }
0x6d: {  	_ =	shalt  }
0x6e: {  	_ =	shalt  }
0x6f: {  	_ =	shalt  }
0x70: {  	_ =	shalt  }
0x71: {  	_ =	shalt  }
0x72: {  	_ =	shalt  }
0x73: {  	_ =	shalt  }
0x74: {  	_ =	shalt  }
0x75: {  	_ =	shalt  }
0x76: {  	_ =	shalt  }
0x77: {  	_ =	shalt  }
0x78: {  	_ =	shalt  }
0x79: {  	_ =	shalt  }
0x7a: {  	_ =	shalt  }
0x7b: {  	_ =	shalt  }
0x7c: {  	_ =	shalt  }
0x7d: {  	_ =	shalt  }
0x7e: {  	_ =	shalt  }
0x7f: {  	_ =	shalt  }
0x80: {  	_ =	shalt  }
0x81: {  	_ =	shalt  }
0x82: {  	_ =	shalt  }
0x83: {  	_ =	shalt  }
0x84: {  	_ =	shalt  }
0x85: {  	_ =	shalt  }
0x86: {  	_ =	shalt  }
0x87: {  	_ =	shalt  }
.Lfunc_end0:
.L_simem_size_0:
called_computation_lowered:
.L_overlay_start_0:
0x88: {  	s2 =	sld [smem:$0x3FD9]  }
0x89: {  	s3 =	sld [smem:$0x3FFE];
	_ =	sdelay $0x1  }
0x8a: {  	s1 =	srdreg.scid  }
0x8b: {  	s0 =	sand.u32 $0x1, s1  }
0x8c: {  	s17 =	sshll.u32 s0, $0xA;
	s2 =	sadd.s32 s3, s2  }
0x8d: {  	s2 =	sadd.s32 s2, s17  }
0x8e: {  	[smem:$0x3FC5] =	sst s2  }
0x8f: {  	_ = 	snop  }
0x90: {  	s2 =	sld [smem:$0x3FC9]  }
0x91: {  	s18 =	sld [smem:$0x3FC8]  }
0x92: {  	s4 =	sld [smem:$0x3FD0];
	(tm) =	ssettm $0x1  }
0x93: {  	s5 =	sld [smem:$0x3FFB];
	_ =	sdelay $0x3  }
0x94: {  	_ =	strace s5  }
0x95: {  	s5 =	sld [smem:$0x3FFC];
	_ =	sdelay $0x3  }
0x96: {  	_ =	strace s5  }
0x97: {  	s5 =	sld [smem:$0x3FFD];
	_ =	sdelay $0x3  }
0x98: {  	_ =	strace s5  }
0x99: {  	_ =	strace $0x8FFFFFFF  }
0x9a: {  	s19 =	sld [smem:$0x3FDB];
	_ =	sdelay $0x1  }
0x9b: {  	s6 =	simm.s32 $_scs_section_size  }
0x9c: {  	s7 =	simm.s32 $_size__tile_overlayer_lowered;
	s8 =	simm.s32 $_tile_overlayer_lowered  }
0x9d: {  	s22 =	simm.s32 $0x1BFF;
	s21 =	sshll.u32 s8, $0x1;
	s5 =	sadd.s32 s6, s19  }
0x9e: {  	s9 =	simm.s32 $0x0;
	s20 =	sshll.u32 s7, $0x1;
	s7 =	sadd.s32 s21, s5  }
0x9f: {  	[timem:s9], [sflag:s22] =	dma.local [hbm:s7], s20  }
0xa0: {  	_ =	swait.ge [sflag:s22], s20  }
0xa1: {  	s6 =	ssub.s32 $0x0, s20;
	[sflag:s22] =	ssyncset.done $0x0  }
0xa2: {  	[sflag:s22] =	ssyncadd.s32 s6;
	_ =	sdelay $0x1  }
0xa3: {  	s23 =	simm.s32 $0x1B8B  }
0xa4: {  	_ =	swait.ge [sflag:s23], $0x1  }
0xa5: {  	[sflag:s23] =	ssyncset.done $0x0  }
0xa6: {  	s25 =	simm.s32 $0x1B8E;
	s24 =	sld [smem:$0x3FFE];
	[sflag:s23] =	ssyncadd.s32 $0xFFFFFFFF  }
0xa7: {  	s26 =	simm.s32 $execute0_lowered;
	[smem:$0x3FD2] =	sst s25  }
0xa8: {  	s7 =	sshll.u32 s26, $0x1;
	_ =	strace $0x80000046;
	[dreg:$0x1] =	wrdreg $0xFFFFFFFF  }
0xa9: {  	s28 =	simm.s32 $_size_execute0_lowered;
	s5 =	sadd.s32 s5, s7;
	[dreg:$0x0] =	wrdreg $0x0  }
0xaa: {  	s7 =	sshll.u32 s28, $0x1;
	[dreg:$0x2] =	wrdreg s5  }
0xab: {  	[dreg:$0x3] =	wrdreg s7  }
0xac: {  	[dreg:$0x4] =	wrdreg $0xC0  }
0xad: {  	_ =	task [dreg:s9], $0x5FFFF  }
0xae: {  	[dreg:$0x1] =	wrdreg $0xFFFFFFFF  }
0xaf: {  	[dreg:$0x0] =	wrdreg $0x60  }
0xb0: {  	[dreg:$0x2] =	wrdreg s2  }
0xb1: {  	[dreg:$0x3] =	wrdreg s18  }
0xb2: {  	[dreg:$0x4] =	wrdreg s4  }
0xb3: {  	[dreg:$0x5] =	wrdreg s24  }
0xb4: {  	[dreg:$0x6] =	wrdreg $0x9  }
0xb5: {  	_ =	task.clear_ibuf [dreg:s9], $0x7FFFF;
	_ =	strace $0x90000046  }
0xb6: {  	s29 =	simm.s32 $0x9;
	_ =	strace $0x80000048  }
0xb7: {  	_ =	swait.ge [sflag:s29], $0x1  }
0xb8: {  	[sflag:s29] =	ssyncadd.s32 $0xFFFFFFFF  }
0xb9: {  	_ =	strace $0x90000048  }
0xba: {  	_ =	sfence  }
0xbb: {  	s30 =	sld [smem:$0x0];
	_ =	sdelay $0x2  }
0xbc: {  	s31 =	sshll.u32 s1, $0xD;
	s1 =	sshrl.u32 s1, $0x2  }
0xbd: {  	s3 =	sand.u32 $0x4000, s31;
	s1 =	sadd.s32 s1, s30  }
0xbe: {  	s0 =	sor.u32 s3, s0;
	s1 =	sshll.u32 s1, $0x11  }
0xbf: {  	s0 =	sor.u32 s1, s0  }
0xc0: {  	s0 =	sadd.s32 $0x8F2B, s0  }
0xc1: {  	[sflag:s0] =	ssyncadd.remote.s32 $0x1  }
0xc2: {  	_ =	sfence.sel $0xFFFF  }
0xc3: {  	[dreg:$0x0] =	wrdreg $0xFFFFFFFF;
	(pc) =	sbr.abs _section_cstart, $3  }
0xc4: {  	[dreg:$0x1] =	wrdreg $0xFFFFFFFF  }
0xc5: {  	_ =	task.clear_ibuf [dreg:s9], $0x2FFFF;
	_ =	strace $0x9FFFFFFF  }
0xc6: {  	(tm) =	ssettm $0x7FFFFFFF  }
0xc7: {  	_ =	shalt  }
tec
execute0_lowered:
.L_overlay_start_1:
0x0: {  	(tag) =	ssettag $0x1  }
0x1: {  	s1 =	rddreg [dreg:$0x0]  }
0x2: {  	s2 =	rddreg [dreg:$0x1]  }
0x3: {  	s0 =	srdreg.scid;
	s4 =	rddreg [dreg:$0x2]  }
0x4: {  	s3 =	stileid.u32;
	s7 =	rddreg [dreg:$0x3]  }
0x5: {  	s5 =	simm.s32 $0x0;
	s20 =	simm.s32 $0x80;
	s22 =	simm.s32 $0x100  }
0x6: {  	s28 =	simm.s32 $0x4200;
	s29 =	simm.s32 $0x5;
	s30 =	simm.s32 $0x3  }
0x7: {  	s31 =	simm.s32 $0x14200;
	s13 =	simm.s32 $0x9;
	s10 =	simm.s32 $0x0  }
0x8: {  	s0 =	sand.u32 $0x1, s0;
	s3 =	sshll.u32 s3, $0x1;
	[smem:$0x7FF] =	sst s5  }
0x9: {  	s7 =	sadd.s32 $0x400, s7;
	s24 =	sadd.s32 $0x800, s4;
	s26 =	sadd.s32 $0x1000, s4  }
0xa: {  	s15 =	sadd.s32 $0x1800, s4;
	_ =	strace $0x80000047;
	[dreg:$0x7] =	wrdreg s24  }
0xb: {  	s3 =	sor.u32 s0, s3;
	s0 =	ssub.s32 $0x2, s0;
	[dreg:$0x9] =	wrdreg s26  }
0xc: {  	s26 =	simm.s32 $0x2;
	s6 =	smul.u32 $0x6400, s3;
	s8 =	sshrl.u32 s0, $0x1  }
0xd: {  	s11 =	smul.u32 $0x320000, s3;
	s3 =	simm.s32 $0x6;
	s0 =	ssub.s32 s0, s8  }
.Ltmp0:
0xe: {  	s9 =	sshrl.u32 s6, $0x3;
	s0 =	smax.u32 s0, $0x1;
	(pc) =	sbr.rel .LBB2_1-.Ltmp0, $4  }
0xf: {  	s16 =	sor.u32 $0x4000, s11;
	s23 =	sadd.s32 s1, s9;
	[dreg:$0xa] =	wrdreg s0  }
0x10: {  	s17 =	sor.u32 $0x8000, s11;
	s9 =	sadd.s32 $0x10, s23;
	[dreg:$0x5] =	wrdreg s23  }
0x11: {  	s0 =	simm.s32 $0x4;
	s25 =	sadd.s32 $0x20, s23;
	[dreg:$0x6] =	wrdreg s9  }
0x12: {  	s14 =	sadd.s32 $0x30, s23;
	s23 =	simm.s32 $0x10200;
	[dreg:$0x8] =	wrdreg s25  }
.LBB2_12:
0x13: {  	s8 =	simm.s32 $0x7  }
0x14: {  	_ =	swait.ge [sflag:s8], $0x4000  }
0x15: {  	[sflag:s8] =	ssyncset.done $0x0  }
0x16: {  	s24 =	simm.s32 $0x8;
	[sflag:s8] =	ssyncadd.s32 $0xFFFFC000  }
0x17: {  	_ =	swait.ge [sflag:s24], $0x4000  }
0x18: {  	[sflag:s24] =	ssyncset.done $0x0  }
0x19: {  	[sflag:s24] =	ssyncadd.s32 $0xFFFFC000  }
0x1a: {  	_ =	swait.ge [sflag:s13], $0x4000  }
0x1b: {  	[sflag:s13] =	ssyncset.done $0x0  }
0x1c: {  	s9 =	simm.s32 $0xA;
	[sflag:s13] =	ssyncadd.s32 $0xFFFFC000  }
0x1d: {  	_ =	swait.ge [sflag:s9], $0x4000  }
0x1e: {  	s10 =	rddreg [dreg:$0xb]  }
0x1f: {  	s25 =	rddreg [dreg:$0xa];
	s10 =	sadd.s32 $0x1, s10  }
0x20: {  	p0 =	sne.s32 s10, s25  }
.Ltmp1:
0x21: {  	_ = 	snop;
	(pc) =	sbr.rel @!p0 .LBB2_13-.Ltmp1, $3  }
0x22: {  	_ =	sdelay $0x1  }
0x23: {  	[sflag:s9] =	ssyncset.done $0x0  }
0x24: {  	[sflag:s9] =	ssyncadd.s32 $0xFFFFC000  }
.LBB2_1:
0x25: {  	s8 =	rddreg [dreg:$0x5]  }
0x26: {  	[tilespmem:s5], [sflag:$0x1] =	stream.linear.gather [hbm4b:s8+s5], $0x80, $0x38;
	[tilespmem:$0x18200] =	vst v63  }
0x27: {  	[dreg:$0xb] =	wrdreg s10;
	s10 =	simm.s32 $0x8200  }
0x28: {  	[tilespmem:s10], [sflag:$0x1] =	stream.linear.gather [hbm4b:s4+s5], $0x4000, $0x38;
	[tilespmem:$0x18200] =	vst v63  }
0x29: {  	s12 =	rddreg [dreg:$0x6]  }
0x2a: {  	[tilespmem:s20], [sflag:$0x2] =	stream.linear.gather [hbm4b:s12+s5], $0x80, $0x38;
	[tilespmem:$0x18200] =	vst v63  }
0x2b: {  	s18 =	rddreg [dreg:$0x7];
	s9 =	simm.s32 $0xC200  }
0x2c: {  	[tilespmem:s9], [sflag:$0x2] =	stream.linear.gather [hbm4b:s18+s5], $0x4000, $0x38;
	[tilespmem:$0x18200] =	vst v63  }
0x2d: {  	s19 =	rddreg [dreg:$0x8]  }
0x2e: {  	[tilespmem:s22], [sflag:$0x3] =	stream.linear.gather [hbm4b:s19+s5], $0x80, $0x38;
	[tilespmem:$0x18200] =	vst v63  }
0x2f: {  	s21 =	rddreg [dreg:$0x9];
	s24 =	simm.s32 $0x1  }
0x30: {  	[tilespmem:s23], [sflag:$0x3] =	stream.linear.gather [hbm4b:s21+s5], $0x4000, $0x38;
	[tilespmem:$0x18200] =	vst v63  }
0x31: {  	_ =	swait.ge [sflag:s24], $0x80  }
0x32: {  	[sflag:s24] =	ssyncset.done $0x0  }
0x33: {  	[sflag:s24] =	ssyncadd.s32 $0xFFFFFF80  }
0x34: {  	_ =	swait.ge [sflag:s24], $0x4000  }
0x35: {  	[sflag:s24] =	ssyncset.done $0x0  }
0x36: {  	s25 =	simm.s32 $0x200;
	[sflag:s24] =	ssyncadd.s32 $0xFFFFC000  }
0x37: {  	[tilespmem:s25], [sflag:$0x5] =	stream.indirect.gather [hbm4b:s2+s20], $0x80, s5, s20, $0xb8;
	[tilespmem:$0x18200] =	vst v63  }
0x38: {  	_ =	swait.ge [sflag:s26], $0x80  }
0x39: {  	[sflag:s26] =	ssyncset.done $0x0  }
0x3a: {  	[sflag:s26] =	ssyncadd.s32 $0xFFFFFF80  }
0x3b: {  	_ =	swait.ge [sflag:s26], $0x4000  }
0x3c: {  	[sflag:s26] =	ssyncset.done $0x0  }
0x3d: {  	s10 =	simm.s32 $0x0;
	[sflag:s26] =	ssyncadd.s32 $0xFFFFC000  }
0x3e: {  	[tilespmem:s28], [sflag:$0x6] =	stream.indirect.gather [hbm4b:s2+s20], $0x80, s20, s20, $0xb8;
	[tilespmem:$0x18200] =	vst v63  }
.LBB2_2:
0x3f: {  	_ =	swait.ge [sflag:s29], $0x4000  }
0x40: {  	[sflag:s29] =	ssyncset.done $0x0  }
0x41: {  	s12 =	simm.s32 $0x0;
	s8 =	simm.s32 $0x800;
	[sflag:s29] =	ssyncadd.s32 $0xFFFFC000  }
.LBB2_3:
0x42: {  	p0 =	sne.s32 s8, $0xF800;
	v0 =	vld [tilespmem:s12+$0x3B0]  }
0x43: {  	v1 =	vld [tilespmem:s12+$0x200]  }
0x44: {  	v2 =	vld [tilespmem:s12+$0x210]  }
0x45: {  	v3 =	vld [tilespmem:s12+$0x220]  }
0x46: {  	v4 =	vld [tilespmem:s12+$0x230]  }
0x47: {  	[tilespmem:s12+$0x83B0] =	vst.add.f32.msk $0xffff, v0  }
0x48: {  	v0 =	vld [tilespmem:s12+$0x280]  }
0x49: {  	v5 =	vld [tilespmem:s12+$0x290]  }
0x4a: {  	v6 =	vld [tilespmem:s12+$0x2A0]  }
0x4b: {  	v7 =	vld [tilespmem:s12+$0x2B0]  }
0x4c: {  	v8 =	vld [tilespmem:s12+$0x300]  }
0x4d: {  	v9 =	vld [tilespmem:s12+$0x310]  }
0x4e: {  	v10 =	vld [tilespmem:s12+$0x320]  }
0x4f: {  	v11 =	vld [tilespmem:s12+$0x330]  }
0x50: {  	v12 =	vld [tilespmem:s12+$0x380]  }
0x51: {  	v13 =	vld [tilespmem:s12+$0x390]  }
0x52: {  	v14 =	vld [tilespmem:s12+$0x3A0]  }
0x53: {  	[tilespmem:s12+$0x8200] =	vst.add.f32.msk $0xffff, v1  }
0x54: {  	[tilespmem:s12+$0x8210] =	vst.add.f32.msk $0xffff, v2  }
0x55: {  	[tilespmem:s12+$0x8220] =	vst.add.f32.msk $0xffff, v3  }
0x56: {  	[tilespmem:s12+$0x8230] =	vst.add.f32.msk $0xffff, v4  }
0x57: {  	[tilespmem:s12+$0x8280] =	vst.add.f32.msk $0xffff, v0  }
0x58: {  	[tilespmem:s12+$0x8290] =	vst.add.f32.msk $0xffff, v5  }
0x59: {  	[tilespmem:s12+$0x82A0] =	vst.add.f32.msk $0xffff, v6  }
0x5a: {  	[tilespmem:s12+$0x82B0] =	vst.add.f32.msk $0xffff, v7  }
0x5b: {  	[tilespmem:s12+$0x8300] =	vst.add.f32.msk $0xffff, v8  }
0x5c: {  	[tilespmem:s12+$0x8310] =	vst.add.f32.msk $0xffff, v9  }
.Ltmp2:
0x5d: {  	[tilespmem:s12+$0x8320] =	vst.add.f32.msk $0xffff, v10;
	(pc) =	sbr.rel @p0 .LBB2_3-.Ltmp2, $4  }
0x5e: {  	[tilespmem:s12+$0x8330] =	vst.add.f32.msk $0xffff, v11  }
0x5f: {  	[tilespmem:s12+$0x8380] =	vst.add.f32.msk $0xffff, v12  }
0x60: {  	[tilespmem:s12+$0x8390] =	vst.add.f32.msk $0xffff, v13  }
0x61: {  	[tilespmem:s12+$0x83A0] =	vst.add.f32.msk $0xffff, v14;
	s12 =	sshra.s32 s8, $0x2;
	s8 =	sadd.s32 $0x800, s8  }
0x62: {  	v0 =	vld [tilespmem:s12+$0x3B0]  }
0x63: {  	v1 =	vld [tilespmem:s12+$0x200]  }
0x64: {  	v2 =	vld [tilespmem:s12+$0x210]  }
0x65: {  	v3 =	vld [tilespmem:s12+$0x220]  }
0x66: {  	v4 =	vld [tilespmem:s12+$0x230]  }
0x67: {  	v63 =	vld [tilespmem:s12+$0x280]  }
0x68: {  	v5 =	vld [tilespmem:s12+$0x290]  }
0x69: {  	v6 =	vld [tilespmem:s12+$0x2A0]  }
0x6a: {  	v7 =	vld [tilespmem:s12+$0x2B0]  }
0x6b: {  	v8 =	vld [tilespmem:s12+$0x300]  }
0x6c: {  	v9 =	vld [tilespmem:s12+$0x310]  }
0x6d: {  	v10 =	vld [tilespmem:s12+$0x320]  }
0x6e: {  	v11 =	vld [tilespmem:s12+$0x330]  }
0x6f: {  	v12 =	vld [tilespmem:s12+$0x380]  }
0x70: {  	v13 =	vld [tilespmem:s12+$0x390]  }
0x71: {  	v14 =	vld [tilespmem:s12+$0x3A0]  }
0x72: {  	[tilespmem:s12+$0x83B0] =	vst.add.f32.msk $0xffff, v0  }
0x73: {  	[tilespmem:s12+$0x8200] =	vst.add.f32.msk $0xffff, v1  }
0x74: {  	[tilespmem:s12+$0x8210] =	vst.add.f32.msk $0xffff, v2  }
0x75: {  	[tilespmem:s12+$0x8220] =	vst.add.f32.msk $0xffff, v3  }
0x76: {  	[tilespmem:s12+$0x8230] =	vst.add.f32.msk $0xffff, v4  }
0x77: {  	[tilespmem:s12+$0x8280] =	vst.add.f32.msk $0xffff, v63  }
0x78: {  	[tilespmem:s12+$0x8290] =	vst.add.f32.msk $0xffff, v5  }
0x79: {  	[tilespmem:s12+$0x82A0] =	vst.add.f32.msk $0xffff, v6  }
0x7a: {  	[tilespmem:s12+$0x82B0] =	vst.add.f32.msk $0xffff, v7  }
0x7b: {  	[tilespmem:s12+$0x8300] =	vst.add.f32.msk $0xffff, v8  }
0x7c: {  	[tilespmem:s12+$0x8310] =	vst.add.f32.msk $0xffff, v9  }
0x7d: {  	[tilespmem:s12+$0x8320] =	vst.add.f32.msk $0xffff, v10  }
0x7e: {  	s24 =	sshll.u32 s10, $0x10;
	[tilespmem:s12+$0x8330] =	vst.add.f32.msk $0xffff, v11  }
0x7f: {  	s8 =	sadd.s32 s11, s24;
	[tilespmem:s12+$0x8380] =	vst.add.f32.msk $0xffff, v12  }
0x80: {  	s8 =	sshrl.u32 s8, $0x3;
	[tilespmem:s12+$0x8390] =	vst.add.f32.msk $0xffff, v13  }
0x81: {  	s9 =	simm.s32 $0x8200;
	s8 =	sadd.s32 s7, s8;
	[tilespmem:s12+$0x83A0] =	vst.add.f32.msk $0xffff, v14  }
0x82: {  	[hbm4b:s8+s5] =	stream.linear.scatter [tilespmem:s9], [sflag:$0x7], $0x4000, $0x38;
	[tilespmem:$0x18200] =	vst v63  }
0x83: {  	_ =	swait.ge [sflag:s30], $0x80  }
0x84: {  	[sflag:s30] =	ssyncset.done $0x0  }
0x85: {  	[sflag:s30] =	ssyncadd.s32 $0xFFFFFF80  }
0x86: {  	_ =	swait.ge [sflag:s30], $0x4000  }
0x87: {  	[sflag:s30] =	ssyncset.done $0x0  }
0x88: {  	s21 =	simm.s32 $0x200;
	p0 =	seq.s32 s10, $0x0;
	[sflag:s30] =	ssyncadd.s32 $0xFFFFC000  }
0x89: {  	[tilespmem:s21], [sflag:$0x5] =	stream.indirect.gather [hbm4b:s2+s20], $0x80, s22, s20, $0xb8;
	[tilespmem:$0x18200] =	vst v63  }
0x8a: {  	s12 =	sshllo.u32 s10, $0x2;
	s8 =	simm.s32 @p0 $0x0;
	s9 =	simm.s32 @p0 $0x180  }
0x8b: {  	[tilespmem:s9], [sflag:$0x4] =	stream.linear.gather @p0 [hbm4b:s14+s8], $0x80, $0x38;
	[tilespmem:$0x18200] =	vst v63  }
0x8c: {  	s8 =	simm.s32 @!p0 $0xA;
	s9 =	sshll.u32 @!p0 s12, $0x7  }
0x8d: {  	s18 =	smulhi.u32 @!p0 $0x51EB851F, s12;
	_ =	swait.ge @!p0 [sflag:s8], $0x4000;
	s9 =	sadd.s32 @!p0 s6, s9  }
0x8e: {  	[sflag:s8] =	ssyncset.done @!p0 $0x0;
	s9 =	sshrl.u32 @!p0 s9, $0x3  }
0x8f: {  	[sflag:s8] =	ssyncadd.s32 @!p0 $0xFFFFC000;
	s8 =	sadd.s32 @!p0 s1, s9;
	s9 =	sshrl.u32 @!p0 s18, $0x3  }
0x90: {  	s19 =	simm.s32 @!p0 $0x180;
	s18 =	simm.s32 @!p0 $0x0;
	s9 =	smul.u32 @!p0 $0x19, s9  }
0x91: {  	[tilespmem:s19], [sflag:$0x4] =	stream.linear.gather @!p0 [hbm4b:s8+s18], $0x80, $0x38;
	[tilespmem:$0x18200] =	vst v63  }
0x92: {  	s8 =	ssub.s32 @!p0 s12, s9  }
0x93: {  	s8 =	sshll.u32 @!p0 s8, $0xB  }
0x94: {  	s8 =	sadd.s32 @!p0 s4, s8  }
0x95: {  	s25 =	simm.s32 $0x0;
	s8 =	smov.u32 @p0 s15  }
0x96: {  	[tilespmem:s31], [sflag:$0x4] =	stream.linear.gather [hbm4b:s8+s25], $0x4000, $0x38;
	[tilespmem:$0x18200] =	vst v63  }
0x97: {  	_ =	swait.ge [sflag:s3], $0x4000  }
0x98: {  	s18 =	sshll.u32 s10, $0x2;
	[sflag:s3] =	ssyncset.done $0x0  }
0x99: {  	s9 =	simm.s32 $0x800;
	s8 =	simm.s32 $0x0;
	[sflag:s3] =	ssyncadd.s32 $0xFFFFC000  }
.LBB2_5:
0x9a: {  	p0 =	sne.s32 s9, $0xF800;
	v0 =	vld [tilespmem:s8+$0x43B0]  }
0x9b: {  	v1 =	vld [tilespmem:s8+$0x4200]  }
0x9c: {  	v2 =	vld [tilespmem:s8+$0x4210]  }
0x9d: {  	v3 =	vld [tilespmem:s8+$0x4220]  }
0x9e: {  	v4 =	vld [tilespmem:s8+$0x4230]  }
0x9f: {  	[tilespmem:s8+$0xC3B0] =	vst.add.f32.msk $0xffff, v0  }
0xa0: {  	v0 =	vld [tilespmem:s8+$0x4280]  }
0xa1: {  	v5 =	vld [tilespmem:s8+$0x4290]  }
0xa2: {  	v6 =	vld [tilespmem:s8+$0x42A0]  }
0xa3: {  	v7 =	vld [tilespmem:s8+$0x42B0]  }
0xa4: {  	v8 =	vld [tilespmem:s8+$0x4300]  }
0xa5: {  	v9 =	vld [tilespmem:s8+$0x4310]  }
0xa6: {  	v10 =	vld [tilespmem:s8+$0x4320]  }
0xa7: {  	v11 =	vld [tilespmem:s8+$0x4330]  }
0xa8: {  	v12 =	vld [tilespmem:s8+$0x4380]  }
0xa9: {  	v13 =	vld [tilespmem:s8+$0x4390]  }
0xaa: {  	v14 =	vld [tilespmem:s8+$0x43A0]  }
0xab: {  	[tilespmem:s8+$0xC200] =	vst.add.f32.msk $0xffff, v1  }
0xac: {  	[tilespmem:s8+$0xC210] =	vst.add.f32.msk $0xffff, v2  }
0xad: {  	[tilespmem:s8+$0xC220] =	vst.add.f32.msk $0xffff, v3  }
0xae: {  	[tilespmem:s8+$0xC230] =	vst.add.f32.msk $0xffff, v4  }
0xaf: {  	[tilespmem:s8+$0xC280] =	vst.add.f32.msk $0xffff, v0  }
0xb0: {  	[tilespmem:s8+$0xC290] =	vst.add.f32.msk $0xffff, v5  }
0xb1: {  	[tilespmem:s8+$0xC2A0] =	vst.add.f32.msk $0xffff, v6  }
0xb2: {  	[tilespmem:s8+$0xC2B0] =	vst.add.f32.msk $0xffff, v7  }
0xb3: {  	[tilespmem:s8+$0xC300] =	vst.add.f32.msk $0xffff, v8  }
0xb4: {  	[tilespmem:s8+$0xC310] =	vst.add.f32.msk $0xffff, v9  }
.Ltmp3:
0xb5: {  	[tilespmem:s8+$0xC320] =	vst.add.f32.msk $0xffff, v10;
	(pc) =	sbr.rel @p0 .LBB2_5-.Ltmp3, $4  }
0xb6: {  	[tilespmem:s8+$0xC330] =	vst.add.f32.msk $0xffff, v11  }
0xb7: {  	[tilespmem:s8+$0xC380] =	vst.add.f32.msk $0xffff, v12  }
0xb8: {  	[tilespmem:s8+$0xC390] =	vst.add.f32.msk $0xffff, v13  }
0xb9: {  	[tilespmem:s8+$0xC3A0] =	vst.add.f32.msk $0xffff, v14;
	s8 =	sshra.s32 s9, $0x2;
	s9 =	sadd.s32 $0x800, s9  }
0xba: {  	v0 =	vld [tilespmem:s8+$0x43B0]  }
0xbb: {  	v1 =	vld [tilespmem:s8+$0x4200]  }
0xbc: {  	v2 =	vld [tilespmem:s8+$0x4210]  }
0xbd: {  	v3 =	vld [tilespmem:s8+$0x4220]  }
0xbe: {  	v4 =	vld [tilespmem:s8+$0x4230]  }
0xbf: {  	v63 =	vld [tilespmem:s8+$0x4280]  }
0xc0: {  	v5 =	vld [tilespmem:s8+$0x4290]  }
0xc1: {  	v6 =	vld [tilespmem:s8+$0x42A0]  }
0xc2: {  	v7 =	vld [tilespmem:s8+$0x42B0]  }
0xc3: {  	v8 =	vld [tilespmem:s8+$0x4300]  }
0xc4: {  	v9 =	vld [tilespmem:s8+$0x4310]  }
0xc5: {  	v10 =	vld [tilespmem:s8+$0x4320]  }
0xc6: {  	v11 =	vld [tilespmem:s8+$0x4330]  }
0xc7: {  	v12 =	vld [tilespmem:s8+$0x4380]  }
0xc8: {  	v13 =	vld [tilespmem:s8+$0x4390]  }
0xc9: {  	v14 =	vld [tilespmem:s8+$0x43A0]  }
0xca: {  	[tilespmem:s8+$0xC3B0] =	vst.add.f32.msk $0xffff, v0  }
0xcb: {  	[tilespmem:s8+$0xC200] =	vst.add.f32.msk $0xffff, v1  }
0xcc: {  	[tilespmem:s8+$0xC210] =	vst.add.f32.msk $0xffff, v2  }
0xcd: {  	[tilespmem:s8+$0xC220] =	vst.add.f32.msk $0xffff, v3  }
0xce: {  	[tilespmem:s8+$0xC230] =	vst.add.f32.msk $0xffff, v4  }
0xcf: {  	[tilespmem:s8+$0xC280] =	vst.add.f32.msk $0xffff, v63  }
0xd0: {  	[tilespmem:s8+$0xC290] =	vst.add.f32.msk $0xffff, v5  }
0xd1: {  	[tilespmem:s8+$0xC2A0] =	vst.add.f32.msk $0xffff, v6  }
0xd2: {  	[tilespmem:s8+$0xC2B0] =	vst.add.f32.msk $0xffff, v7  }
0xd3: {  	[tilespmem:s8+$0xC300] =	vst.add.f32.msk $0xffff, v8  }
0xd4: {  	[tilespmem:s8+$0xC310] =	vst.add.f32.msk $0xffff, v9  }
0xd5: {  	[tilespmem:s8+$0xC320] =	vst.add.f32.msk $0xffff, v10  }
0xd6: {  	[tilespmem:s8+$0xC330] =	vst.add.f32.msk $0xffff, v11  }
0xd7: {  	s9 =	sadd.s32 s24, s16;
	[tilespmem:s8+$0xC380] =	vst.add.f32.msk $0xffff, v12  }
0xd8: {  	s9 =	sshrl.u32 s9, $0x3;
	[tilespmem:s8+$0xC390] =	vst.add.f32.msk $0xffff, v13  }
0xd9: {  	s21 =	simm.s32 $0xC200;
	s19 =	sadd.s32 s7, s9;
	[tilespmem:s8+$0xC3A0] =	vst.add.f32.msk $0xffff, v14  }
0xda: {  	[hbm4b:s19+s5] =	stream.linear.scatter [tilespmem:s21], [sflag:$0x8], $0x4000, $0x38;
	[tilespmem:$0x18200] =	vst v63  }
0xdb: {  	_ =	swait.ge [sflag:s0], $0x80  }
0xdc: {  	p0 =	seq.s32 s10, $0x31;
	[sflag:s0] =	ssyncset.done $0x0  }
0xdd: {  	s8 =	sadd.s32 @!p0 $0x4, s18;
	[sflag:s0] =	ssyncadd.s32 $0xFFFFFF80  }
0xde: {  	s9 =	smulhi.u32 @!p0 $0x51EB851F, s8;
	_ =	swait.ge [sflag:s0], $0x4000  }
0xdf: {  	s25 =	simm.s32 $0x180;
	[sflag:s0] =	ssyncset.done $0x0  }
0xe0: {  	s19 =	simm.s32 @!p0 $0x7;
	s9 =	sshrl.u32 @!p0 s9, $0x3;
	[sflag:s0] =	ssyncadd.s32 $0xFFFFC000  }
0xe1: {  	[tilespmem:s28], [sflag:$0x6] =	stream.indirect.gather [hbm4b:s2+s20], $0x80, s25, s20, $0xb8;
	[tilespmem:$0x18200] =	vst v63  }
0xe2: {  	s21 =	sshll.u32 @!p0 s8, $0x7;
	s9 =	smul.u32 @!p0 $0x19, s9;
	_ =	swait.ge @!p0 [sflag:s19], $0x4000  }
0xe3: {  	s21 =	sadd.s32 @!p0 s6, s21;
	[sflag:s19] =	ssyncset.done @!p0 $0x0  }
0xe4: {  	s8 =	ssub.s32 @!p0 s8, s9;
	[sflag:s19] =	ssyncadd.s32 @!p0 $0xFFFFC000;
	s19 =	sshrl.u32 @!p0 s21, $0x3  }
0xe5: {  	s8 =	sshll.u32 @!p0 s8, $0xB;
	s9 =	sadd.s32 @!p0 s1, s19;
	s19 =	simm.s32 @!p0 $0x0  }
0xe6: {  	[tilespmem:s19], [sflag:$0x1] =	stream.linear.gather @!p0 [hbm4b:s9+s19], $0x80, $0x38;
	[tilespmem:$0x18200] =	vst v63  }
0xe7: {  	s8 =	sadd.s32 @!p0 s4, s8;
	s9 =	simm.s32 @!p0 $0x8200  }
0xe8: {  	[tilespmem:s9], [sflag:$0x1] =	stream.linear.gather @!p0 [hbm4b:s8+s19], $0x4000, $0x38;
	[tilespmem:$0x18200] =	vst v63  }
0xe9: {  	_ =	swait.ge [sflag:s29], $0x4000  }
0xea: {  	[sflag:s29] =	ssyncset.done $0x0  }
0xeb: {  	s8 =	simm.s32 $0x0;
	s9 =	simm.s32 $0x800;
	[sflag:s29] =	ssyncadd.s32 $0xFFFFC000  }
.LBB2_7:
0xec: {  	p1 =	sne.s32 s9, $0xF800;
	v0 =	vld [tilespmem:s8+$0x3B0]  }
0xed: {  	v1 =	vld [tilespmem:s8+$0x200]  }
0xee: {  	v2 =	vld [tilespmem:s8+$0x210]  }
0xef: {  	v3 =	vld [tilespmem:s8+$0x220]  }
0xf0: {  	v4 =	vld [tilespmem:s8+$0x230]  }
0xf1: {  	[tilespmem:s8+$0x103B0] =	vst.add.f32.msk $0xffff, v0  }
0xf2: {  	v0 =	vld [tilespmem:s8+$0x280]  }
0xf3: {  	v5 =	vld [tilespmem:s8+$0x290]  }
0xf4: {  	v6 =	vld [tilespmem:s8+$0x2A0]  }
0xf5: {  	v7 =	vld [tilespmem:s8+$0x2B0]  }
0xf6: {  	v8 =	vld [tilespmem:s8+$0x300]  }
0xf7: {  	v9 =	vld [tilespmem:s8+$0x310]  }
0xf8: {  	v10 =	vld [tilespmem:s8+$0x320]  }
0xf9: {  	v11 =	vld [tilespmem:s8+$0x330]  }
0xfa: {  	v12 =	vld [tilespmem:s8+$0x380]  }
0xfb: {  	v13 =	vld [tilespmem:s8+$0x390]  }
0xfc: {  	v14 =	vld [tilespmem:s8+$0x3A0]  }
0xfd: {  	[tilespmem:s8+$0x10200] =	vst.add.f32.msk $0xffff, v1  }
0xfe: {  	[tilespmem:s8+$0x10210] =	vst.add.f32.msk $0xffff, v2  }
0xff: {  	[tilespmem:s8+$0x10220] =	vst.add.f32.msk $0xffff, v3  }
0x100: {  	[tilespmem:s8+$0x10230] =	vst.add.f32.msk $0xffff, v4  }
0x101: {  	[tilespmem:s8+$0x10280] =	vst.add.f32.msk $0xffff, v0  }
0x102: {  	[tilespmem:s8+$0x10290] =	vst.add.f32.msk $0xffff, v5  }
0x103: {  	[tilespmem:s8+$0x102A0] =	vst.add.f32.msk $0xffff, v6  }
0x104: {  	[tilespmem:s8+$0x102B0] =	vst.add.f32.msk $0xffff, v7  }
0x105: {  	[tilespmem:s8+$0x10300] =	vst.add.f32.msk $0xffff, v8  }
0x106: {  	[tilespmem:s8+$0x10310] =	vst.add.f32.msk $0xffff, v9  }
.Ltmp4:
0x107: {  	[tilespmem:s8+$0x10320] =	vst.add.f32.msk $0xffff, v10;
	(pc) =	sbr.rel @p1 .LBB2_7-.Ltmp4, $4  }
0x108: {  	[tilespmem:s8+$0x10330] =	vst.add.f32.msk $0xffff, v11  }
0x109: {  	[tilespmem:s8+$0x10380] =	vst.add.f32.msk $0xffff, v12  }
0x10a: {  	[tilespmem:s8+$0x10390] =	vst.add.f32.msk $0xffff, v13  }
0x10b: {  	[tilespmem:s8+$0x103A0] =	vst.add.f32.msk $0xffff, v14;
	s8 =	sshra.s32 s9, $0x2;
	s9 =	sadd.s32 $0x800, s9  }
0x10c: {  	v0 =	vld [tilespmem:s8+$0x3B0]  }
0x10d: {  	v1 =	vld [tilespmem:s8+$0x200]  }
0x10e: {  	v2 =	vld [tilespmem:s8+$0x210]  }
0x10f: {  	v3 =	vld [tilespmem:s8+$0x220]  }
0x110: {  	v4 =	vld [tilespmem:s8+$0x230]  }
0x111: {  	v63 =	vld [tilespmem:s8+$0x280]  }
0x112: {  	v5 =	vld [tilespmem:s8+$0x290]  }
0x113: {  	v6 =	vld [tilespmem:s8+$0x2A0]  }
0x114: {  	v7 =	vld [tilespmem:s8+$0x2B0]  }
0x115: {  	v8 =	vld [tilespmem:s8+$0x300]  }
0x116: {  	v9 =	vld [tilespmem:s8+$0x310]  }
0x117: {  	v10 =	vld [tilespmem:s8+$0x320]  }
0x118: {  	v11 =	vld [tilespmem:s8+$0x330]  }
0x119: {  	v12 =	vld [tilespmem:s8+$0x380]  }
0x11a: {  	v13 =	vld [tilespmem:s8+$0x390]  }
0x11b: {  	v14 =	vld [tilespmem:s8+$0x3A0]  }
0x11c: {  	[tilespmem:s8+$0x103B0] =	vst.add.f32.msk $0xffff, v0  }
0x11d: {  	[tilespmem:s8+$0x10200] =	vst.add.f32.msk $0xffff, v1  }
0x11e: {  	[tilespmem:s8+$0x10210] =	vst.add.f32.msk $0xffff, v2  }
0x11f: {  	[tilespmem:s8+$0x10220] =	vst.add.f32.msk $0xffff, v3  }
0x120: {  	[tilespmem:s8+$0x10230] =	vst.add.f32.msk $0xffff, v4  }
0x121: {  	[tilespmem:s8+$0x10280] =	vst.add.f32.msk $0xffff, v63  }
0x122: {  	[tilespmem:s8+$0x10290] =	vst.add.f32.msk $0xffff, v5  }
0x123: {  	[tilespmem:s8+$0x102A0] =	vst.add.f32.msk $0xffff, v6  }
0x124: {  	[tilespmem:s8+$0x102B0] =	vst.add.f32.msk $0xffff, v7  }
0x125: {  	[tilespmem:s8+$0x10300] =	vst.add.f32.msk $0xffff, v8  }
0x126: {  	[tilespmem:s8+$0x10310] =	vst.add.f32.msk $0xffff, v9  }
0x127: {  	[tilespmem:s8+$0x10320] =	vst.add.f32.msk $0xffff, v10  }
0x128: {  	[tilespmem:s8+$0x10330] =	vst.add.f32.msk $0xffff, v11  }
0x129: {  	s9 =	sadd.s32 s24, s17;
	[tilespmem:s8+$0x10380] =	vst.add.f32.msk $0xffff, v12  }
0x12a: {  	s9 =	sshrl.u32 s9, $0x3;
	[tilespmem:s8+$0x10390] =	vst.add.f32.msk $0xffff, v13  }
0x12b: {  	s25 =	sadd.s32 s7, s9;
	[tilespmem:s8+$0x103A0] =	vst.add.f32.msk $0xffff, v14;
	s8 =	simm.s32 @!p0 $0x1  }
0x12c: {  	[hbm4b:s25+s5] =	stream.linear.scatter [tilespmem:s23], [sflag:$0x9], $0x4000, $0x38;
	[tilespmem:$0x18200] =	vst v63  }
0x12d: {  	_ =	swait.ge @!p0 [sflag:s8], $0x80  }
0x12e: {  	[sflag:s8] =	ssyncset.done @!p0 $0x0  }
0x12f: {  	[sflag:s8] =	ssyncadd.s32 @!p0 $0xFFFFFF80  }
0x130: {  	s19 =	simm.s32 @!p0 $0x0;
	_ =	swait.ge @!p0 [sflag:s8], $0x4000  }
0x131: {  	s21 =	simm.s32 @!p0 $0x200;
	s9 =	sadd.s32 @!p0 $0x5, s18;
	[sflag:s8] =	ssyncset.done @!p0 $0x0  }
0x132: {  	s24 =	smulhi.u32 @!p0 $0x51EB851F, s9;
	[sflag:s8] =	ssyncadd.s32 @!p0 $0xFFFFC000;
	s8 =	simm.s32 @!p0 $0x80  }
0x133: {  	[tilespmem:s21], [sflag:$0x5] =	stream.indirect.gather @!p0 [hbm4b:s2+s8], $0x80, s19, s8, $0xb8;
	[tilespmem:$0x18200] =	vst v63  }
0x134: {  	s24 =	sshrl.u32 @!p0 s24, $0x3;
	s25 =	sshll.u32 @!p0 s9, $0x7;
	s21 =	simm.s32 @!p0 $0x8  }
0x135: {  	s24 =	smul.u32 @!p0 $0x19, s24;
	s25 =	sadd.s32 @!p0 s6, s25;
	_ =	swait.ge @!p0 [sflag:s21], $0x4000  }
0x136: {  	s25 =	sshrl.u32 @!p0 s25, $0x3;
	[sflag:s21] =	ssyncset.done @!p0 $0x0  }
0x137: {  	s9 =	ssub.s32 @!p0 s9, s24;
	[sflag:s21] =	ssyncadd.s32 @!p0 $0xFFFFC000;
	s21 =	sadd.s32 @!p0 s1, s25  }
0x138: {  	[tilespmem:s8], [sflag:$0x2] =	stream.linear.gather @!p0 [hbm4b:s21+s19], $0x80, $0x38;
	[tilespmem:$0x18200] =	vst v63  }
0x139: {  	s8 =	sshll.u32 @!p0 s9, $0xB  }
0x13a: {  	s9 =	simm.s32 @!p0 $0xC200;
	s8 =	sadd.s32 @!p0 s4, s8  }
0x13b: {  	[tilespmem:s9], [sflag:$0x2] =	stream.linear.gather @!p0 [hbm4b:s8+s19], $0x4000, $0x38;
	[tilespmem:$0x18200] =	vst v63  }
0x13c: {  	_ =	swait.ge [sflag:s3], $0x4000  }
0x13d: {  	[sflag:s3] =	ssyncset.done $0x0  }
0x13e: {  	s24 =	simm.s32 $0x0;
	s8 =	simm.s32 $0x800;
	[sflag:s3] =	ssyncadd.s32 $0xFFFFC000  }
.LBB2_9:
0x13f: {  	p1 =	sne.s32 s8, $0xF800;
	v0 =	vld [tilespmem:s24+$0x43B0]  }
0x140: {  	v1 =	vld [tilespmem:s24+$0x4200]  }
0x141: {  	v2 =	vld [tilespmem:s24+$0x4210]  }
0x142: {  	v3 =	vld [tilespmem:s24+$0x4220]  }
0x143: {  	v4 =	vld [tilespmem:s24+$0x4230]  }
0x144: {  	[tilespmem:s24+$0x143B0] =	vst.add.f32.msk $0xffff, v0  }
0x145: {  	v0 =	vld [tilespmem:s24+$0x4280]  }
0x146: {  	v5 =	vld [tilespmem:s24+$0x4290]  }
0x147: {  	v6 =	vld [tilespmem:s24+$0x42A0]  }
0x148: {  	v7 =	vld [tilespmem:s24+$0x42B0]  }
0x149: {  	v8 =	vld [tilespmem:s24+$0x4300]  }
0x14a: {  	v9 =	vld [tilespmem:s24+$0x4310]  }
0x14b: {  	v10 =	vld [tilespmem:s24+$0x4320]  }
0x14c: {  	v11 =	vld [tilespmem:s24+$0x4330]  }
0x14d: {  	v12 =	vld [tilespmem:s24+$0x4380]  }
0x14e: {  	v13 =	vld [tilespmem:s24+$0x4390]  }
0x14f: {  	v14 =	vld [tilespmem:s24+$0x43A0]  }
0x150: {  	[tilespmem:s24+$0x14200] =	vst.add.f32.msk $0xffff, v1  }
0x151: {  	[tilespmem:s24+$0x14210] =	vst.add.f32.msk $0xffff, v2  }
0x152: {  	[tilespmem:s24+$0x14220] =	vst.add.f32.msk $0xffff, v3  }
0x153: {  	[tilespmem:s24+$0x14230] =	vst.add.f32.msk $0xffff, v4  }
0x154: {  	[tilespmem:s24+$0x14280] =	vst.add.f32.msk $0xffff, v0  }
0x155: {  	[tilespmem:s24+$0x14290] =	vst.add.f32.msk $0xffff, v5  }
0x156: {  	[tilespmem:s24+$0x142A0] =	vst.add.f32.msk $0xffff, v6  }
0x157: {  	[tilespmem:s24+$0x142B0] =	vst.add.f32.msk $0xffff, v7  }
0x158: {  	[tilespmem:s24+$0x14300] =	vst.add.f32.msk $0xffff, v8  }
0x159: {  	[tilespmem:s24+$0x14310] =	vst.add.f32.msk $0xffff, v9  }
.Ltmp5:
0x15a: {  	[tilespmem:s24+$0x14320] =	vst.add.f32.msk $0xffff, v10;
	(pc) =	sbr.rel @p1 .LBB2_9-.Ltmp5, $4  }
0x15b: {  	[tilespmem:s24+$0x14330] =	vst.add.f32.msk $0xffff, v11  }
0x15c: {  	[tilespmem:s24+$0x14380] =	vst.add.f32.msk $0xffff, v12  }
0x15d: {  	[tilespmem:s24+$0x14390] =	vst.add.f32.msk $0xffff, v13  }
0x15e: {  	[tilespmem:s24+$0x143A0] =	vst.add.f32.msk $0xffff, v14;
	s24 =	sshra.s32 s8, $0x2;
	s8 =	sadd.s32 $0x800, s8  }
0x15f: {  	v0 =	vld [tilespmem:s24+$0x43B0]  }
0x160: {  	v1 =	vld [tilespmem:s24+$0x4200]  }
0x161: {  	v2 =	vld [tilespmem:s24+$0x4210]  }
0x162: {  	v3 =	vld [tilespmem:s24+$0x4220]  }
0x163: {  	v4 =	vld [tilespmem:s24+$0x4230]  }
0x164: {  	v63 =	vld [tilespmem:s24+$0x4280]  }
0x165: {  	v5 =	vld [tilespmem:s24+$0x4290]  }
0x166: {  	v6 =	vld [tilespmem:s24+$0x42A0]  }
0x167: {  	v7 =	vld [tilespmem:s24+$0x42B0]  }
0x168: {  	v8 =	vld [tilespmem:s24+$0x4300]  }
0x169: {  	v9 =	vld [tilespmem:s24+$0x4310]  }
0x16a: {  	v10 =	vld [tilespmem:s24+$0x4320]  }
0x16b: {  	v11 =	vld [tilespmem:s24+$0x4330]  }
0x16c: {  	v12 =	vld [tilespmem:s24+$0x4380]  }
0x16d: {  	v13 =	vld [tilespmem:s24+$0x4390]  }
0x16e: {  	v14 =	vld [tilespmem:s24+$0x43A0]  }
0x16f: {  	[tilespmem:s24+$0x143B0] =	vst.add.f32.msk $0xffff, v0  }
0x170: {  	[tilespmem:s24+$0x14200] =	vst.add.f32.msk $0xffff, v1  }
0x171: {  	[tilespmem:s24+$0x14210] =	vst.add.f32.msk $0xffff, v2  }
0x172: {  	[tilespmem:s24+$0x14220] =	vst.add.f32.msk $0xffff, v3  }
0x173: {  	[tilespmem:s24+$0x14230] =	vst.add.f32.msk $0xffff, v4  }
0x174: {  	[tilespmem:s24+$0x14280] =	vst.add.f32.msk $0xffff, v63  }
0x175: {  	[tilespmem:s24+$0x14290] =	vst.add.f32.msk $0xffff, v5  }
0x176: {  	[tilespmem:s24+$0x142A0] =	vst.add.f32.msk $0xffff, v6  }
0x177: {  	[tilespmem:s24+$0x142B0] =	vst.add.f32.msk $0xffff, v7  }
0x178: {  	[tilespmem:s24+$0x14300] =	vst.add.f32.msk $0xffff, v8  }
0x179: {  	[tilespmem:s24+$0x14310] =	vst.add.f32.msk $0xffff, v9  }
0x17a: {  	[tilespmem:s24+$0x14320] =	vst.add.f32.msk $0xffff, v10  }
.Ltmp6:
0x17b: {  	s8 =	sshll.u32 s12, $0xE;
	[tilespmem:s24+$0x14330] =	vst.add.f32.msk $0xffff, v11;
	(pc) =	sbr.rel @p0 .LBB2_12-.Ltmp6, $4  }
0x17c: {  	s8 =	sadd.s32 s11, s8;
	[tilespmem:s24+$0x14380] =	vst.add.f32.msk $0xffff, v12  }
0x17d: {  	s8 =	sshrl.u32 s8, $0x3;
	[tilespmem:s24+$0x14390] =	vst.add.f32.msk $0xffff, v13  }
0x17e: {  	s8 =	sadd.s32 s7, s8;
	[tilespmem:s24+$0x143A0] =	vst.add.f32.msk $0xffff, v14  }
0x17f: {  	[hbm4b:s8+s5] =	stream.linear.scatter [tilespmem:s31], [sflag:$0xA], $0x4000, $0x38;
	[tilespmem:$0x18200] =	vst v63  }
0x180: {  	_ =	swait.ge [sflag:s26], $0x80  }
0x181: {  	s8 =	sadd.s32 $0x6, s18;
	[sflag:s26] =	ssyncset.done $0x0  }
0x182: {  	s9 =	smulhi.u32 $0x51EB851F, s8;
	[sflag:s26] =	ssyncadd.s32 $0xFFFFFF80  }
0x183: {  	_ =	swait.ge [sflag:s26], $0x4000  }
0x184: {  	s12 =	sshll.u32 s8, $0x7;
	s9 =	sshrl.u32 s9, $0x3;
	[sflag:s26] =	ssyncset.done $0x0  }
0x185: {  	s12 =	sadd.s32 s6, s12;
	s9 =	smul.u32 $0x19, s9;
	[sflag:s26] =	ssyncadd.s32 $0xFFFFC000  }
0x186: {  	[tilespmem:s28], [sflag:$0x6] =	stream.indirect.gather [hbm4b:s2+s20], $0x80, s20, s20, $0xb8;
	[tilespmem:$0x18200] =	vst v63  }
0x187: {  	s12 =	sshrl.u32 s12, $0x3;
	_ =	swait.ge [sflag:s13], $0x4000  }
.Ltmp7:
0x188: {  	s8 =	ssub.s32 s8, s9;
	[sflag:s13] =	ssyncset.done $0x0;
	(pc) =	sbr.rel .LBB2_2-.Ltmp7, $4  }
0x189: {  	s25 =	sadd.s32 s1, s12;
	s8 =	sshll.u32 s8, $0xB;
	[sflag:s13] =	ssyncadd.s32 $0xFFFFC000  }
0x18a: {  	[tilespmem:s22], [sflag:$0x3] =	stream.linear.gather [hbm4b:s25+s5], $0x80, $0x38;
	[tilespmem:$0x18200] =	vst v63  }
0x18b: {  	s10 =	sadd.s32 $0x1, s10;
	s8 =	sadd.s32 s4, s8  }
0x18c: {  	[tilespmem:s23], [sflag:$0x3] =	stream.linear.gather [hbm4b:s8+s5], $0x4000, $0x38;
	[tilespmem:$0x18200] =	vst v63  }
.LBB2_13:
0x18d: {  	_ =	sfence.sel $0x180000  }
0x18e: {  	[bflag:$0x0] =	sbarrier.arrive $0xFFFF  }
0x18f: {  	_ =	strace $0x90000047  }
0x190: {  	s0 =	stileid.u32;
	[bflag:$0x2] =	sbarrier.arrive $0xFFFF  }
0x191: {  	p0 =	sne.s32 s0, $0x0;
	s0 =	rddreg [dreg:$0x4]  }
0x192: {  	s0 =	sadd.s32 @!p0 $0x100000, s0  }
0x193: {  	[sflag:s0] =	ssyncadd.tile.s32 @!p0 $0x1;
	_ =	shalt  }
.Lfunc_end2:
_tile_overlayer_lowered:
.L_overlay_start_2:
0x194: {  	(tag) =	ssettag $0x2  }
0x195: {  	s0 =	rddreg [dreg:$0x0];
	s2 =	stileid.u32  }
0x196: {  	s1 =	rddreg [dreg:$0x1];
	p0 =	sne.s32 s2, $0x0  }
0x197: {  	s3 =	rddreg [dreg:$0x2];
	[bflag:$0x3] =	sbarrier.arrive $0xFFFF;
	s2 =	simm.s32 @!p0 $0x1C0B  }
0x198: {  	[timem:s3], [sflag:s2] =	dma.local @!p0 [hbm:s0], s1  }
0x199: {  	s0 =	simm.s32 @!p0 $0xB  }
0x19a: {  	_ =	swait.ge @!p0 [sflag:s0], s1  }
0x19b: {  	s1 =	ssub.s32 @!p0 $0x0, s1;
	[sflag:s0] =	ssyncset.done @!p0 $0x0  }
0x19c: {  	[sflag:s0] =	ssyncadd.s32 @!p0 s1  }
0x19d: {  	[bflag:$0x3] =	sbarrier.arrive $0xFFFF  }
0x19e: {  	_ =	shalt  }

</sc_bundles>
